<compile_context>
chip_gen: v7x
topology: tpu7x:2x2x1
jax: 0.10.2.dev20260603
libtpu: 0.0.44.dev20260713+nightly
codegen_flags: <defaults>
</compile_context>

<pallas_src>
import functools

import jax
import jax.numpy as jnp
from jax import lax
from jax.experimental import pallas as pl
from jax.experimental.pallas import tpu as pltpu
from jax.experimental.pallas import tpu_sc as plsc

_NUM_EMB = 1024
_EDIM = 64
_BETA = 0.25

_info = plsc.get_sparse_core_info()
_NC, _NS = _info.num_cores, _info.num_subcores
_NW = _NC * _NS


def _argmin_body(x_ref, e_ref, idx_ref, loss_ref):
    b = pl.program_id(0)
    x = x_ref[0]
    e = e_ref[...]

    scores2 = lax.dot_general(
        x, e + e, (((0,), (1,)), ((), ())),
        preferred_element_type=jnp.float32)
    esq = jnp.sum(e * e, axis=1)
    xsq = jnp.sum(x * x, axis=0)
    d = (xsq[:, None] + esq[None, :]) - scores2

    m = jnp.min(d, axis=1)
    col_iota = lax.broadcasted_iota(jnp.int32, d.shape, 1)
    idx = jnp.min(jnp.where(d == m[:, None], col_iota, _NUM_EMB), axis=1)

    idx_ref[0, 0] = idx

    @pl.when(b == 0)
    def _():
        loss_ref[...] = jnp.zeros((1, 1), jnp.float32)
    loss_ref[...] += jnp.sum(m).reshape(1, 1)


def _argmin_call(x, embeddings):
    B = x.shape[0]
    hw = x.shape[2]
    return pl.pallas_call(
        _argmin_body,
        grid=(B,),
        in_specs=[
            pl.BlockSpec((1, _EDIM, hw), lambda b: (b, 0, 0)),
            pl.BlockSpec((_NUM_EMB, _EDIM), lambda b: (0, 0)),
        ],
        out_specs=[
            pl.BlockSpec((1, 1, hw), lambda b: (b, 0, 0)),
            pl.BlockSpec((1, 1), lambda b: (0, 0)),
        ],
        out_shape=[
            jax.ShapeDtypeStruct((B, 1, hw), jnp.int32),
            jax.ShapeDtypeStruct((1, 1), jnp.float32),
        ],
    )(x, embeddings)


def _make_sc_gather(B, hw):
    n_rows = B * hw
    bpw = n_rows // _NW
    mesh = plsc.VectorSubcoreMesh(core_axis_name="c", subcore_axis_name="s")

    @functools.partial(
        pl.kernel,
        mesh=mesh,
        out_type=jax.ShapeDtypeStruct((B, _EDIM, hw), jnp.float32),
        compiler_params=pltpu.CompilerParams(needs_layout_passes=False),
        scratch_types=[
            pltpu.VMEM((_NUM_EMB * _EDIM,), jnp.float32),
            pltpu.VMEM((bpw,), jnp.int32),
            pltpu.VMEM((_EDIM, bpw), jnp.float32),
            pltpu.SemaphoreType.DMA,
            pltpu.SemaphoreType.DMA,
        ],
    )
    def gather_k(table_hbm, idx_hbm, out_hbm, tab_v, idx_v, out_v, sem_t, sem_i):
        wid = lax.axis_index("s") * _NC + lax.axis_index("c")
        base = wid * bpw
        b = base // hw
        off = base % hw
        cp_t = pltpu.async_copy(table_hbm, tab_v, sem_t)
        cp_i = pltpu.async_copy(idx_hbm.at[pl.ds(base, bpw)], idx_v, sem_i)
        cp_t.wait()
        cp_i.wait()

        iota16 = lax.iota(jnp.int32, 16)

        @plsc.parallel_loop(0, bpw // 16, unroll=4)
        def _(jc):
            idx16 = idx_v[pl.ds(jc * 16, 16)]
            rowa = idx16 * _EDIM
            jvec = jc * 16 + iota16
            for c in range(_EDIM):
                cvec = (iota16 + c) & (_EDIM - 1)
                vals = plsc.load_gather(tab_v, [rowa + cvec])
                plsc.store_scatter(out_v, [cvec, jvec], vals)
        pltpu.sync_copy(out_v, out_hbm.at[b, :, pl.ds(off, bpw)])

    return gather_k


def kernel(inputs, embeddings):
    B, C, H, W = inputs.shape
    hw = H * W
    x = inputs.reshape(B, C, hw)

    idx3, loss_sum = _argmin_call(x, embeddings)
    idx_flat = idx3.reshape(B * hw)

    q_cm = _make_sc_gather(B, hw)(
        embeddings.reshape(_NUM_EMB * _EDIM), idx_flat)

    quantized = q_cm.reshape(B, C, H, W)
    loss = (1.0 + _BETA) * loss_sum[0, 0] / inputs.size
    return (quantized, loss)

# --- scband reference (transcript-rebuilt; emitter-appended) ---
"""Pipeline reference for scband-vector-quantizer-27693949124865 (READ-ONLY COPY).

The authoritative reference and input builder live on the scoring server;
editing this copy changes nothing except your own understanding.
"""

import jax, jax.numpy as jnp
import numpy as np

NUM_EMBEDDINGS = 1024
EMBEDDING_DIM = 64
BETA = 0.25


def setup_inputs(seed: int = 0) -> dict:
    key = jax.random.key(seed)
    k1, k2 = jax.random.split(key)
    inputs = jax.random.normal(k1, (16, 64, 32, 32), dtype=jnp.float32)
    embeddings = jax.random.uniform(k2, (NUM_EMBEDDINGS, EMBEDDING_DIM), dtype=jnp.float32)
    return {"inputs": inputs, "embeddings": embeddings}


def reference(inputs, embeddings):
    beta = BETA
    B, C, H, W = inputs.shape
    flat_inputs = jnp.transpose(inputs, (0, 2, 3, 1)).reshape(-1, C)
    distances = (
        jnp.sum(flat_inputs ** 2, axis=1, keepdims=True)
        + jnp.sum(embeddings ** 2, axis=1)
        - 2.0 * jnp.matmul(flat_inputs, embeddings.T)
    )
    encoding_indices = jnp.argmin(distances, axis=1)
    quantized = jnp.take(embeddings, encoding_indices, axis=0)
    quantized = quantized.reshape(B, H, W, C)
    quantized = jnp.transpose(quantized, (0, 3, 1, 2))
    commitment_loss = jnp.mean((jax.lax.stop_gradient(quantized) - inputs) ** 2)
    codebook_loss = jnp.mean((quantized - jax.lax.stop_gradient(inputs)) ** 2)
    loss = beta * commitment_loss + codebook_loss
    quantized_st = inputs + jax.lax.stop_gradient(quantized - inputs)
    return (quantized_st, loss)

if __name__ == "__main__":
    import jax
    _d = setup_inputs()
    print(jax.jit(kernel)(*tuple(_d.values())))

</pallas_src>

<mosaic_0001>
#map = affine_map<(d0, d1) -> (0)>
#map1 = affine_map<(d0, d1) -> (0, 0, 0)>
module attributes {stable_mosaic.version = 14 : i64} {
  func.func @gather_k(%arg0: i32, %arg1: i32, %arg2: memref<65536xf32, #tpu.memory_space<hbm>>, %arg3: memref<16384xi32, #tpu.memory_space<hbm>>, %arg4: memref<16x64x1024xf32, #tpu.memory_space<hbm>>, %arg5: memref<65536xf32, #tpu.memory_space<vmem>>, %arg6: memref<512xi32, #tpu.memory_space<vmem>>, %arg7: memref<64x512xf32, #tpu.memory_space<vmem>>, %arg8: memref<!tpu.dma_semaphore, #tpu.memory_space<semaphore_mem>>, %arg9: memref<!tpu.dma_semaphore, #tpu.memory_space<semaphore_mem>>) attributes {dimension_semantics = [#tpu.dimension_semantics<core_parallel>, #tpu.dimension_semantics<subcore_parallel>], iteration_bounds = array<i64: 2, 16>, scalar_prefetch = 0 : i64, scratch_operands = 5 : i64, tpu.core_type = #tpu.core_type<sc_vector_subcore>, window_params = [{transform_indices = #map}, {transform_indices = #map}, {transform_indices = #map1}]} {
    %mul3A = arith.constant 2 : i32
    %mul3A_0 = arith.muli %arg1, %mul3A : i32
    %add3A = arith.addi %mul3A_0, %arg0 : i32
    %mul3A_1 = arith.constant 512 : i32
    %mul3A_2 = arith.muli %add3A, %mul3A_1 : i32
    %jit3A = arith.constant 1024 : i32
    %div3A = arith.divsi %mul3A_2, %jit3A : i32
    %sign3A = arith.constant 0 : i32
    %sign3A_3 = arith.cmpi sgt, %mul3A_2, %sign3A : i32
    %sign3A_4 = arith.extui %sign3A_3 : i1 to i32
    %sign3A_5 = arith.constant 0 : i32
    %sign3A_6 = arith.cmpi slt, %mul3A_2, %sign3A_5 : i32
    %sign3A_7 = arith.extui %sign3A_6 : i1 to i32
    %sign3A_8 = arith.subi %sign3A_4, %sign3A_7 : i32
    %sign3A_9 = arith.constant 0 : i32
    %sign3A_10 = arith.cmpi sgt, %jit3A, %sign3A_9 : i32
    %sign3A_11 = arith.extui %sign3A_10 : i1 to i32
    %sign3A_12 = arith.constant 0 : i32
    %sign3A_13 = arith.cmpi slt, %jit3A, %sign3A_12 : i32
    %sign3A_14 = arith.extui %sign3A_13 : i1 to i32
    %sign3A_15 = arith.subi %sign3A_11, %sign3A_14 : i32
    %ne3A = arith.cmpi ne, %sign3A_8, %sign3A_15 : i32
    %rem3A = arith.remsi %mul3A_2, %jit3A : i32
    %ne3A_16 = arith.constant 0 : i32
    %ne3A_17 = arith.cmpi ne, %rem3A, %ne3A_16 : i32
    %and3A = arith.andi %ne3A, %ne3A_17 : i1
    %sub3A = arith.constant 1 : i32
    %sub3A_18 = arith.subi %div3A, %sub3A : i32
    %select_n3A = arith.select %and3A, %sub3A_18, %div3A : i32
    %jit3A_19 = arith.constant 1024 : i32
    %eq3A = arith.constant 0 : i32
    %eq3A_20 = arith.cmpi eq, %jit3A_19, %eq3A : i32
    %jit3A_21 = arith.constant 1 : i32
    %select_n3A_22 = arith.select %eq3A_20, %jit3A_21, %jit3A_19 : i32
    %rem3A_23 = arith.remsi %mul3A_2, %select_n3A_22 : i32
    %ne3A_24 = arith.constant 0 : i32
    %ne3A_25 = arith.cmpi ne, %rem3A_23, %ne3A_24 : i32
    %lt3A = arith.constant 0 : i32
    %lt3A_26 = arith.cmpi slt, %rem3A_23, %lt3A : i32
    %lt3A_27 = arith.constant 0 : i32
    %lt3A_28 = arith.cmpi slt, %select_n3A_22, %lt3A_27 : i32
    %ne3A_29 = arith.xori %lt3A_26, %lt3A_28 : i1
    %and3A_30 = arith.andi %ne3A_29, %ne3A_25 : i1
    %add3A_31 = arith.addi %rem3A_23, %select_n3A_22 : i32
    %select_n3A_32 = arith.select %and3A_30, %add3A_31, %rem3A_23 : i32
    tpu.enqueue_dma source(%arg2 : memref<65536xf32, #tpu.memory_space<hbm>>) target(%arg5 : memref<65536xf32, #tpu.memory_space<vmem>>) target_semaphore(%arg8 : memref<!tpu.dma_semaphore, #tpu.memory_space<semaphore_mem>>)
    %dma_start3A = tpu.memref_slice %arg3[%mul3A_2] : memref<16384xi32, #tpu.memory_space<hbm>> -> memref<512xi32, #tpu.memory_space<hbm>>
    %dma_start3A_33 = tpu.memref_slice %arg3[%mul3A_2] : memref<16384xi32, #tpu.memory_space<hbm>> -> memref<512xi32, #tpu.memory_space<hbm>>
    tpu.enqueue_dma source(%dma_start3A_33 : memref<512xi32, #tpu.memory_space<hbm>>) target(%arg6 : memref<512xi32, #tpu.memory_space<vmem>>) target_semaphore(%arg9 : memref<!tpu.dma_semaphore, #tpu.memory_space<semaphore_mem>>)
    tpu.wait_dma2 semaphore(%arg8 : memref<!tpu.dma_semaphore, #tpu.memory_space<semaphore_mem>>) src(%arg2 : memref<65536xf32, #tpu.memory_space<hbm>>) dst(%arg5 : memref<65536xf32, #tpu.memory_space<vmem>>)
    %dma_wait3A = tpu.memref_slice %arg3[%mul3A_2] : memref<16384xi32, #tpu.memory_space<hbm>> -> memref<512xi32, #tpu.memory_space<hbm>>
    %dma_wait3A_34 = tpu.memref_slice %arg3[%mul3A_2] : memref<16384xi32, #tpu.memory_space<hbm>> -> memref<512xi32, #tpu.memory_space<hbm>>
    tpu.wait_dma2 semaphore(%arg9 : memref<!tpu.dma_semaphore, #tpu.memory_space<semaphore_mem>>) src(%dma_wait3A_34 : memref<512xi32, #tpu.memory_space<hbm>>) dst(%arg6 : memref<512xi32, #tpu.memory_space<vmem>>)
    %iota3A = tpu.iota {dimensions = array<i32: 0>} : vector<16xi32>
    %parallel_loop3A = arith.constant 0 : i32
    %parallel_loop3A_35 = arith.constant 32 : i32
    %parallel_loop3A_36 = arith.constant 1 : i32
    scf.for %parallel_loop3A_37 = %parallel_loop3A to %parallel_loop3A_35 step %parallel_loop3A_36  : i32 {
      %parallel_loop3A_38 = arith.constant 16 : i32
      %parallel_loop3A_39 = arith.muli %parallel_loop3A_37, %parallel_loop3A_38 : i32
      %parallel_loop3A_40 = arith.index_cast %parallel_loop3A_39 : i32 to index
      %parallel_loop3A_41 = tpu.vector_load %arg6[%parallel_loop3A_40] {strides = array<i32>} : memref<512xi32, #tpu.memory_space<vmem>>, vector<16xi32>,
      %parallel_loop3A_42 = arith.constant 64 : i32
      %parallel_loop3A_43 = vector.broadcast %parallel_loop3A_42 : i32 to vector<16xi32>
      %parallel_loop3A_44 = arith.muli %parallel_loop3A_41, %parallel_loop3A_43 : vector<16xi32>
      %parallel_loop3A_45 = arith.constant 16 : i32
      %parallel_loop3A_46 = arith.muli %parallel_loop3A_37, %parallel_loop3A_45 : i32
      %parallel_loop3A_47 = vector.broadcast %parallel_loop3A_46 : i32 to vector<16xi32>
      %parallel_loop3A_48 = arith.addi %parallel_loop3A_47, %iota3A : vector<16xi32>
      %parallel_loop3A_49 = arith.constant 0 : i32
      %parallel_loop3A_50 = vector.broadcast %parallel_loop3A_49 : i32 to vector<16xi32>
      %parallel_loop3A_51 = arith.addi %iota3A, %parallel_loop3A_50 : vector<16xi32>
      %parallel_loop3A_52 = arith.constant 63 : i32
      %parallel_loop3A_53 = vector.broadcast %parallel_loop3A_52 : i32 to vector<16xi32>
      %parallel_loop3A_54 = arith.andi %parallel_loop3A_51, %parallel_loop3A_53 : vector<16xi32>
      %parallel_loop3A_55 = arith.addi %parallel_loop3A_44, %parallel_loop3A_54 : vector<16xi32>
      %parallel_loop3A_56 = tpu.vector_load_idx %arg5[%parallel_loop3A_55] : memref<65536xf32, #tpu.memory_space<vmem>>[vector<16xi32>], vector<16xf32>,
      tpu.vector_store_idx %arg7[%parallel_loop3A_54, %parallel_loop3A_48], %parallel_loop3A_56 : memref<64x512xf32, #tpu.memory_space<vmem>>[vector<16xi32>, vector<16xi32>], vector<16xf32>,
      %parallel_loop3A_57 = arith.constant 1 : i32
      %parallel_loop3A_58 = vector.broadcast %parallel_loop3A_57 : i32 to vector<16xi32>
      %parallel_loop3A_59 = arith.addi %iota3A, %parallel_loop3A_58 : vector<16xi32>
      %parallel_loop3A_60 = arith.constant 63 : i32
      %parallel_loop3A_61 = vector.broadcast %parallel_loop3A_60 : i32 to vector<16xi32>
      %parallel_loop3A_62 = arith.andi %parallel_loop3A_59, %parallel_loop3A_61 : vector<16xi32>
      %parallel_loop3A_63 = arith.addi %parallel_loop3A_44, %parallel_loop3A_62 : vector<16xi32>
      %parallel_loop3A_64 = tpu.vector_load_idx %arg5[%parallel_loop3A_63] : memref<65536xf32, #tpu.memory_space<vmem>>[vector<16xi32>], vector<16xf32>,
      tpu.vector_store_idx %arg7[%parallel_loop3A_62, %parallel_loop3A_48], %parallel_loop3A_64 : memref<64x512xf32, #tpu.memory_space<vmem>>[vector<16xi32>, vector<16xi32>], vector<16xf32>,
      %parallel_loop3A_65 = arith.constant 2 : i32
      %parallel_loop3A_66 = vector.broadcast %parallel_loop3A_65 : i32 to vector<16xi32>
      %parallel_loop3A_67 = arith.addi %iota3A, %parallel_loop3A_66 : vector<16xi32>
      %parallel_loop3A_68 = arith.constant 63 : i32
      %parallel_loop3A_69 = vector.broadcast %parallel_loop3A_68 : i32 to vector<16xi32>
      %parallel_loop3A_70 = arith.andi %parallel_loop3A_67, %parallel_loop3A_69 : vector<16xi32>
      %parallel_loop3A_71 = arith.addi %parallel_loop3A_44, %parallel_loop3A_70 : vector<16xi32>
      %parallel_loop3A_72 = tpu.vector_load_idx %arg5[%parallel_loop3A_71] : memref<65536xf32, #tpu.memory_space<vmem>>[vector<16xi32>], vector<16xf32>,
      tpu.vector_store_idx %arg7[%parallel_loop3A_70, %parallel_loop3A_48], %parallel_loop3A_72 : memref<64x512xf32, #tpu.memory_space<vmem>>[vector<16xi32>, vector<16xi32>], vector<16xf32>,
      %parallel_loop3A_73 = arith.constant 3 : i32
      %parallel_loop3A_74 = vector.broadcast %parallel_loop3A_73 : i32 to vector<16xi32>
      %parallel_loop3A_75 = arith.addi %iota3A, %parallel_loop3A_74 : vector<16xi32>
      %parallel_loop3A_76 = arith.constant 63 : i32
      %parallel_loop3A_77 = vector.broadcast %parallel_loop3A_76 : i32 to vector<16xi32>
      %parallel_loop3A_78 = arith.andi %parallel_loop3A_75, %parallel_loop3A_77 : vector<16xi32>
      %parallel_loop3A_79 = arith.addi %parallel_loop3A_44, %parallel_loop3A_78 : vector<16xi32>
      %parallel_loop3A_80 = tpu.vector_load_idx %arg5[%parallel_loop3A_79] : memref<65536xf32, #tpu.memory_space<vmem>>[vector<16xi32>], vector<16xf32>,
      tpu.vector_store_idx %arg7[%parallel_loop3A_78, %parallel_loop3A_48], %parallel_loop3A_80 : memref<64x512xf32, #tpu.memory_space<vmem>>[vector<16xi32>, vector<16xi32>], vector<16xf32>,
      %parallel_loop3A_81 = arith.constant 4 : i32
      %parallel_loop3A_82 = vector.broadcast %parallel_loop3A_81 : i32 to vector<16xi32>
      %parallel_loop3A_83 = arith.addi %iota3A, %parallel_loop3A_82 : vector<16xi32>
      %parallel_loop3A_84 = arith.constant 63 : i32
      %parallel_loop3A_85 = vector.broadcast %parallel_loop3A_84 : i32 to vector<16xi32>
      %parallel_loop3A_86 = arith.andi %parallel_loop3A_83, %parallel_loop3A_85 : vector<16xi32>
      %parallel_loop3A_87 = arith.addi %parallel_loop3A_44, %parallel_loop3A_86 : vector<16xi32>
      %parallel_loop3A_88 = tpu.vector_load_idx %arg5[%parallel_loop3A_87] : memref<65536xf32, #tpu.memory_space<vmem>>[vector<16xi32>], vector<16xf32>,
      tpu.vector_store_idx %arg7[%parallel_loop3A_86, %parallel_loop3A_48], %parallel_loop3A_88 : memref<64x512xf32, #tpu.memory_space<vmem>>[vector<16xi32>, vector<16xi32>], vector<16xf32>,
      %parallel_loop3A_89 = arith.constant 5 : i32
      %parallel_loop3A_90 = vector.broadcast %parallel_loop3A_89 : i32 to vector<16xi32>
      %parallel_loop3A_91 = arith.addi %iota3A, %parallel_loop3A_90 : vector<16xi32>
      %parallel_loop3A_92 = arith.constant 63 : i32
      %parallel_loop3A_93 = vector.broadcast %parallel_loop3A_92 : i32 to vector<16xi32>
      %parallel_loop3A_94 = arith.andi %parallel_loop3A_91, %parallel_loop3A_93 : vector<16xi32>
      %parallel_loop3A_95 = arith.addi %parallel_loop3A_44, %parallel_loop3A_94 : vector<16xi32>
      %parallel_loop3A_96 = tpu.vector_load_idx %arg5[%parallel_loop3A_95] : memref<65536xf32, #tpu.memory_space<vmem>>[vector<16xi32>], vector<16xf32>,
      tpu.vector_store_idx %arg7[%parallel_loop3A_94, %parallel_loop3A_48], %parallel_loop3A_96 : memref<64x512xf32, #tpu.memory_space<vmem>>[vector<16xi32>, vector<16xi32>], vector<16xf32>,
      %parallel_loop3A_97 = arith.constant 6 : i32
      %parallel_loop3A_98 = vector.broadcast %parallel_loop3A_97 : i32 to vector<16xi32>
      %parallel_loop3A_99 = arith.addi %iota3A, %parallel_loop3A_98 : vector<16xi32>
      %parallel_loop3A_100 = arith.constant 63 : i32
      %parallel_loop3A_101 = vector.broadcast %parallel_loop3A_100 : i32 to vector<16xi32>
      %parallel_loop3A_102 = arith.andi %parallel_loop3A_99, %parallel_loop3A_101 : vector<16xi32>
      %parallel_loop3A_103 = arith.addi %parallel_loop3A_44, %parallel_loop3A_102 : vector<16xi32>
      %parallel_loop3A_104 = tpu.vector_load_idx %arg5[%parallel_loop3A_103] : memref<65536xf32, #tpu.memory_space<vmem>>[vector<16xi32>], vector<16xf32>,
      tpu.vector_store_idx %arg7[%parallel_loop3A_102, %parallel_loop3A_48], %parallel_loop3A_104 : memref<64x512xf32, #tpu.memory_space<vmem>>[vector<16xi32>, vector<16xi32>], vector<16xf32>,
      %parallel_loop3A_105 = arith.constant 7 : i32
      %parallel_loop3A_106 = vector.broadcast %parallel_loop3A_105 : i32 to vector<16xi32>
      %parallel_loop3A_107 = arith.addi %iota3A, %parallel_loop3A_106 : vector<16xi32>
      %parallel_loop3A_108 = arith.constant 63 : i32
      %parallel_loop3A_109 = vector.broadcast %parallel_loop3A_108 : i32 to vector<16xi32>
      %parallel_loop3A_110 = arith.andi %parallel_loop3A_107, %parallel_loop3A_109 : vector<16xi32>
      %parallel_loop3A_111 = arith.addi %parallel_loop3A_44, %parallel_loop3A_110 : vector<16xi32>
      %parallel_loop3A_112 = tpu.vector_load_idx %arg5[%parallel_loop3A_111] : memref<65536xf32, #tpu.memory_space<vmem>>[vector<16xi32>], vector<16xf32>,
      tpu.vector_store_idx %arg7[%parallel_loop3A_110, %parallel_loop3A_48], %parallel_loop3A_112 : memref<64x512xf32, #tpu.memory_space<vmem>>[vector<16xi32>, vector<16xi32>], vector<16xf32>,
      %parallel_loop3A_113 = arith.constant 8 : i32
      %parallel_loop3A_114 = vector.broadcast %parallel_loop3A_113 : i32 to vector<16xi32>
      %parallel_loop3A_115 = arith.addi %iota3A, %parallel_loop3A_114 : vector<16xi32>
      %parallel_loop3A_116 = arith.constant 63 : i32
      %parallel_loop3A_117 = vector.broadcast %parallel_loop3A_116 : i32 to vector<16xi32>
      %parallel_loop3A_118 = arith.andi %parallel_loop3A_115, %parallel_loop3A_117 : vector<16xi32>
      %parallel_loop3A_119 = arith.addi %parallel_loop3A_44, %parallel_loop3A_118 : vector<16xi32>
      %parallel_loop3A_120 = tpu.vector_load_idx %arg5[%parallel_loop3A_119] : memref<65536xf32, #tpu.memory_space<vmem>>[vector<16xi32>], vector<16xf32>,
      tpu.vector_store_idx %arg7[%parallel_loop3A_118, %parallel_loop3A_48], %parallel_loop3A_120 : memref<64x512xf32, #tpu.memory_space<vmem>>[vector<16xi32>, vector<16xi32>], vector<16xf32>,
      %parallel_loop3A_121 = arith.constant 9 : i32
      %parallel_loop3A_122 = vector.broadcast %parallel_loop3A_121 : i32 to vector<16xi32>
      %parallel_loop3A_123 = arith.addi %iota3A, %parallel_loop3A_122 : vector<16xi32>
      %parallel_loop3A_124 = arith.constant 63 : i32
      %parallel_loop3A_125 = vector.broadcast %parallel_loop3A_124 : i32 to vector<16xi32>
      %parallel_loop3A_126 = arith.andi %parallel_loop3A_123, %parallel_loop3A_125 : vector<16xi32>
      %parallel_loop3A_127 = arith.addi %parallel_loop3A_44, %parallel_loop3A_126 : vector<16xi32>
      %parallel_loop3A_128 = tpu.vector_load_idx %arg5[%parallel_loop3A_127] : memref<65536xf32, #tpu.memory_space<vmem>>[vector<16xi32>], vector<16xf32>,
      tpu.vector_store_idx %arg7[%parallel_loop3A_126, %parallel_loop3A_48], %parallel_loop3A_128 : memref<64x512xf32, #tpu.memory_space<vmem>>[vector<16xi32>, vector<16xi32>], vector<16xf32>,
      %parallel_loop3A_129 = arith.constant 10 : i32
      %parallel_loop3A_130 = vector.broadcast %parallel_loop3A_129 : i32 to vector<16xi32>
      %parallel_loop3A_131 = arith.addi %iota3A, %parallel_loop3A_130 : vector<16xi32>
      %parallel_loop3A_132 = arith.constant 63 : i32
      %parallel_loop3A_133 = vector.broadcast %parallel_loop3A_132 : i32 to vector<16xi32>
      %parallel_loop3A_134 = arith.andi %parallel_loop3A_131, %parallel_loop3A_133 : vector<16xi32>
      %parallel_loop3A_135 = arith.addi %parallel_loop3A_44, %parallel_loop3A_134 : vector<16xi32>
      %parallel_loop3A_136 = tpu.vector_load_idx %arg5[%parallel_loop3A_135] : memref<65536xf32, #tpu.memory_space<vmem>>[vector<16xi32>], vector<16xf32>,
      tpu.vector_store_idx %arg7[%parallel_loop3A_134, %parallel_loop3A_48], %parallel_loop3A_136 : memref<64x512xf32, #tpu.memory_space<vmem>>[vector<16xi32>, vector<16xi32>], vector<16xf32>,
      %parallel_loop3A_137 = arith.constant 11 : i32
      %parallel_loop3A_138 = vector.broadcast %parallel_loop3A_137 : i32 to vector<16xi32>
      %parallel_loop3A_139 = arith.addi %iota3A, %parallel_loop3A_138 : vector<16xi32>
      %parallel_loop3A_140 = arith.constant 63 : i32
      %parallel_loop3A_141 = vector.broadcast %parallel_loop3A_140 : i32 to vector<16xi32>
      %parallel_loop3A_142 = arith.andi %parallel_loop3A_139, %parallel_loop3A_141 : vector<16xi32>
      %parallel_loop3A_143 = arith.addi %parallel_loop3A_44, %parallel_loop3A_142 : vector<16xi32>
      %parallel_loop3A_144 = tpu.vector_load_idx %arg5[%parallel_loop3A_143] : memref<65536xf32, #tpu.memory_space<vmem>>[vector<16xi32>], vector<16xf32>,
      tpu.vector_store_idx %arg7[%parallel_loop3A_142, %parallel_loop3A_48], %parallel_loop3A_144 : memref<64x512xf32, #tpu.memory_space<vmem>>[vector<16xi32>, vector<16xi32>], vector<16xf32>,
      %parallel_loop3A_145 = arith.constant 12 : i32
      %parallel_loop3A_146 = vector.broadcast %parallel_loop3A_145 : i32 to vector<16xi32>
      %parallel_loop3A_147 = arith.addi %iota3A, %parallel_loop3A_146 : vector<16xi32>
      %parallel_loop3A_148 = arith.constant 63 : i32
      %parallel_loop3A_149 = vector.broadcast %parallel_loop3A_148 : i32 to vector<16xi32>
      %parallel_loop3A_150 = arith.andi %parallel_loop3A_147, %parallel_loop3A_149 : vector<16xi32>
      %parallel_loop3A_151 = arith.addi %parallel_loop3A_44, %parallel_loop3A_150 : vector<16xi32>
      %parallel_loop3A_152 = tpu.vector_load_idx %arg5[%parallel_loop3A_151] : memref<65536xf32, #tpu.memory_space<vmem>>[vector<16xi32>], vector<16xf32>,
      tpu.vector_store_idx %arg7[%parallel_loop3A_150, %parallel_loop3A_48], %parallel_loop3A_152 : memref<64x512xf32, #tpu.memory_space<vmem>>[vector<16xi32>, vector<16xi32>], vector<16xf32>,
      %parallel_loop3A_153 = arith.constant 13 : i32
      %parallel_loop3A_154 = vector.broadcast %parallel_loop3A_153 : i32 to vector<16xi32>
      %parallel_loop3A_155 = arith.addi %iota3A, %parallel_loop3A_154 : vector<16xi32>
      %parallel_loop3A_156 = arith.constant 63 : i32
      %parallel_loop3A_157 = vector.broadcast %parallel_loop3A_156 : i32 to vector<16xi32>
      %parallel_loop3A_158 = arith.andi %parallel_loop3A_155, %parallel_loop3A_157 : vector<16xi32>
      %parallel_loop3A_159 = arith.addi %parallel_loop3A_44, %parallel_loop3A_158 : vector<16xi32>
      %parallel_loop3A_160 = tpu.vector_load_idx %arg5[%parallel_loop3A_159] : memref<65536xf32, #tpu.memory_space<vmem>>[vector<16xi32>], vector<16xf32>,
      tpu.vector_store_idx %arg7[%parallel_loop3A_158, %parallel_loop3A_48], %parallel_loop3A_160 : memref<64x512xf32, #tpu.memory_space<vmem>>[vector<16xi32>, vector<16xi32>], vector<16xf32>,
      %parallel_loop3A_161 = arith.constant 14 : i32
      %parallel_loop3A_162 = vector.broadcast %parallel_loop3A_161 : i32 to vector<16xi32>
      %parallel_loop3A_163 = arith.addi %iota3A, %parallel_loop3A_162 : vector<16xi32>
      %parallel_loop3A_164 = arith.constant 63 : i32
      %parallel_loop3A_165 = vector.broadcast %parallel_loop3A_164 : i32 to vector<16xi32>
      %parallel_loop3A_166 = arith.andi %parallel_loop3A_163, %parallel_loop3A_165 : vector<16xi32>
      %parallel_loop3A_167 = arith.addi %parallel_loop3A_44, %parallel_loop3A_166 : vector<16xi32>
      %parallel_loop3A_168 = tpu.vector_load_idx %arg5[%parallel_loop3A_167] : memref<65536xf32, #tpu.memory_space<vmem>>[vector<16xi32>], vector<16xf32>,
      tpu.vector_store_idx %arg7[%parallel_loop3A_166, %parallel_loop3A_48], %parallel_loop3A_168 : memref<64x512xf32, #tpu.memory_space<vmem>>[vector<16xi32>, vector<16xi32>], vector<16xf32>,
      %parallel_loop3A_169 = arith.constant 15 : i32
      %parallel_loop3A_170 = vector.broadcast %parallel_loop3A_169 : i32 to vector<16xi32>
      %parallel_loop3A_171 = arith.addi %iota3A, %parallel_loop3A_170 : vector<16xi32>
      %parallel_loop3A_172 = arith.constant 63 : i32
      %parallel_loop3A_173 = vector.broadcast %parallel_loop3A_172 : i32 to vector<16xi32>
      %parallel_loop3A_174 = arith.andi %parallel_loop3A_171, %parallel_loop3A_173 : vector<16xi32>
      %parallel_loop3A_175 = arith.addi %parallel_loop3A_44, %parallel_loop3A_174 : vector<16xi32>
      %parallel_loop3A_176 = tpu.vector_load_idx %arg5[%parallel_loop3A_175] : memref<65536xf32, #tpu.memory_space<vmem>>[vector<16xi32>], vector<16xf32>,
      tpu.vector_store_idx %arg7[%parallel_loop3A_174, %parallel_loop3A_48], %parallel_loop3A_176 : memref<64x512xf32, #tpu.memory_space<vmem>>[vector<16xi32>, vector<16xi32>], vector<16xf32>,
      %parallel_loop3A_177 = arith.constant 16 : i32
      %parallel_loop3A_178 = vector.broadcast %parallel_loop3A_177 : i32 to vector<16xi32>
      %parallel_loop3A_179 = arith.addi %iota3A, %parallel_loop3A_178 : vector<16xi32>
      %parallel_loop3A_180 = arith.constant 63 : i32
      %parallel_loop3A_181 = vector.broadcast %parallel_loop3A_180 : i32 to vector<16xi32>
      %parallel_loop3A_182 = arith.andi %parallel_loop3A_179, %parallel_loop3A_181 : vector<16xi32>
      %parallel_loop3A_183 = arith.addi %parallel_loop3A_44, %parallel_loop3A_182 : vector<16xi32>
      %parallel_loop3A_184 = tpu.vector_load_idx %arg5[%parallel_loop3A_183] : memref<65536xf32, #tpu.memory_space<vmem>>[vector<16xi32>], vector<16xf32>,
      tpu.vector_store_idx %arg7[%parallel_loop3A_182, %parallel_loop3A_48], %parallel_loop3A_184 : memref<64x512xf32, #tpu.memory_space<vmem>>[vector<16xi32>, vector<16xi32>], vector<16xf32>,
      %parallel_loop3A_185 = arith.constant 17 : i32
      %parallel_loop3A_186 = vector.broadcast %parallel_loop3A_185 : i32 to vector<16xi32>
      %parallel_loop3A_187 = arith.addi %iota3A, %parallel_loop3A_186 : vector<16xi32>
      %parallel_loop3A_188 = arith.constant 63 : i32
      %parallel_loop3A_189 = vector.broadcast %parallel_loop3A_188 : i32 to vector<16xi32>
      %parallel_loop3A_190 = arith.andi %parallel_loop3A_187, %parallel_loop3A_189 : vector<16xi32>
      %parallel_loop3A_191 = arith.addi %parallel_loop3A_44, %parallel_loop3A_190 : vector<16xi32>
      %parallel_loop3A_192 = tpu.vector_load_idx %arg5[%parallel_loop3A_191] : memref<65536xf32, #tpu.memory_space<vmem>>[vector<16xi32>], vector<16xf32>,
      tpu.vector_store_idx %arg7[%parallel_loop3A_190, %parallel_loop3A_48], %parallel_loop3A_192 : memref<64x512xf32, #tpu.memory_space<vmem>>[vector<16xi32>, vector<16xi32>], vector<16xf32>,
      %parallel_loop3A_193 = arith.constant 18 : i32
      %parallel_loop3A_194 = vector.broadcast %parallel_loop3A_193 : i32 to vector<16xi32>
      %parallel_loop3A_195 = arith.addi %iota3A, %parallel_loop3A_194 : vector<16xi32>
      %parallel_loop3A_196 = arith.constant 63 : i32
      %parallel_loop3A_197 = vector.broadcast %parallel_loop3A_196 : i32 to vector<16xi32>
      %parallel_loop3A_198 = arith.andi %parallel_loop3A_195, %parallel_loop3A_197 : vector<16xi32>
      %parallel_loop3A_199 = arith.addi %parallel_loop3A_44, %parallel_loop3A_198 : vector<16xi32>
      %parallel_loop3A_200 = tpu.vector_load_idx %arg5[%parallel_loop3A_199] : memref<65536xf32, #tpu.memory_space<vmem>>[vector<16xi32>], vector<16xf32>,
      tpu.vector_store_idx %arg7[%parallel_loop3A_198, %parallel_loop3A_48], %parallel_loop3A_200 : memref<64x512xf32, #tpu.memory_space<vmem>>[vector<16xi32>, vector<16xi32>], vector<16xf32>,
      %parallel_loop3A_201 = arith.constant 19 : i32
      %parallel_loop3A_202 = vector.broadcast %parallel_loop3A_201 : i32 to vector<16xi32>
      %parallel_loop3A_203 = arith.addi %iota3A, %parallel_loop3A_202 : vector<16xi32>
      %parallel_loop3A_204 = arith.constant 63 : i32
      %parallel_loop3A_205 = vector.broadcast %parallel_loop3A_204 : i32 to vector<16xi32>
      %parallel_loop3A_206 = arith.andi %parallel_loop3A_203, %parallel_loop3A_205 : vector<16xi32>
      %parallel_loop3A_207 = arith.addi %parallel_loop3A_44, %parallel_loop3A_206 : vector<16xi32>
      %parallel_loop3A_208 = tpu.vector_load_idx %arg5[%parallel_loop3A_207] : memref<65536xf32, #tpu.memory_space<vmem>>[vector<16xi32>], vector<16xf32>,
      tpu.vector_store_idx %arg7[%parallel_loop3A_206, %parallel_loop3A_48], %parallel_loop3A_208 : memref<64x512xf32, #tpu.memory_space<vmem>>[vector<16xi32>, vector<16xi32>], vector<16xf32>,
      %parallel_loop3A_209 = arith.constant 20 : i32
      %parallel_loop3A_210 = vector.broadcast %parallel_loop3A_209 : i32 to vector<16xi32>
      %parallel_loop3A_211 = arith.addi %iota3A, %parallel_loop3A_210 : vector<16xi32>
      %parallel_loop3A_212 = arith.constant 63 : i32
      %parallel_loop3A_213 = vector.broadcast %parallel_loop3A_212 : i32 to vector<16xi32>
      %parallel_loop3A_214 = arith.andi %parallel_loop3A_211, %parallel_loop3A_213 : vector<16xi32>
      %parallel_loop3A_215 = arith.addi %parallel_loop3A_44, %parallel_loop3A_214 : vector<16xi32>
      %parallel_loop3A_216 = tpu.vector_load_idx %arg5[%parallel_loop3A_215] : memref<65536xf32, #tpu.memory_space<vmem>>[vector<16xi32>], vector<16xf32>,
      tpu.vector_store_idx %arg7[%parallel_loop3A_214, %parallel_loop3A_48], %parallel_loop3A_216 : memref<64x512xf32, #tpu.memory_space<vmem>>[vector<16xi32>, vector<16xi32>], vector<16xf32>,
      %parallel_loop3A_217 = arith.constant 21 : i32
      %parallel_loop3A_218 = vector.broadcast %parallel_loop3A_217 : i32 to vector<16xi32>
      %parallel_loop3A_219 = arith.addi %iota3A, %parallel_loop3A_218 : vector<16xi32>
      %parallel_loop3A_220 = arith.constant 63 : i32
      %parallel_loop3A_221 = vector.broadcast %parallel_loop3A_220 : i32 to vector<16xi32>
      %parallel_loop3A_222 = arith.andi %parallel_loop3A_219, %parallel_loop3A_221 : vector<16xi32>
      %parallel_loop3A_223 = arith.addi %parallel_loop3A_44, %parallel_loop3A_222 : vector<16xi32>
      %parallel_loop3A_224 = tpu.vector_load_idx %arg5[%parallel_loop3A_223] : memref<65536xf32, #tpu.memory_space<vmem>>[vector<16xi32>], vector<16xf32>,
      tpu.vector_store_idx %arg7[%parallel_loop3A_222, %parallel_loop3A_48], %parallel_loop3A_224 : memref<64x512xf32, #tpu.memory_space<vmem>>[vector<16xi32>, vector<16xi32>], vector<16xf32>,
      %parallel_loop3A_225 = arith.constant 22 : i32
      %parallel_loop3A_226 = vector.broadcast %parallel_loop3A_225 : i32 to vector<16xi32>
      %parallel_loop3A_227 = arith.addi %iota3A, %parallel_loop3A_226 : vector<16xi32>
      %parallel_loop3A_228 = arith.constant 63 : i32
      %parallel_loop3A_229 = vector.broadcast %parallel_loop3A_228 : i32 to vector<16xi32>
      %parallel_loop3A_230 = arith.andi %parallel_loop3A_227, %parallel_loop3A_229 : vector<16xi32>
      %parallel_loop3A_231 = arith.addi %parallel_loop3A_44, %parallel_loop3A_230 : vector<16xi32>
      %parallel_loop3A_232 = tpu.vector_load_idx %arg5[%parallel_loop3A_231] : memref<65536xf32, #tpu.memory_space<vmem>>[vector<16xi32>], vector<16xf32>,
      tpu.vector_store_idx %arg7[%parallel_loop3A_230, %parallel_loop3A_48], %parallel_loop3A_232 : memref<64x512xf32, #tpu.memory_space<vmem>>[vector<16xi32>, vector<16xi32>], vector<16xf32>,
      %parallel_loop3A_233 = arith.constant 23 : i32
      %parallel_loop3A_234 = vector.broadcast %parallel_loop3A_233 : i32 to vector<16xi32>
      %parallel_loop3A_235 = arith.addi %iota3A, %parallel_loop3A_234 : vector<16xi32>
      %parallel_loop3A_236 = arith.constant 63 : i32
      %parallel_loop3A_237 = vector.broadcast %parallel_loop3A_236 : i32 to vector<16xi32>
      %parallel_loop3A_238 = arith.andi %parallel_loop3A_235, %parallel_loop3A_237 : vector<16xi32>
      %parallel_loop3A_239 = arith.addi %parallel_loop3A_44, %parallel_loop3A_238 : vector<16xi32>
      %parallel_loop3A_240 = tpu.vector_load_idx %arg5[%parallel_loop3A_239] : memref<65536xf32, #tpu.memory_space<vmem>>[vector<16xi32>], vector<16xf32>,
      tpu.vector_store_idx %arg7[%parallel_loop3A_238, %parallel_loop3A_48], %parallel_loop3A_240 : memref<64x512xf32, #tpu.memory_space<vmem>>[vector<16xi32>, vector<16xi32>], vector<16xf32>,
      %parallel_loop3A_241 = arith.constant 24 : i32
      %parallel_loop3A_242 = vector.broadcast %parallel_loop3A_241 : i32 to vector<16xi32>
      %parallel_loop3A_243 = arith.addi %iota3A, %parallel_loop3A_242 : vector<16xi32>
      %parallel_loop3A_244 = arith.constant 63 : i32
      %parallel_loop3A_245 = vector.broadcast %parallel_loop3A_244 : i32 to vector<16xi32>
      %parallel_loop3A_246 = arith.andi %parallel_loop3A_243, %parallel_loop3A_245 : vector<16xi32>
      %parallel_loop3A_247 = arith.addi %parallel_loop3A_44, %parallel_loop3A_246 : vector<16xi32>
      %parallel_loop3A_248 = tpu.vector_load_idx %arg5[%parallel_loop3A_247] : memref<65536xf32, #tpu.memory_space<vmem>>[vector<16xi32>], vector<16xf32>,
      tpu.vector_store_idx %arg7[%parallel_loop3A_246, %parallel_loop3A_48], %parallel_loop3A_248 : memref<64x512xf32, #tpu.memory_space<vmem>>[vector<16xi32>, vector<16xi32>], vector<16xf32>,
      %parallel_loop3A_249 = arith.constant 25 : i32
      %parallel_loop3A_250 = vector.broadcast %parallel_loop3A_249 : i32 to vector<16xi32>
      %parallel_loop3A_251 = arith.addi %iota3A, %parallel_loop3A_250 : vector<16xi32>
      %parallel_loop3A_252 = arith.constant 63 : i32
      %parallel_loop3A_253 = vector.broadcast %parallel_loop3A_252 : i32 to vector<16xi32>
      %parallel_loop3A_254 = arith.andi %parallel_loop3A_251, %parallel_loop3A_253 : vector<16xi32>
      %parallel_loop3A_255 = arith.addi %parallel_loop3A_44, %parallel_loop3A_254 : vector<16xi32>
      %parallel_loop3A_256 = tpu.vector_load_idx %arg5[%parallel_loop3A_255] : memref<65536xf32, #tpu.memory_space<vmem>>[vector<16xi32>], vector<16xf32>,
      tpu.vector_store_idx %arg7[%parallel_loop3A_254, %parallel_loop3A_48], %parallel_loop3A_256 : memref<64x512xf32, #tpu.memory_space<vmem>>[vector<16xi32>, vector<16xi32>], vector<16xf32>,
      %parallel_loop3A_257 = arith.constant 26 : i32
      %parallel_loop3A_258 = vector.broadcast %parallel_loop3A_257 : i32 to vector<16xi32>
      %parallel_loop3A_259 = arith.addi %iota3A, %parallel_loop3A_258 : vector<16xi32>
      %parallel_loop3A_260 = arith.constant 63 : i32
      %parallel_loop3A_261 = vector.broadcast %parallel_loop3A_260 : i32 to vector<16xi32>
      %parallel_loop3A_262 = arith.andi %parallel_loop3A_259, %parallel_loop3A_261 : vector<16xi32>
      %parallel_loop3A_263 = arith.addi %parallel_loop3A_44, %parallel_loop3A_262 : vector<16xi32>
      %parallel_loop3A_264 = tpu.vector_load_idx %arg5[%parallel_loop3A_263] : memref<65536xf32, #tpu.memory_space<vmem>>[vector<16xi32>], vector<16xf32>,
      tpu.vector_store_idx %arg7[%parallel_loop3A_262, %parallel_loop3A_48], %parallel_loop3A_264 : memref<64x512xf32, #tpu.memory_space<vmem>>[vector<16xi32>, vector<16xi32>], vector<16xf32>,
      %parallel_loop3A_265 = arith.constant 27 : i32
      %parallel_loop3A_266 = vector.broadcast %parallel_loop3A_265 : i32 to vector<16xi32>
      %parallel_loop3A_267 = arith.addi %iota3A, %parallel_loop3A_266 : vector<16xi32>
      %parallel_loop3A_268 = arith.constant 63 : i32
      %parallel_loop3A_269 = vector.broadcast %parallel_loop3A_268 : i32 to vector<16xi32>
      %parallel_loop3A_270 = arith.andi %parallel_loop3A_267, %parallel_loop3A_269 : vector<16xi32>
      %parallel_loop3A_271 = arith.addi %parallel_loop3A_44, %parallel_loop3A_270 : vector<16xi32>
      %parallel_loop3A_272 = tpu.vector_load_idx %arg5[%parallel_loop3A_271] : memref<65536xf32, #tpu.memory_space<vmem>>[vector<16xi32>], vector<16xf32>,
      tpu.vector_store_idx %arg7[%parallel_loop3A_270, %parallel_loop3A_48], %parallel_loop3A_272 : memref<64x512xf32, #tpu.memory_space<vmem>>[vector<16xi32>, vector<16xi32>], vector<16xf32>,
      %parallel_loop3A_273 = arith.constant 28 : i32
      %parallel_loop3A_274 = vector.broadcast %parallel_loop3A_273 : i32 to vector<16xi32>
      %parallel_loop3A_275 = arith.addi %iota3A, %parallel_loop3A_274 : vector<16xi32>
      %parallel_loop3A_276 = arith.constant 63 : i32
      %parallel_loop3A_277 = vector.broadcast %parallel_loop3A_276 : i32 to vector<16xi32>
      %parallel_loop3A_278 = arith.andi %parallel_loop3A_275, %parallel_loop3A_277 : vector<16xi32>
      %parallel_loop3A_279 = arith.addi %parallel_loop3A_44, %parallel_loop3A_278 : vector<16xi32>
      %parallel_loop3A_280 = tpu.vector_load_idx %arg5[%parallel_loop3A_279] : memref<65536xf32, #tpu.memory_space<vmem>>[vector<16xi32>], vector<16xf32>,
      tpu.vector_store_idx %arg7[%parallel_loop3A_278, %parallel_loop3A_48], %parallel_loop3A_280 : memref<64x512xf32, #tpu.memory_space<vmem>>[vector<16xi32>, vector<16xi32>], vector<16xf32>,
      %parallel_loop3A_281 = arith.constant 29 : i32
      %parallel_loop3A_282 = vector.broadcast %parallel_loop3A_281 : i32 to vector<16xi32>
      %parallel_loop3A_283 = arith.addi %iota3A, %parallel_loop3A_282 : vector<16xi32>
      %parallel_loop3A_284 = arith.constant 63 : i32
      %parallel_loop3A_285 = vector.broadcast %parallel_loop3A_284 : i32 to vector<16xi32>
      %parallel_loop3A_286 = arith.andi %parallel_loop3A_283, %parallel_loop3A_285 : vector<16xi32>
      %parallel_loop3A_287 = arith.addi %parallel_loop3A_44, %parallel_loop3A_286 : vector<16xi32>
      %parallel_loop3A_288 = tpu.vector_load_idx %arg5[%parallel_loop3A_287] : memref<65536xf32, #tpu.memory_space<vmem>>[vector<16xi32>], vector<16xf32>,
      tpu.vector_store_idx %arg7[%parallel_loop3A_286, %parallel_loop3A_48], %parallel_loop3A_288 : memref<64x512xf32, #tpu.memory_space<vmem>>[vector<16xi32>, vector<16xi32>], vector<16xf32>,
      %parallel_loop3A_289 = arith.constant 30 : i32
      %parallel_loop3A_290 = vector.broadcast %parallel_loop3A_289 : i32 to vector<16xi32>
      %parallel_loop3A_291 = arith.addi %iota3A, %parallel_loop3A_290 : vector<16xi32>
      %parallel_loop3A_292 = arith.constant 63 : i32
      %parallel_loop3A_293 = vector.broadcast %parallel_loop3A_292 : i32 to vector<16xi32>
      %parallel_loop3A_294 = arith.andi %parallel_loop3A_291, %parallel_loop3A_293 : vector<16xi32>
      %parallel_loop3A_295 = arith.addi %parallel_loop3A_44, %parallel_loop3A_294 : vector<16xi32>
      %parallel_loop3A_296 = tpu.vector_load_idx %arg5[%parallel_loop3A_295] : memref<65536xf32, #tpu.memory_space<vmem>>[vector<16xi32>], vector<16xf32>,
      tpu.vector_store_idx %arg7[%parallel_loop3A_294, %parallel_loop3A_48], %parallel_loop3A_296 : memref<64x512xf32, #tpu.memory_space<vmem>>[vector<16xi32>, vector<16xi32>], vector<16xf32>,
      %parallel_loop3A_297 = arith.constant 31 : i32
      %parallel_loop3A_298 = vector.broadcast %parallel_loop3A_297 : i32 to vector<16xi32>
      %parallel_loop3A_299 = arith.addi %iota3A, %parallel_loop3A_298 : vector<16xi32>
      %parallel_loop3A_300 = arith.constant 63 : i32
      %parallel_loop3A_301 = vector.broadcast %parallel_loop3A_300 : i32 to vector<16xi32>
      %parallel_loop3A_302 = arith.andi %parallel_loop3A_299, %parallel_loop3A_301 : vector<16xi32>
      %parallel_loop3A_303 = arith.addi %parallel_loop3A_44, %parallel_loop3A_302 : vector<16xi32>
      %parallel_loop3A_304 = tpu.vector_load_idx %arg5[%parallel_loop3A_303] : memref<65536xf32, #tpu.memory_space<vmem>>[vector<16xi32>], vector<16xf32>,
      tpu.vector_store_idx %arg7[%parallel_loop3A_302, %parallel_loop3A_48], %parallel_loop3A_304 : memref<64x512xf32, #tpu.memory_space<vmem>>[vector<16xi32>, vector<16xi32>], vector<16xf32>,
      %parallel_loop3A_305 = arith.constant 32 : i32
      %parallel_loop3A_306 = vector.broadcast %parallel_loop3A_305 : i32 to vector<16xi32>
      %parallel_loop3A_307 = arith.addi %iota3A, %parallel_loop3A_306 : vector<16xi32>
      %parallel_loop3A_308 = arith.constant 63 : i32
      %parallel_loop3A_309 = vector.broadcast %parallel_loop3A_308 : i32 to vector<16xi32>
      %parallel_loop3A_310 = arith.andi %parallel_loop3A_307, %parallel_loop3A_309 : vector<16xi32>
      %parallel_loop3A_311 = arith.addi %parallel_loop3A_44, %parallel_loop3A_310 : vector<16xi32>
      %parallel_loop3A_312 = tpu.vector_load_idx %arg5[%parallel_loop3A_311] : memref<65536xf32, #tpu.memory_space<vmem>>[vector<16xi32>], vector<16xf32>,
      tpu.vector_store_idx %arg7[%parallel_loop3A_310, %parallel_loop3A_48], %parallel_loop3A_312 : memref<64x512xf32, #tpu.memory_space<vmem>>[vector<16xi32>, vector<16xi32>], vector<16xf32>,
      %parallel_loop3A_313 = arith.constant 33 : i32
      %parallel_loop3A_314 = vector.broadcast %parallel_loop3A_313 : i32 to vector<16xi32>
      %parallel_loop3A_315 = arith.addi %iota3A, %parallel_loop3A_314 : vector<16xi32>
      %parallel_loop3A_316 = arith.constant 63 : i32
      %parallel_loop3A_317 = vector.broadcast %parallel_loop3A_316 : i32 to vector<16xi32>
      %parallel_loop3A_318 = arith.andi %parallel_loop3A_315, %parallel_loop3A_317 : vector<16xi32>
      %parallel_loop3A_319 = arith.addi %parallel_loop3A_44, %parallel_loop3A_318 : vector<16xi32>
      %parallel_loop3A_320 = tpu.vector_load_idx %arg5[%parallel_loop3A_319] : memref<65536xf32, #tpu.memory_space<vmem>>[vector<16xi32>], vector<16xf32>,
      tpu.vector_store_idx %arg7[%parallel_loop3A_318, %parallel_loop3A_48], %parallel_loop3A_320 : memref<64x512xf32, #tpu.memory_space<vmem>>[vector<16xi32>, vector<16xi32>], vector<16xf32>,
      %parallel_loop3A_321 = arith.constant 34 : i32
      %parallel_loop3A_322 = vector.broadcast %parallel_loop3A_321 : i32 to vector<16xi32>
      %parallel_loop3A_323 = arith.addi %iota3A, %parallel_loop3A_322 : vector<16xi32>
      %parallel_loop3A_324 = arith.constant 63 : i32
      %parallel_loop3A_325 = vector.broadcast %parallel_loop3A_324 : i32 to vector<16xi32>
      %parallel_loop3A_326 = arith.andi %parallel_loop3A_323, %parallel_loop3A_325 : vector<16xi32>
      %parallel_loop3A_327 = arith.addi %parallel_loop3A_44, %parallel_loop3A_326 : vector<16xi32>
      %parallel_loop3A_328 = tpu.vector_load_idx %arg5[%parallel_loop3A_327] : memref<65536xf32, #tpu.memory_space<vmem>>[vector<16xi32>], vector<16xf32>,
      tpu.vector_store_idx %arg7[%parallel_loop3A_326, %parallel_loop3A_48], %parallel_loop3A_328 : memref<64x512xf32, #tpu.memory_space<vmem>>[vector<16xi32>, vector<16xi32>], vector<16xf32>,
      %parallel_loop3A_329 = arith.constant 35 : i32
      %parallel_loop3A_330 = vector.broadcast %parallel_loop3A_329 : i32 to vector<16xi32>
      %parallel_loop3A_331 = arith.addi %iota3A, %parallel_loop3A_330 : vector<16xi32>
      %parallel_loop3A_332 = arith.constant 63 : i32
      %parallel_loop3A_333 = vector.broadcast %parallel_loop3A_332 : i32 to vector<16xi32>
      %parallel_loop3A_334 = arith.andi %parallel_loop3A_331, %parallel_loop3A_333 : vector<16xi32>
      %parallel_loop3A_335 = arith.addi %parallel_loop3A_44, %parallel_loop3A_334 : vector<16xi32>
      %parallel_loop3A_336 = tpu.vector_load_idx %arg5[%parallel_loop3A_335] : memref<65536xf32, #tpu.memory_space<vmem>>[vector<16xi32>], vector<16xf32>,
      tpu.vector_store_idx %arg7[%parallel_loop3A_334, %parallel_loop3A_48], %parallel_loop3A_336 : memref<64x512xf32, #tpu.memory_space<vmem>>[vector<16xi32>, vector<16xi32>], vector<16xf32>,
      %parallel_loop3A_337 = arith.constant 36 : i32
      %parallel_loop3A_338 = vector.broadcast %parallel_loop3A_337 : i32 to vector<16xi32>
      %parallel_loop3A_339 = arith.addi %iota3A, %parallel_loop3A_338 : vector<16xi32>
      %parallel_loop3A_340 = arith.constant 63 : i32
      %parallel_loop3A_341 = vector.broadcast %parallel_loop3A_340 : i32 to vector<16xi32>
      %parallel_loop3A_342 = arith.andi %parallel_loop3A_339, %parallel_loop3A_341 : vector<16xi32>
      %parallel_loop3A_343 = arith.addi %parallel_loop3A_44, %parallel_loop3A_342 : vector<16xi32>
      %parallel_loop3A_344 = tpu.vector_load_idx %arg5[%parallel_loop3A_343] : memref<65536xf32, #tpu.memory_space<vmem>>[vector<16xi32>], vector<16xf32>,
      tpu.vector_store_idx %arg7[%parallel_loop3A_342, %parallel_loop3A_48], %parallel_loop3A_344 : memref<64x512xf32, #tpu.memory_space<vmem>>[vector<16xi32>, vector<16xi32>], vector<16xf32>,
      %parallel_loop3A_345 = arith.constant 37 : i32
      %parallel_loop3A_346 = vector.broadcast %parallel_loop3A_345 : i32 to vector<16xi32>
      %parallel_loop3A_347 = arith.addi %iota3A, %parallel_loop3A_346 : vector<16xi32>
      %parallel_loop3A_348 = arith.constant 63 : i32
      %parallel_loop3A_349 = vector.broadcast %parallel_loop3A_348 : i32 to vector<16xi32>
      %parallel_loop3A_350 = arith.andi %parallel_loop3A_347, %parallel_loop3A_349 : vector<16xi32>
      %parallel_loop3A_351 = arith.addi %parallel_loop3A_44, %parallel_loop3A_350 : vector<16xi32>
      %parallel_loop3A_352 = tpu.vector_load_idx %arg5[%parallel_loop3A_351] : memref<65536xf32, #tpu.memory_space<vmem>>[vector<16xi32>], vector<16xf32>,
      tpu.vector_store_idx %arg7[%parallel_loop3A_350, %parallel_loop3A_48], %parallel_loop3A_352 : memref<64x512xf32, #tpu.memory_space<vmem>>[vector<16xi32>, vector<16xi32>], vector<16xf32>,
      %parallel_loop3A_353 = arith.constant 38 : i32
      %parallel_loop3A_354 = vector.broadcast %parallel_loop3A_353 : i32 to vector<16xi32>
      %parallel_loop3A_355 = arith.addi %iota3A, %parallel_loop3A_354 : vector<16xi32>
      %parallel_loop3A_356 = arith.constant 63 : i32
      %parallel_loop3A_357 = vector.broadcast %parallel_loop3A_356 : i32 to vector<16xi32>
      %parallel_loop3A_358 = arith.andi %parallel_loop3A_355, %parallel_loop3A_357 : vector<16xi32>
      %parallel_loop3A_359 = arith.addi %parallel_loop3A_44, %parallel_loop3A_358 : vector<16xi32>
      %parallel_loop3A_360 = tpu.vector_load_idx %arg5[%parallel_loop3A_359] : memref<65536xf32, #tpu.memory_space<vmem>>[vector<16xi32>], vector<16xf32>,
      tpu.vector_store_idx %arg7[%parallel_loop3A_358, %parallel_loop3A_48], %parallel_loop3A_360 : memref<64x512xf32, #tpu.memory_space<vmem>>[vector<16xi32>, vector<16xi32>], vector<16xf32>,
      %parallel_loop3A_361 = arith.constant 39 : i32
      %parallel_loop3A_362 = vector.broadcast %parallel_loop3A_361 : i32 to vector<16xi32>
      %parallel_loop3A_363 = arith.addi %iota3A, %parallel_loop3A_362 : vector<16xi32>
      %parallel_loop3A_364 = arith.constant 63 : i32
      %parallel_loop3A_365 = vector.broadcast %parallel_loop3A_364 : i32 to vector<16xi32>
      %parallel_loop3A_366 = arith.andi %parallel_loop3A_363, %parallel_loop3A_365 : vector<16xi32>
      %parallel_loop3A_367 = arith.addi %parallel_loop3A_44, %parallel_loop3A_366 : vector<16xi32>
      %parallel_loop3A_368 = tpu.vector_load_idx %arg5[%parallel_loop3A_367] : memref<65536xf32, #tpu.memory_space<vmem>>[vector<16xi32>], vector<16xf32>,
      tpu.vector_store_idx %arg7[%parallel_loop3A_366, %parallel_loop3A_48], %parallel_loop3A_368 : memref<64x512xf32, #tpu.memory_space<vmem>>[vector<16xi32>, vector<16xi32>], vector<16xf32>,
      %parallel_loop3A_369 = arith.constant 40 : i32
      %parallel_loop3A_370 = vector.broadcast %parallel_loop3A_369 : i32 to vector<16xi32>
      %parallel_loop3A_371 = arith.addi %iota3A, %parallel_loop3A_370 : vector<16xi32>
      %parallel_loop3A_372 = arith.constant 63 : i32
      %parallel_loop3A_373 = vector.broadcast %parallel_loop3A_372 : i32 to vector<16xi32>
      %parallel_loop3A_374 = arith.andi %parallel_loop3A_371, %parallel_loop3A_373 : vector<16xi32>
      %parallel_loop3A_375 = arith.addi %parallel_loop3A_44, %parallel_loop3A_374 : vector<16xi32>
      %parallel_loop3A_376 = tpu.vector_load_idx %arg5[%parallel_loop3A_375] : memref<65536xf32, #tpu.memory_space<vmem>>[vector<16xi32>], vector<16xf32>,
      tpu.vector_store_idx %arg7[%parallel_loop3A_374, %parallel_loop3A_48], %parallel_loop3A_376 : memref<64x512xf32, #tpu.memory_space<vmem>>[vector<16xi32>, vector<16xi32>], vector<16xf32>,
      %parallel_loop3A_377 = arith.constant 41 : i32
      %parallel_loop3A_378 = vector.broadcast %parallel_loop3A_377 : i32 to vector<16xi32>
      %parallel_loop3A_379 = arith.addi %iota3A, %parallel_loop3A_378 : vector<16xi32>
      %parallel_loop3A_380 = arith.constant 63 : i32
      %parallel_loop3A_381 = vector.broadcast %parallel_loop3A_380 : i32 to vector<16xi32>
      %parallel_loop3A_382 = arith.andi %parallel_loop3A_379, %parallel_loop3A_381 : vector<16xi32>
      %parallel_loop3A_383 = arith.addi %parallel_loop3A_44, %parallel_loop3A_382 : vector<16xi32>
      %parallel_loop3A_384 = tpu.vector_load_idx %arg5[%parallel_loop3A_383] : memref<65536xf32, #tpu.memory_space<vmem>>[vector<16xi32>], vector<16xf32>,
      tpu.vector_store_idx %arg7[%parallel_loop3A_382, %parallel_loop3A_48], %parallel_loop3A_384 : memref<64x512xf32, #tpu.memory_space<vmem>>[vector<16xi32>, vector<16xi32>], vector<16xf32>,
      %parallel_loop3A_385 = arith.constant 42 : i32
      %parallel_loop3A_386 = vector.broadcast %parallel_loop3A_385 : i32 to vector<16xi32>
      %parallel_loop3A_387 = arith.addi %iota3A, %parallel_loop3A_386 : vector<16xi32>
      %parallel_loop3A_388 = arith.constant 63 : i32
      %parallel_loop3A_389 = vector.broadcast %parallel_loop3A_388 : i32 to vector<16xi32>
      %parallel_loop3A_390 = arith.andi %parallel_loop3A_387, %parallel_loop3A_389 : vector<16xi32>
      %parallel_loop3A_391 = arith.addi %parallel_loop3A_44, %parallel_loop3A_390 : vector<16xi32>
      %parallel_loop3A_392 = tpu.vector_load_idx %arg5[%parallel_loop3A_391] : memref<65536xf32, #tpu.memory_space<vmem>>[vector<16xi32>], vector<16xf32>,
      tpu.vector_store_idx %arg7[%parallel_loop3A_390, %parallel_loop3A_48], %parallel_loop3A_392 : memref<64x512xf32, #tpu.memory_space<vmem>>[vector<16xi32>, vector<16xi32>], vector<16xf32>,
      %parallel_loop3A_393 = arith.constant 43 : i32
      %parallel_loop3A_394 = vector.broadcast %parallel_loop3A_393 : i32 to vector<16xi32>
      %parallel_loop3A_395 = arith.addi %iota3A, %parallel_loop3A_394 : vector<16xi32>
      %parallel_loop3A_396 = arith.constant 63 : i32
      %parallel_loop3A_397 = vector.broadcast %parallel_loop3A_396 : i32 to vector<16xi32>
      %parallel_loop3A_398 = arith.andi %parallel_loop3A_395, %parallel_loop3A_397 : vector<16xi32>
      %parallel_loop3A_399 = arith.addi %parallel_loop3A_44, %parallel_loop3A_398 : vector<16xi32>
      %parallel_loop3A_400 = tpu.vector_load_idx %arg5[%parallel_loop3A_399] : memref<65536xf32, #tpu.memory_space<vmem>>[vector<16xi32>], vector<16xf32>,
      tpu.vector_store_idx %arg7[%parallel_loop3A_398, %parallel_loop3A_48], %parallel_loop3A_400 : memref<64x512xf32, #tpu.memory_space<vmem>>[vector<16xi32>, vector<16xi32>], vector<16xf32>,
      %parallel_loop3A_401 = arith.constant 44 : i32
      %parallel_loop3A_402 = vector.broadcast %parallel_loop3A_401 : i32 to vector<16xi32>
      %parallel_loop3A_403 = arith.addi %iota3A, %parallel_loop3A_402 : vector<16xi32>
      %parallel_loop3A_404 = arith.constant 63 : i32
      %parallel_loop3A_405 = vector.broadcast %parallel_loop3A_404 : i32 to vector<16xi32>
      %parallel_loop3A_406 = arith.andi %parallel_loop3A_403, %parallel_loop3A_405 : vector<16xi32>
      %parallel_loop3A_407 = arith.addi %parallel_loop3A_44, %parallel_loop3A_406 : vector<16xi32>
      %parallel_loop3A_408 = tpu.vector_load_idx %arg5[%parallel_loop3A_407] : memref<65536xf32, #tpu.memory_space<vmem>>[vector<16xi32>], vector<16xf32>,
      tpu.vector_store_idx %arg7[%parallel_loop3A_406, %parallel_loop3A_48], %parallel_loop3A_408 : memref<64x512xf32, #tpu.memory_space<vmem>>[vector<16xi32>, vector<16xi32>], vector<16xf32>,
      %parallel_loop3A_409 = arith.constant 45 : i32
      %parallel_loop3A_410 = vector.broadcast %parallel_loop3A_409 : i32 to vector<16xi32>
      %parallel_loop3A_411 = arith.addi %iota3A, %parallel_loop3A_410 : vector<16xi32>
      %parallel_loop3A_412 = arith.constant 63 : i32
      %parallel_loop3A_413 = vector.broadcast %parallel_loop3A_412 : i32 to vector<16xi32>
      %parallel_loop3A_414 = arith.andi %parallel_loop3A_411, %parallel_loop3A_413 : vector<16xi32>
      %parallel_loop3A_415 = arith.addi %parallel_loop3A_44, %parallel_loop3A_414 : vector<16xi32>
      %parallel_loop3A_416 = tpu.vector_load_idx %arg5[%parallel_loop3A_415] : memref<65536xf32, #tpu.memory_space<vmem>>[vector<16xi32>], vector<16xf32>,
      tpu.vector_store_idx %arg7[%parallel_loop3A_414, %parallel_loop3A_48], %parallel_loop3A_416 : memref<64x512xf32, #tpu.memory_space<vmem>>[vector<16xi32>, vector<16xi32>], vector<16xf32>,
      %parallel_loop3A_417 = arith.constant 46 : i32
      %parallel_loop3A_418 = vector.broadcast %parallel_loop3A_417 : i32 to vector<16xi32>
      %parallel_loop3A_419 = arith.addi %iota3A, %parallel_loop3A_418 : vector<16xi32>
      %parallel_loop3A_420 = arith.constant 63 : i32
      %parallel_loop3A_421 = vector.broadcast %parallel_loop3A_420 : i32 to vector<16xi32>
      %parallel_loop3A_422 = arith.andi %parallel_loop3A_419, %parallel_loop3A_421 : vector<16xi32>
      %parallel_loop3A_423 = arith.addi %parallel_loop3A_44, %parallel_loop3A_422 : vector<16xi32>
      %parallel_loop3A_424 = tpu.vector_load_idx %arg5[%parallel_loop3A_423] : memref<65536xf32, #tpu.memory_space<vmem>>[vector<16xi32>], vector<16xf32>,
      tpu.vector_store_idx %arg7[%parallel_loop3A_422, %parallel_loop3A_48], %parallel_loop3A_424 : memref<64x512xf32, #tpu.memory_space<vmem>>[vector<16xi32>, vector<16xi32>], vector<16xf32>,
      %parallel_loop3A_425 = arith.constant 47 : i32
      %parallel_loop3A_426 = vector.broadcast %parallel_loop3A_425 : i32 to vector<16xi32>
      %parallel_loop3A_427 = arith.addi %iota3A, %parallel_loop3A_426 : vector<16xi32>
      %parallel_loop3A_428 = arith.constant 63 : i32
      %parallel_loop3A_429 = vector.broadcast %parallel_loop3A_428 : i32 to vector<16xi32>
      %parallel_loop3A_430 = arith.andi %parallel_loop3A_427, %parallel_loop3A_429 : vector<16xi32>
      %parallel_loop3A_431 = arith.addi %parallel_loop3A_44, %parallel_loop3A_430 : vector<16xi32>
      %parallel_loop3A_432 = tpu.vector_load_idx %arg5[%parallel_loop3A_431] : memref<65536xf32, #tpu.memory_space<vmem>>[vector<16xi32>], vector<16xf32>,
      tpu.vector_store_idx %arg7[%parallel_loop3A_430, %parallel_loop3A_48], %parallel_loop3A_432 : memref<64x512xf32, #tpu.memory_space<vmem>>[vector<16xi32>, vector<16xi32>], vector<16xf32>,
      %parallel_loop3A_433 = arith.constant 48 : i32
      %parallel_loop3A_434 = vector.broadcast %parallel_loop3A_433 : i32 to vector<16xi32>
      %parallel_loop3A_435 = arith.addi %iota3A, %parallel_loop3A_434 : vector<16xi32>
      %parallel_loop3A_436 = arith.constant 63 : i32
      %parallel_loop3A_437 = vector.broadcast %parallel_loop3A_436 : i32 to vector<16xi32>
      %parallel_loop3A_438 = arith.andi %parallel_loop3A_435, %parallel_loop3A_437 : vector<16xi32>
      %parallel_loop3A_439 = arith.addi %parallel_loop3A_44, %parallel_loop3A_438 : vector<16xi32>
      %parallel_loop3A_440 = tpu.vector_load_idx %arg5[%parallel_loop3A_439] : memref<65536xf32, #tpu.memory_space<vmem>>[vector<16xi32>], vector<16xf32>,
      tpu.vector_store_idx %arg7[%parallel_loop3A_438, %parallel_loop3A_48], %parallel_loop3A_440 : memref<64x512xf32, #tpu.memory_space<vmem>>[vector<16xi32>, vector<16xi32>], vector<16xf32>,
      %parallel_loop3A_441 = arith.constant 49 : i32
      %parallel_loop3A_442 = vector.broadcast %parallel_loop3A_441 : i32 to vector<16xi32>
      %parallel_loop3A_443 = arith.addi %iota3A, %parallel_loop3A_442 : vector<16xi32>
      %parallel_loop3A_444 = arith.constant 63 : i32
      %parallel_loop3A_445 = vector.broadcast %parallel_loop3A_444 : i32 to vector<16xi32>
      %parallel_loop3A_446 = arith.andi %parallel_loop3A_443, %parallel_loop3A_445 : vector<16xi32>
      %parallel_loop3A_447 = arith.addi %parallel_loop3A_44, %parallel_loop3A_446 : vector<16xi32>
      %parallel_loop3A_448 = tpu.vector_load_idx %arg5[%parallel_loop3A_447] : memref<65536xf32, #tpu.memory_space<vmem>>[vector<16xi32>], vector<16xf32>,
      tpu.vector_store_idx %arg7[%parallel_loop3A_446, %parallel_loop3A_48], %parallel_loop3A_448 : memref<64x512xf32, #tpu.memory_space<vmem>>[vector<16xi32>, vector<16xi32>], vector<16xf32>,
      %parallel_loop3A_449 = arith.constant 50 : i32
      %parallel_loop3A_450 = vector.broadcast %parallel_loop3A_449 : i32 to vector<16xi32>
      %parallel_loop3A_451 = arith.addi %iota3A, %parallel_loop3A_450 : vector<16xi32>
      %parallel_loop3A_452 = arith.constant 63 : i32
      %parallel_loop3A_453 = vector.broadcast %parallel_loop3A_452 : i32 to vector<16xi32>
      %parallel_loop3A_454 = arith.andi %parallel_loop3A_451, %parallel_loop3A_453 : vector<16xi32>
      %parallel_loop3A_455 = arith.addi %parallel_loop3A_44, %parallel_loop3A_454 : vector<16xi32>
      %parallel_loop3A_456 = tpu.vector_load_idx %arg5[%parallel_loop3A_455] : memref<65536xf32, #tpu.memory_space<vmem>>[vector<16xi32>], vector<16xf32>,
      tpu.vector_store_idx %arg7[%parallel_loop3A_454, %parallel_loop3A_48], %parallel_loop3A_456 : memref<64x512xf32, #tpu.memory_space<vmem>>[vector<16xi32>, vector<16xi32>], vector<16xf32>,
      %parallel_loop3A_457 = arith.constant 51 : i32
      %parallel_loop3A_458 = vector.broadcast %parallel_loop3A_457 : i32 to vector<16xi32>
      %parallel_loop3A_459 = arith.addi %iota3A, %parallel_loop3A_458 : vector<16xi32>
      %parallel_loop3A_460 = arith.constant 63 : i32
      %parallel_loop3A_461 = vector.broadcast %parallel_loop3A_460 : i32 to vector<16xi32>
      %parallel_loop3A_462 = arith.andi %parallel_loop3A_459, %parallel_loop3A_461 : vector<16xi32>
      %parallel_loop3A_463 = arith.addi %parallel_loop3A_44, %parallel_loop3A_462 : vector<16xi32>
      %parallel_loop3A_464 = tpu.vector_load_idx %arg5[%parallel_loop3A_463] : memref<65536xf32, #tpu.memory_space<vmem>>[vector<16xi32>], vector<16xf32>,
      tpu.vector_store_idx %arg7[%parallel_loop3A_462, %parallel_loop3A_48], %parallel_loop3A_464 : memref<64x512xf32, #tpu.memory_space<vmem>>[vector<16xi32>, vector<16xi32>], vector<16xf32>,
      %parallel_loop3A_465 = arith.constant 52 : i32
      %parallel_loop3A_466 = vector.broadcast %parallel_loop3A_465 : i32 to vector<16xi32>
      %parallel_loop3A_467 = arith.addi %iota3A, %parallel_loop3A_466 : vector<16xi32>
      %parallel_loop3A_468 = arith.constant 63 : i32
      %parallel_loop3A_469 = vector.broadcast %parallel_loop3A_468 : i32 to vector<16xi32>
      %parallel_loop3A_470 = arith.andi %parallel_loop3A_467, %parallel_loop3A_469 : vector<16xi32>
      %parallel_loop3A_471 = arith.addi %parallel_loop3A_44, %parallel_loop3A_470 : vector<16xi32>
      %parallel_loop3A_472 = tpu.vector_load_idx %arg5[%parallel_loop3A_471] : memref<65536xf32, #tpu.memory_space<vmem>>[vector<16xi32>], vector<16xf32>,
      tpu.vector_store_idx %arg7[%parallel_loop3A_470, %parallel_loop3A_48], %parallel_loop3A_472 : memref<64x512xf32, #tpu.memory_space<vmem>>[vector<16xi32>, vector<16xi32>], vector<16xf32>,
      %parallel_loop3A_473 = arith.constant 53 : i32
      %parallel_loop3A_474 = vector.broadcast %parallel_loop3A_473 : i32 to vector<16xi32>
      %parallel_loop3A_475 = arith.addi %iota3A, %parallel_loop3A_474 : vector<16xi32>
      %parallel_loop3A_476 = arith.constant 63 : i32
      %parallel_loop3A_477 = vector.broadcast %parallel_loop3A_476 : i32 to vector<16xi32>
      %parallel_loop3A_478 = arith.andi %parallel_loop3A_475, %parallel_loop3A_477 : vector<16xi32>
      %parallel_loop3A_479 = arith.addi %parallel_loop3A_44, %parallel_loop3A_478 : vector<16xi32>
      %parallel_loop3A_480 = tpu.vector_load_idx %arg5[%parallel_loop3A_479] : memref<65536xf32, #tpu.memory_space<vmem>>[vector<16xi32>], vector<16xf32>,
      tpu.vector_store_idx %arg7[%parallel_loop3A_478, %parallel_loop3A_48], %parallel_loop3A_480 : memref<64x512xf32, #tpu.memory_space<vmem>>[vector<16xi32>, vector<16xi32>], vector<16xf32>,
      %parallel_loop3A_481 = arith.constant 54 : i32
      %parallel_loop3A_482 = vector.broadcast %parallel_loop3A_481 : i32 to vector<16xi32>
      %parallel_loop3A_483 = arith.addi %iota3A, %parallel_loop3A_482 : vector<16xi32>
      %parallel_loop3A_484 = arith.constant 63 : i32
      %parallel_loop3A_485 = vector.broadcast %parallel_loop3A_484 : i32 to vector<16xi32>
      %parallel_loop3A_486 = arith.andi %parallel_loop3A_483, %parallel_loop3A_485 : vector<16xi32>
      %parallel_loop3A_487 = arith.addi %parallel_loop3A_44, %parallel_loop3A_486 : vector<16xi32>
      %parallel_loop3A_488 = tpu.vector_load_idx %arg5[%parallel_loop3A_487] : memref<65536xf32, #tpu.memory_space<vmem>>[vector<16xi32>], vector<16xf32>,
      tpu.vector_store_idx %arg7[%parallel_loop3A_486, %parallel_loop3A_48], %parallel_loop3A_488 : memref<64x512xf32, #tpu.memory_space<vmem>>[vector<16xi32>, vector<16xi32>], vector<16xf32>,
      %parallel_loop3A_489 = arith.constant 55 : i32
      %parallel_loop3A_490 = vector.broadcast %parallel_loop3A_489 : i32 to vector<16xi32>
      %parallel_loop3A_491 = arith.addi %iota3A, %parallel_loop3A_490 : vector<16xi32>
      %parallel_loop3A_492 = arith.constant 63 : i32
      %parallel_loop3A_493 = vector.broadcast %parallel_loop3A_492 : i32 to vector<16xi32>
      %parallel_loop3A_494 = arith.andi %parallel_loop3A_491, %parallel_loop3A_493 : vector<16xi32>
      %parallel_loop3A_495 = arith.addi %parallel_loop3A_44, %parallel_loop3A_494 : vector<16xi32>
      %parallel_loop3A_496 = tpu.vector_load_idx %arg5[%parallel_loop3A_495] : memref<65536xf32, #tpu.memory_space<vmem>>[vector<16xi32>], vector<16xf32>,
      tpu.vector_store_idx %arg7[%parallel_loop3A_494, %parallel_loop3A_48], %parallel_loop3A_496 : memref<64x512xf32, #tpu.memory_space<vmem>>[vector<16xi32>, vector<16xi32>], vector<16xf32>,
      %parallel_loop3A_497 = arith.constant 56 : i32
      %parallel_loop3A_498 = vector.broadcast %parallel_loop3A_497 : i32 to vector<16xi32>
      %parallel_loop3A_499 = arith.addi %iota3A, %parallel_loop3A_498 : vector<16xi32>
      %parallel_loop3A_500 = arith.constant 63 : i32
      %parallel_loop3A_501 = vector.broadcast %parallel_loop3A_500 : i32 to vector<16xi32>
      %parallel_loop3A_502 = arith.andi %parallel_loop3A_499, %parallel_loop3A_501 : vector<16xi32>
      %parallel_loop3A_503 = arith.addi %parallel_loop3A_44, %parallel_loop3A_502 : vector<16xi32>
      %parallel_loop3A_504 = tpu.vector_load_idx %arg5[%parallel_loop3A_503] : memref<65536xf32, #tpu.memory_space<vmem>>[vector<16xi32>], vector<16xf32>,
      tpu.vector_store_idx %arg7[%parallel_loop3A_502, %parallel_loop3A_48], %parallel_loop3A_504 : memref<64x512xf32, #tpu.memory_space<vmem>>[vector<16xi32>, vector<16xi32>], vector<16xf32>,
      %parallel_loop3A_505 = arith.constant 57 : i32
      %parallel_loop3A_506 = vector.broadcast %parallel_loop3A_505 : i32 to vector<16xi32>
      %parallel_loop3A_507 = arith.addi %iota3A, %parallel_loop3A_506 : vector<16xi32>
      %parallel_loop3A_508 = arith.constant 63 : i32
      %parallel_loop3A_509 = vector.broadcast %parallel_loop3A_508 : i32 to vector<16xi32>
      %parallel_loop3A_510 = arith.andi %parallel_loop3A_507, %parallel_loop3A_509 : vector<16xi32>
      %parallel_loop3A_511 = arith.addi %parallel_loop3A_44, %parallel_loop3A_510 : vector<16xi32>
      %parallel_loop3A_512 = tpu.vector_load_idx %arg5[%parallel_loop3A_511] : memref<65536xf32, #tpu.memory_space<vmem>>[vector<16xi32>], vector<16xf32>,
      tpu.vector_store_idx %arg7[%parallel_loop3A_510, %parallel_loop3A_48], %parallel_loop3A_512 : memref<64x512xf32, #tpu.memory_space<vmem>>[vector<16xi32>, vector<16xi32>], vector<16xf32>,
      %parallel_loop3A_513 = arith.constant 58 : i32
      %parallel_loop3A_514 = vector.broadcast %parallel_loop3A_513 : i32 to vector<16xi32>
      %parallel_loop3A_515 = arith.addi %iota3A, %parallel_loop3A_514 : vector<16xi32>
      %parallel_loop3A_516 = arith.constant 63 : i32
      %parallel_loop3A_517 = vector.broadcast %parallel_loop3A_516 : i32 to vector<16xi32>
      %parallel_loop3A_518 = arith.andi %parallel_loop3A_515, %parallel_loop3A_517 : vector<16xi32>
      %parallel_loop3A_519 = arith.addi %parallel_loop3A_44, %parallel_loop3A_518 : vector<16xi32>
      %parallel_loop3A_520 = tpu.vector_load_idx %arg5[%parallel_loop3A_519] : memref<65536xf32, #tpu.memory_space<vmem>>[vector<16xi32>], vector<16xf32>,
      tpu.vector_store_idx %arg7[%parallel_loop3A_518, %parallel_loop3A_48], %parallel_loop3A_520 : memref<64x512xf32, #tpu.memory_space<vmem>>[vector<16xi32>, vector<16xi32>], vector<16xf32>,
      %parallel_loop3A_521 = arith.constant 59 : i32
      %parallel_loop3A_522 = vector.broadcast %parallel_loop3A_521 : i32 to vector<16xi32>
      %parallel_loop3A_523 = arith.addi %iota3A, %parallel_loop3A_522 : vector<16xi32>
      %parallel_loop3A_524 = arith.constant 63 : i32
      %parallel_loop3A_525 = vector.broadcast %parallel_loop3A_524 : i32 to vector<16xi32>
      %parallel_loop3A_526 = arith.andi %parallel_loop3A_523, %parallel_loop3A_525 : vector<16xi32>
      %parallel_loop3A_527 = arith.addi %parallel_loop3A_44, %parallel_loop3A_526 : vector<16xi32>
      %parallel_loop3A_528 = tpu.vector_load_idx %arg5[%parallel_loop3A_527] : memref<65536xf32, #tpu.memory_space<vmem>>[vector<16xi32>], vector<16xf32>,
      tpu.vector_store_idx %arg7[%parallel_loop3A_526, %parallel_loop3A_48], %parallel_loop3A_528 : memref<64x512xf32, #tpu.memory_space<vmem>>[vector<16xi32>, vector<16xi32>], vector<16xf32>,
      %parallel_loop3A_529 = arith.constant 60 : i32
      %parallel_loop3A_530 = vector.broadcast %parallel_loop3A_529 : i32 to vector<16xi32>
      %parallel_loop3A_531 = arith.addi %iota3A, %parallel_loop3A_530 : vector<16xi32>
      %parallel_loop3A_532 = arith.constant 63 : i32
      %parallel_loop3A_533 = vector.broadcast %parallel_loop3A_532 : i32 to vector<16xi32>
      %parallel_loop3A_534 = arith.andi %parallel_loop3A_531, %parallel_loop3A_533 : vector<16xi32>
      %parallel_loop3A_535 = arith.addi %parallel_loop3A_44, %parallel_loop3A_534 : vector<16xi32>
      %parallel_loop3A_536 = tpu.vector_load_idx %arg5[%parallel_loop3A_535] : memref<65536xf32, #tpu.memory_space<vmem>>[vector<16xi32>], vector<16xf32>,
      tpu.vector_store_idx %arg7[%parallel_loop3A_534, %parallel_loop3A_48], %parallel_loop3A_536 : memref<64x512xf32, #tpu.memory_space<vmem>>[vector<16xi32>, vector<16xi32>], vector<16xf32>,
      %parallel_loop3A_537 = arith.constant 61 : i32
      %parallel_loop3A_538 = vector.broadcast %parallel_loop3A_537 : i32 to vector<16xi32>
      %parallel_loop3A_539 = arith.addi %iota3A, %parallel_loop3A_538 : vector<16xi32>
      %parallel_loop3A_540 = arith.constant 63 : i32
      %parallel_loop3A_541 = vector.broadcast %parallel_loop3A_540 : i32 to vector<16xi32>
      %parallel_loop3A_542 = arith.andi %parallel_loop3A_539, %parallel_loop3A_541 : vector<16xi32>
      %parallel_loop3A_543 = arith.addi %parallel_loop3A_44, %parallel_loop3A_542 : vector<16xi32>
      %parallel_loop3A_544 = tpu.vector_load_idx %arg5[%parallel_loop3A_543] : memref<65536xf32, #tpu.memory_space<vmem>>[vector<16xi32>], vector<16xf32>,
      tpu.vector_store_idx %arg7[%parallel_loop3A_542, %parallel_loop3A_48], %parallel_loop3A_544 : memref<64x512xf32, #tpu.memory_space<vmem>>[vector<16xi32>, vector<16xi32>], vector<16xf32>,
      %parallel_loop3A_545 = arith.constant 62 : i32
      %parallel_loop3A_546 = vector.broadcast %parallel_loop3A_545 : i32 to vector<16xi32>
      %parallel_loop3A_547 = arith.addi %iota3A, %parallel_loop3A_546 : vector<16xi32>
      %parallel_loop3A_548 = arith.constant 63 : i32
      %parallel_loop3A_549 = vector.broadcast %parallel_loop3A_548 : i32 to vector<16xi32>
      %parallel_loop3A_550 = arith.andi %parallel_loop3A_547, %parallel_loop3A_549 : vector<16xi32>
      %parallel_loop3A_551 = arith.addi %parallel_loop3A_44, %parallel_loop3A_550 : vector<16xi32>
      %parallel_loop3A_552 = tpu.vector_load_idx %arg5[%parallel_loop3A_551] : memref<65536xf32, #tpu.memory_space<vmem>>[vector<16xi32>], vector<16xf32>,
      tpu.vector_store_idx %arg7[%parallel_loop3A_550, %parallel_loop3A_48], %parallel_loop3A_552 : memref<64x512xf32, #tpu.memory_space<vmem>>[vector<16xi32>, vector<16xi32>], vector<16xf32>,
      %parallel_loop3A_553 = arith.constant 63 : i32
      %parallel_loop3A_554 = vector.broadcast %parallel_loop3A_553 : i32 to vector<16xi32>
      %parallel_loop3A_555 = arith.addi %iota3A, %parallel_loop3A_554 : vector<16xi32>
      %parallel_loop3A_556 = arith.constant 63 : i32
      %parallel_loop3A_557 = vector.broadcast %parallel_loop3A_556 : i32 to vector<16xi32>
      %parallel_loop3A_558 = arith.andi %parallel_loop3A_555, %parallel_loop3A_557 : vector<16xi32>
      %parallel_loop3A_559 = arith.addi %parallel_loop3A_44, %parallel_loop3A_558 : vector<16xi32>
      %parallel_loop3A_560 = tpu.vector_load_idx %arg5[%parallel_loop3A_559] : memref<65536xf32, #tpu.memory_space<vmem>>[vector<16xi32>], vector<16xf32>,
      tpu.vector_store_idx %arg7[%parallel_loop3A_558, %parallel_loop3A_48], %parallel_loop3A_560 : memref<64x512xf32, #tpu.memory_space<vmem>>[vector<16xi32>, vector<16xi32>], vector<16xf32>,
    } {sc.loop_unroll_factor = 4 : i64, sc.parallel_access}
    "tpu.region"() ({
      %run_scoped3A = tpu.sem_alloc : memref<!tpu.dma_semaphore, #tpu.memory_space<semaphore_mem>>
      %dma_start3A_37 = arith.constant 0 : i32
      %dma_start3A_38 = tpu.memref_slice %arg4[%select_n3A, %dma_start3A_37, %select_n3A_32] : memref<16x64x1024xf32, #tpu.memory_space<hbm>> -> memref<1x64x512xf32, #tpu.memory_space<hbm>>
      %dma_start3A_39 = tpu.memref_squeeze %dma_start3A_38 : memref<1x64x512xf32, #tpu.memory_space<hbm>> -> memref<64x512xf32, #tpu.memory_space<hbm>>
      %dma_start3A_40 = arith.constant 0 : i32
      %dma_start3A_41 = tpu.memref_slice %arg4[%select_n3A, %dma_start3A_40, %select_n3A_32] : memref<16x64x1024xf32, #tpu.memory_space<hbm>> -> memref<1x64x512xf32, #tpu.memory_space<hbm>>
      %dma_start3A_42 = tpu.memref_squeeze %dma_start3A_41 : memref<1x64x512xf32, #tpu.memory_space<hbm>> -> memref<64x512xf32, #tpu.memory_space<hbm>>
      tpu.enqueue_dma source(%arg7 : memref<64x512xf32, #tpu.memory_space<vmem>>) target(%dma_start3A_42 : memref<64x512xf32, #tpu.memory_space<hbm>>) target_semaphore(%run_scoped3A : memref<!tpu.dma_semaphore, #tpu.memory_space<semaphore_mem>>)
      %dma_wait3A_43 = arith.constant 0 : i32
      %dma_wait3A_44 = tpu.memref_slice %arg4[%select_n3A, %dma_wait3A_43, %select_n3A_32] : memref<16x64x1024xf32, #tpu.memory_space<hbm>> -> memref<1x64x512xf32, #tpu.memory_space<hbm>>
      %dma_wait3A_45 = tpu.memref_squeeze %dma_wait3A_44 : memref<1x64x512xf32, #tpu.memory_space<hbm>> -> memref<64x512xf32, #tpu.memory_space<hbm>>
      %dma_wait3A_46 = arith.constant 0 : i32
      %dma_wait3A_47 = tpu.memref_slice %arg4[%select_n3A, %dma_wait3A_46, %select_n3A_32] : memref<16x64x1024xf32, #tpu.memory_space<hbm>> -> memref<1x64x512xf32, #tpu.memory_space<hbm>>
      %dma_wait3A_48 = tpu.memref_squeeze %dma_wait3A_47 : memref<1x64x512xf32, #tpu.memory_space<hbm>> -> memref<64x512xf32, #tpu.memory_space<hbm>>
      tpu.wait_dma2 semaphore(%run_scoped3A : memref<!tpu.dma_semaphore, #tpu.memory_space<semaphore_mem>>) src(%arg7 : memref<64x512xf32, #tpu.memory_space<vmem>>) dst(%dma_wait3A_48 : memref<64x512xf32, #tpu.memory_space<hbm>>)
      tpu.yield
    }) : () -> ()
    return
  }
}

module attributes {stable_mosaic.version = 14 : i64} {
  func.func @_argmin_body(%arg0: i32, %arg1: memref<1x64x1024xf32, #tpu.memory_space<vmem>>, %arg2: memref<1024x64xf32, #tpu.memory_space<vmem>>, %arg3: memref<1x1x1024xi32, #tpu.memory_space<vmem>>, %arg4: memref<1x1xf32, #tpu.memory_space<vmem>>) attributes {dimension_semantics = [#tpu.dimension_semantics<arbitrary>], iteration_bounds = array<i64: 16>, scalar_prefetch = 0 : i64, scratch_operands = 0 : i64, tpu.core_type = #tpu.core_type<tc>, window_params = [{transform_indices = @transform_0, window_bounds = array<i64: 1, 64, 1024>}, {pipeline_mode = #tpu.pipeline_mode<synchronous>, transform_indices = @transform_1, window_bounds = array<i64: 1024, 64>}, {transform_indices = @transform_2, window_bounds = array<i64: 1, 1, 1024>}, {pipeline_mode = #tpu.pipeline_mode<synchronous>, transform_indices = @transform_3, window_bounds = array<i64: 1, 1>}]} {
    %get3A = arith.constant 0 : index
    %get3A_0 = arith.constant 0 : index
    %get3A_1 = arith.constant 0 : index
    %get3A_2 = vector.load %arg1[%get3A, %get3A_0, %get3A_1] : memref<1x64x1024xf32, #tpu.memory_space<vmem>>, vector<1x64x1024xf32>
    %get3A_3 = vector.shape_cast %get3A_2 : vector<1x64x1024xf32> to vector<64x1024xf32>
    %get3A_4 = arith.constant 0 : index
    %get3A_5 = arith.constant 0 : index
    %get3A_6 = vector.load %arg2[%get3A_4, %get3A_5] : memref<1024x64xf32, #tpu.memory_space<vmem>>, vector<1024x64xf32>
    %add3A = arith.addf %get3A_6, %get3A_6 : vector<1024x64xf32>
    %dot_general3A = arith.constant dense<0.000000e+00> : vector<1024x1024xf32>
    %dot_general3A_7 = tpu.matmul %get3A_3, %add3A, %dot_general3A {dimension_numbers = #tpu.dot_dimension_numbers<[0], [1], [1], [0], [0, 1, 1, 0], [], []>, transpose_lhs_hint = false} : vector<64x1024xf32>, vector<1024x64xf32>, vector<1024x1024xf32> -> vector<1024x1024xf32>
    %mul3A = arith.mulf %get3A_6, %get3A_6 : vector<1024x64xf32>
    %reduce_sum3A = arith.constant dense<0.000000e+00> : vector<1024xf32>
    %reduce_sum3A_8 = vector.multi_reduction <add>, %mul3A, %reduce_sum3A [1] : vector<1024x64xf32> to vector<1024xf32>
    %mul3A_9 = arith.mulf %get3A_3, %get3A_3 : vector<64x1024xf32>
    %reduce_sum3A_10 = arith.constant dense<0.000000e+00> : vector<1024xf32>
    %reduce_sum3A_11 = vector.multi_reduction <add>, %mul3A_9, %reduce_sum3A_10 [0] : vector<64x1024xf32> to vector<1024xf32>
    %broadcast_in_dim3A = vector.shape_cast %reduce_sum3A_11 : vector<1024xf32> to vector<1024x1xf32>
    %broadcast_in_dim3A_12 = vector.shape_cast %reduce_sum3A_8 : vector<1024xf32> to vector<1x1024xf32>
    %add3A_13 = vector.broadcast %broadcast_in_dim3A : vector<1024x1xf32> to vector<1024x1024xf32>
    %add3A_14 = vector.broadcast %broadcast_in_dim3A_12 : vector<1x1024xf32> to vector<1024x1024xf32>
    %add3A_15 = arith.addf %add3A_13, %add3A_14 : vector<1024x1024xf32>
    %sub3A = arith.subf %add3A_15, %dot_general3A_7 : vector<1024x1024xf32>
    %reduce_min3A = arith.constant dense<0x7F800000> : vector<1024xf32>
    %reduce_min3A_16 = vector.multi_reduction <minimumf>, %sub3A, %reduce_min3A [1] : vector<1024x1024xf32> to vector<1024xf32>
    %iota3A = tpu.iota {dimensions = array<i32: 1>} : vector<1024x1024xi32>
    %broadcast_in_dim3A_17 = vector.shape_cast %reduce_min3A_16 : vector<1024xf32> to vector<1024x1xf32>
    %eq3A = vector.broadcast %broadcast_in_dim3A_17 : vector<1024x1xf32> to vector<1024x1024xf32>
    %eq3A_18 = arith.cmpf oeq, %sub3A, %eq3A : vector<1024x1024xf32>
    %jit3A = arith.constant 1024 : i32
    %broadcast_in_dim3A_19 = vector.broadcast %jit3A : i32 to vector<1024x1024xi32>
    %select_n3A = arith.select %eq3A_18, %iota3A, %broadcast_in_dim3A_19 : vector<1024x1024xi1>, vector<1024x1024xi32>
    %reduce_min3A_20 = arith.constant dense<2147483647> : vector<1024xi32>
    %reduce_min3A_21 = vector.multi_reduction <minsi>, %select_n3A, %reduce_min3A_20 [1] : vector<1024x1024xi32> to vector<1024xi32>
    %swap3A = arith.constant 0 : index
    %swap3A_22 = arith.constant 0 : index
    %swap3A_23 = arith.constant 0 : index
    %swap3A_24 = vector.load %arg3[%swap3A, %swap3A_22, %swap3A_23] : memref<1x1x1024xi32, #tpu.memory_space<vmem>>, vector<1x1x1024xi32>
    %swap3A_25 = vector.shape_cast %swap3A_24 : vector<1x1x1024xi32> to vector<1024xi32>
    %swap3A_26 = vector.shape_cast %reduce_min3A_21 : vector<1024xi32> to vector<1x1x1024xi32>
    tpu.vector_store %arg3[%swap3A, %swap3A_22, %swap3A_23], %swap3A_26 {strides = array<i32>} : memref<1x1x1024xi32, #tpu.memory_space<vmem>>, vector<1x1x1024xi32>,
    %eq3A_27 = arith.constant 0 : i32
    %eq3A_28 = arith.cmpi eq, %arg0, %eq3A_27 : i32
    %convert_element_type3A = arith.extui %eq3A_28 : i1 to i32
    %cond3A = arith.constant 0 : i32
    %cond3A_29 = arith.cmpi ne, %convert_element_type3A, %cond3A : i32
    scf.if %cond3A_29 {
      %broadcast_in_dim3A_42 = arith.constant 0.000000e+00 : f32
      %broadcast_in_dim3A_43 = vector.broadcast %broadcast_in_dim3A_42 : f32 to vector<1x1xf32>
      %swap3A_44 = arith.constant 0 : index
      %swap3A_45 = arith.constant 0 : index
      %swap3A_46 = vector.load %arg4[%swap3A_44, %swap3A_45] : memref<1x1xf32, #tpu.memory_space<vmem>>, vector<1x1xf32>
      tpu.vector_store %arg4[%swap3A_44, %swap3A_45], %broadcast_in_dim3A_43 {strides = array<i32>} : memref<1x1xf32, #tpu.memory_space<vmem>>, vector<1x1xf32>,
    } else {
    }
    %get3A_30 = arith.constant 0 : index
    %get3A_31 = arith.constant 0 : index
    %get3A_32 = vector.load %arg4[%get3A_30, %get3A_31] : memref<1x1xf32, #tpu.memory_space<vmem>>, vector<1x1xf32>
    %reduce_sum3A_33 = vector.shape_cast %reduce_min3A_16 : vector<1024xf32> to vector<1x1024xf32>
    %reduce_sum3A_34 = arith.constant dense<0.000000e+00> : vector<1xf32>
    %reduce_sum3A_35 = vector.multi_reduction <add>, %reduce_sum3A_33, %reduce_sum3A_34 [1] : vector<1x1024xf32> to vector<1xf32>
    %reduce_sum3A_36 = vector.shape_cast %reduce_sum3A_35 : vector<1xf32> to vector<1x1xf32>
    %reduce_sum3A_37 = vector.extract %reduce_sum3A_36[0, 0] : f32 from vector<1x1xf32>
    %reshape3A = vector.broadcast %reduce_sum3A_37 : f32 to vector<1x1xf32>
    %add3A_38 = arith.addf %get3A_32, %reshape3A : vector<1x1xf32>
    %swap3A_39 = arith.constant 0 : index
    %swap3A_40 = arith.constant 0 : index
    %swap3A_41 = vector.load %arg4[%swap3A_39, %swap3A_40] : memref<1x1xf32, #tpu.memory_space<vmem>>, vector<1x1xf32>
    tpu.vector_store %arg4[%swap3A_39, %swap3A_40], %add3A_38 {strides = array<i32>} : memref<1x1xf32, #tpu.memory_space<vmem>>, vector<1x1xf32>,
    return
  }
  func.func @transform_0(%arg0: i32) -> (i32, i32, i32) {
    %c0_i32 = arith.constant 0 : i32
    %c0_i32_0 = arith.constant 0 : i32
    %c0_i32_1 = arith.constant 0 : i32
    return %arg0, %c0_i32, %c0_i32_0 : i32, i32, i32
  }
  func.func @transform_1(%arg0: i32) -> (i32, i32) {
    %c0_i32 = arith.constant 0 : i32
    %c0_i32_0 = arith.constant 0 : i32
    %c0_i32_1 = arith.constant 0 : i32
    return %c0_i32, %c0_i32_0 : i32, i32
  }
  func.func @transform_2(%arg0: i32) -> (i32, i32, i32) {
    %c0_i32 = arith.constant 0 : i32
    %c0_i32_0 = arith.constant 0 : i32
    %c0_i32_1 = arith.constant 0 : i32
    return %arg0, %c0_i32, %c0_i32_0 : i32, i32, i32
  }
  func.func @transform_3(%arg0: i32) -> (i32, i32) {
    %c0_i32 = arith.constant 0 : i32
    %c0_i32_0 = arith.constant 0 : i32
    %c0_i32_1 = arith.constant 0 : i32
    return %c0_i32, %c0_i32_0 : i32, i32
  }
}

</mosaic_0001>

<sc_bundles>
// kernel: kernel.4.cloned.1.call-start
scs
__scs_entry_jumppad:
0x0: {  	(pc) =	sbr.rel $0x88, $3  }
0x1: {  	(tag) =	ssettag $0x0;
	lr =	simm.s32 $0x1  }
0x2: {  	[smem:$0x3F9F] =	sst lr;
	_ =	strace $0xD0000000  }
0x3: {  	_ = 	snop  }
0x4: {  	_ = 	snop  }
0x5: {  	_ = 	snop  }
0x6: {  	_ = 	snop  }
0x7: {  	_ = 	snop  }
__scs_overlays_trampoline_lowered:
0x8: {  	[smem:$0x3FAE] =	sst s0  }
0x9: {  	[smem:$0x3FAF] =	sst s1  }
0xa: {  	[smem:$0x3FB0] =	sst s2  }
0xb: {  	[smem:$0x3FB1] =	sst s3  }
0xc: {  	[smem:$0x3FB2] =	sst s4  }
0xd: {  	[smem:$0x3FB3] =	sst s5  }
0xe: {  	[smem:$0x3FB4] =	sst s6  }
0xf: {  	[smem:$0x3FB5] =	sst s7  }
0x10: {  	[smem:$0x3FB6] =	sst s8  }
0x11: {  	[smem:$0x3FB7] =	sst s9;
	s0 =	simm.s32 @!p0 $0x0  }
0x12: {  	s1 =	sld [smem:$0x3F9D];
	s0 =	simm.s32 @p0 $0x1  }
0x13: {  	[smem:$0x3FB8] =	sst s0;
	s0 =	simm.s32 @!p1 $0x0  }
0x14: {  	s2 =	sld [smem:$0x3F9C];
	s0 =	simm.s32 @p1 $0x1  }
0x15: {  	[smem:$0x3FB9] =	sst s0;
	s0 =	simm.s32 @!p2 $0x0  }
0x16: {  	s3 =	sld [smem:$0x3FDB];
	s0 =	simm.s32 @p2 $0x1  }
0x17: {  	s4 =	simm.s32 $0x1BF5;
	[smem:$0x3FBB] =	sst s0  }
0x18: {  	s0 =	sld [smem:$0x3F9E];
	_ =	swait.ge [sflag:s4], $0x0  }
0x19: {  	s7 =	sld [smem:$0x3F9F]  }
0x1a: {  	s8 =	sadd.s32 $0xFFFFE003, lr  }
0x1b: {  	s9 =	sadd.s32 $0xFFFFFEF7, lr;
	s5 =	simm.s32 $0xFFFFFFFF;
	p2 =	slt.u32 s8, $0xFFFFF086  }
0x1c: {  	p1 =	slt.u32 s9, $0xF7A;
	s5 =	simm.s32 @!p2 $0x0  }
0x1d: {  	s5 =	simm.s32 @p1 $0x1;
	p0 =	seq.s32 s7, s2  }
0x1e: {  	s7 =	smul.u32 @!p0 $0xF7A, s2;
	p2 =	seq.s32 @!p0 s5, $0x0  }
0x1f: {  	s9 =	smul.u32 $0xF7A, s1;
	s8 =	simm.s32 @!p0 $0x1BF5;
	p2 =	por !p2, p0  }
0x20: {  	[sflag:s8] =	ssyncset.s32 @!p0 $0xFFFFF086;
	s6 =	sadd.s32 @!p0 s3, s7;
	s7 =	simm.s32 @!p0 $0x108  }
0x21: {  	s3 =	sadd.s32 s3, s9;
	s6 =	sadd.s32 @!p0 $0x88, s6;
	s7 =	simm.s32 @p2 $0x1082  }
0x22: {  	[simem:s7], [sflag:s8] =	dma.local @!p0 [hbm:s6], $0xF7A  }
0x23: {  	s9 =	sor.u32 $0xD0000000, s2;
	s6 =	simm.s32 $0x108;
	_ =	swait.ge @!p0 [sflag:s8], $0x0  }
0x24: {  	s3 =	sadd.s32 $0x88, s3;
	s6 =	simm.s32 @!p1 $0x1082;
	[sflag:s4] =	ssyncset.s32 $0xFFFFF086  }
0x25: {  	[simem:s6], [sflag:s4] =	dma.local [hbm:s3], $0xF7A  }
0x26: {  	[smem:$0x3F9F] =	sst s1;
	(tag) =	ssettag s2;
	_ =	strace s9  }
0x27: {  	s1 =	sld [smem:$0x3FAF]  }
0x28: {  	s2 =	sld [smem:$0x3FB0]  }
0x29: {  	s4 =	sld [smem:$0x3FB2]  }
0x2a: {  	p0 =	seq.s32 s5, $0x0;
	s5 =	sld [smem:$0x3FB3]  }
0x2b: {  	s6 =	sld [smem:$0x3FB4]  }
0x2c: {  	s7 =	sld [smem:$0x3FB5]  }
0x2d: {  	s3 =	simm.s32 $0x108;
	s8 =	sld [smem:$0x3FB6]  }
0x2e: {  	s3 =	simm.s32 @!p0 $0x1082;
	s9 =	sld [smem:$0x3FB7]  }
0x2f: {  	lr =	sadd.s32 s0, s3;
	s0 =	sld [smem:$0x3FAE]  }
0x30: {  	s3 =	sld [smem:$0x3FB1]  }
0x31: {  	[smem:$0x3FBA] =	sst s10  }
0x32: {  	s10 =	sld [smem:$0x3FB8];
	_ =	sdelay $0x3  }
0x33: {  	p0 =	seq.s32 s10, $0x1;
	s10 =	sld [smem:$0x3FBA];
	_ =	sdelay $0x3  }
0x34: {  	[smem:$0x3FBA] =	sst s10  }
0x35: {  	s10 =	sld [smem:$0x3FB9];
	_ =	sdelay $0x3  }
0x36: {  	p1 =	seq.s32 s10, $0x1;
	s10 =	sld [smem:$0x3FBA];
	_ =	sdelay $0x3  }
0x37: {  	[smem:$0x3FBA] =	sst s10  }
0x38: {  	s10 =	sld [smem:$0x3FBB]  }
0x39: {  	_ = 	snop;
	(pc) =	sbr.ind lr, $3  }
0x3a: {  	_ = 	snop  }
0x3b: {  	_ = 	snop  }
0x3c: {  	p2 =	seq.s32 s10, $0x1;
	s10 =	sld [smem:$0x3FBA]  }
0x3d: {  	_ =	shalt  }
0x3e: {  	_ =	shalt  }
0x3f: {  	_ =	shalt  }
0x40: {  	_ =	shalt  }
0x41: {  	_ =	shalt  }
0x42: {  	_ =	shalt  }
0x43: {  	_ =	shalt  }
0x44: {  	_ =	shalt  }
0x45: {  	_ =	shalt  }
0x46: {  	_ =	shalt  }
0x47: {  	_ =	shalt  }
0x48: {  	_ =	shalt  }
0x49: {  	_ =	shalt  }
0x4a: {  	_ =	shalt  }
0x4b: {  	_ =	shalt  }
0x4c: {  	_ =	shalt  }
0x4d: {  	_ =	shalt  }
0x4e: {  	_ =	shalt  }
0x4f: {  	_ =	shalt  }
0x50: {  	_ =	shalt  }
0x51: {  	_ =	shalt  }
0x52: {  	_ =	shalt  }
0x53: {  	_ =	shalt  }
0x54: {  	_ =	shalt  }
0x55: {  	_ =	shalt  }
0x56: {  	_ =	shalt  }
0x57: {  	_ =	shalt  }
0x58: {  	_ =	shalt  }
0x59: {  	_ =	shalt  }
0x5a: {  	_ =	shalt  }
0x5b: {  	_ =	shalt  }
0x5c: {  	_ =	shalt  }
0x5d: {  	_ =	shalt  }
0x5e: {  	_ =	shalt  }
0x5f: {  	_ =	shalt  }
0x60: {  	_ =	shalt  }
0x61: {  	_ =	shalt  }
0x62: {  	_ =	shalt  }
0x63: {  	_ =	shalt  }
0x64: {  	_ =	shalt  }
0x65: {  	_ =	shalt  }
0x66: {  	_ =	shalt  }
0x67: {  	_ =	shalt  }
0x68: {  	_ =	shalt  }
0x69: {  	_ =	shalt  }
0x6a: {  	_ =	shalt  }
0x6b: {  	_ =	shalt  }
0x6c: {  	_ =	shalt  }
0x6d: {  	_ =	shalt  }
0x6e: {  	_ =	shalt  }
0x6f: {  	_ =	shalt  }
0x70: {  	_ =	shalt  }
0x71: {  	_ =	shalt  }
0x72: {  	_ =	shalt  }
0x73: {  	_ =	shalt  }
0x74: {  	_ =	shalt  }
0x75: {  	_ =	shalt  }
0x76: {  	_ =	shalt  }
0x77: {  	_ =	shalt  }
0x78: {  	_ =	shalt  }
0x79: {  	_ =	shalt  }
0x7a: {  	_ =	shalt  }
0x7b: {  	_ =	shalt  }
0x7c: {  	_ =	shalt  }
0x7d: {  	_ =	shalt  }
0x7e: {  	_ =	shalt  }
0x7f: {  	_ =	shalt  }
0x80: {  	_ =	shalt  }
0x81: {  	_ =	shalt  }
0x82: {  	_ =	shalt  }
0x83: {  	_ =	shalt  }
0x84: {  	_ =	shalt  }
0x85: {  	_ =	shalt  }
0x86: {  	_ =	shalt  }
0x87: {  	_ =	shalt  }
.Lfunc_end0:
.L_simem_size_0:
called_computation_lowered:
.L_overlay_start_0:
0x88: {  	s2 =	sld [smem:$0x3FD9]  }
0x89: {  	s3 =	sld [smem:$0x3FFE];
	_ =	sdelay $0x1  }
0x8a: {  	s1 =	srdreg.scid  }
0x8b: {  	s0 =	sand.u32 $0x1, s1  }
0x8c: {  	s14 =	sshll.u32 s0, $0xA;
	s2 =	sadd.s32 s3, s2  }
0x8d: {  	s2 =	sadd.s32 s2, s14  }
0x8e: {  	[smem:$0x3FC6] =	sst s2  }
0x8f: {  	_ = 	snop  }
0x90: {  	s2 =	sld [smem:$0x3FD0];
	_ =	sdelay $0x2  }
0x91: {  	s15 =	simm.s32 $0xA;
	s4 =	simm.s32 $0x10  }
0x92: {  	[smem:s4], [sflag:s15] =	dma.local [hbm:s2], $0x1  }
0x93: {  	_ =	swait.eq [sflag:s15], $0x1  }
0x94: {  	[sflag:s15] =	ssyncset.done $0x0  }
0x95: {  	[sflag:s15] =	ssyncadd.s32 $0xFFFFFFFF  }
0x96: {  	s16 =	sld [smem:$0x10];
	(tm) =	ssettm $0x1  }
0x97: {  	s17 =	sld [smem:$0x3FFB];
	_ =	sdelay $0x3  }
0x98: {  	_ =	strace s17  }
0x99: {  	s3 =	sld [smem:$0x3FFC];
	_ =	sdelay $0x3  }
0x9a: {  	_ =	strace s3  }
0x9b: {  	s3 =	sld [smem:$0x3FFD];
	_ =	sdelay $0x3  }
0x9c: {  	_ =	strace s3  }
0x9d: {  	_ =	strace $0x8FFFFFFF  }
0x9e: {  	s18 =	sld [smem:$0x3FDB];
	_ =	sdelay $0x1  }
0x9f: {  	s19 =	simm.s32 $_scs_section_size  }
0xa0: {  	s5 =	simm.s32 $_size__tile_overlayer_lowered;
	s6 =	simm.s32 $_tile_overlayer_lowered  }
0xa1: {  	s22 =	simm.s32 $0x1BFF;
	s21 =	sshll.u32 s6, $0x1;
	s3 =	sadd.s32 s19, s18  }
0xa2: {  	s7 =	simm.s32 $0x0;
	s20 =	sshll.u32 s5, $0x1;
	s5 =	sadd.s32 s21, s3  }
0xa3: {  	[timem:s7], [sflag:s22] =	dma.local [hbm:s5], s20  }
0xa4: {  	_ =	swait.ge [sflag:s22], s20  }
0xa5: {  	s4 =	ssub.s32 $0x0, s20;
	[sflag:s22] =	ssyncset.done $0x0  }
0xa6: {  	[sflag:s22] =	ssyncadd.s32 s4;
	_ =	sdelay $0x1  }
0xa7: {  	s23 =	simm.s32 $0x1B8B  }
0xa8: {  	_ =	swait.ge [sflag:s23], $0x1  }
0xa9: {  	[sflag:s23] =	ssyncset.done $0x0  }
0xaa: {  	s25 =	simm.s32 $0x1B8E;
	s24 =	sld [smem:$0x3FFE];
	[sflag:s23] =	ssyncadd.s32 $0xFFFFFFFF  }
0xab: {  	s26 =	simm.s32 $execute0_lowered;
	[smem:$0x3FD2] =	sst s25  }
0xac: {  	s5 =	sshll.u32 s26, $0x1;
	_ =	strace $0x80000046;
	[dreg:$0x1] =	wrdreg $0xFFFFFFFF  }
0xad: {  	s28 =	simm.s32 $_size_execute0_lowered;
	s3 =	sadd.s32 s3, s5;
	[dreg:$0x0] =	wrdreg $0x0  }
0xae: {  	s5 =	sshll.u32 s28, $0x1;
	[dreg:$0x2] =	wrdreg s3  }
0xaf: {  	[dreg:$0x3] =	wrdreg s5  }
0xb0: {  	[dreg:$0x4] =	wrdreg $0xC0  }
0xb1: {  	_ =	task [dreg:s7], $0x5FFFF  }
0xb2: {  	[dreg:$0x1] =	wrdreg $0xFFFFFFFF  }
0xb3: {  	[dreg:$0x0] =	wrdreg $0x60  }
0xb4: {  	[dreg:$0x2] =	wrdreg s16  }
0xb5: {  	[dreg:$0x3] =	wrdreg s24  }
0xb6: {  	[dreg:$0x4] =	wrdreg $0x9  }
0xb7: {  	_ =	task.clear_ibuf [dreg:s7], $0x5FFFF;
	_ =	strace $0x90000046  }
0xb8: {  	s29 =	simm.s32 $0x9;
	_ =	strace $0x80000048  }
0xb9: {  	_ =	swait.ge [sflag:s29], $0x1  }
0xba: {  	[sflag:s29] =	ssyncadd.s32 $0xFFFFFFFF  }
0xbb: {  	_ =	strace $0x90000048  }
0xbc: {  	_ =	sfence  }
0xbd: {  	s30 =	sld [smem:$0x0];
	_ =	sdelay $0x2  }
0xbe: {  	s31 =	sshll.u32 s1, $0xD;
	s1 =	sshrl.u32 s1, $0x2  }
0xbf: {  	s3 =	sand.u32 $0x4000, s31;
	s1 =	sadd.s32 s1, s30  }
0xc0: {  	s0 =	sor.u32 s3, s0;
	s1 =	sshll.u32 s1, $0x11  }
0xc1: {  	s0 =	sor.u32 s1, s0  }
0xc2: {  	s0 =	sadd.s32 $0x8F2B, s0  }
0xc3: {  	[sflag:s0] =	ssyncadd.remote.s32 $0x1  }
0xc4: {  	_ =	sfence.sel $0xFFFF  }
0xc5: {  	[dreg:$0x0] =	wrdreg $0xFFFFFFFF;
	(pc) =	sbr.abs _section_cstart, $3  }
0xc6: {  	[dreg:$0x1] =	wrdreg $0xFFFFFFFF  }
0xc7: {  	_ =	task.clear_ibuf [dreg:s7], $0x2FFFF;
	_ =	strace $0x9FFFFFFF  }
0xc8: {  	(tm) =	ssettm $0x7FFFFFFF  }
0xc9: {  	_ =	shalt  }
tec
execute0_lowered:
.L_overlay_start_1:
0x0: {  	(tag) =	ssettag $0x1  }
0x1: {  	vm7 =	vcmask $0x300  }
0x2: {  	v0 =	vimm.s32 $0x1380;
	vm4 =	vcmask $0x704;
	vm6 =	vcmask $0xB08  }
0x3: {  	vm5 =	vcmask $0xF0C;
	vm3 =	vcmask $0x1310;
	vm2 =	vcmask $0x1714  }
0x4: {  	v1 =	vimm.s32 $0x2000;
	vm1 =	vcmask $0x1B18;
	v2 =	vimm.s32 $0x2080  }
0x5: {  	v3 =	vimm.s32 $0x2100;
	v4 =	vimm.s32 $0x2180;
	v5 =	vimm.s32 $0x2200  }
0x6: {  	v6 =	vimm.s32 $0x2280;
	v7 =	vimm.s32 $0x2300;
	v8 =	vimm.s32 $0x2380  }
0x7: {  	v9 =	vimm.s32 $0x3000;
	v10 =	vimm.s32 $0x3080;
	v11 =	vimm.s32 $0x3100  }
0x8: {  	v12 =	vimm.s32 $0x3180;
	v13 =	vimm.s32 $0x3200;
	v14 =	vimm.s32 $0x3280  }
0x9: {  	v15 =	vimm.s32 $0x3300;
	v16 =	vimm.s32 $0x3380;
	v17 =	vimm.s32 $0x4000  }
0xa: {  	v18 =	vimm.s32 $0x4080;
	v19 =	vimm.s32 $0x4100;
	v20 =	vimm.s32 $0x4180  }
0xb: {  	v21 =	vimm.s32 $0x4200;
	v22 =	vimm.s32 $0x4280;
	v23 =	vimm.s32 $0x4300  }
0xc: {  	v24 =	vimm.s32 $0x4380;
	v25 =	vimm.s32 $0x5000;
	v26 =	vimm.s32 $0x5080  }
0xd: {  	v27 =	vimm.s32 $0x5100;
	v28 =	vimm.s32 $0x5180;
	v29 =	vimm.s32 $0x5200  }
0xe: {  	v30 =	vimm.s32 $0x5280;
	v31 =	vimm.s32 $0x5300;
	v32 =	vimm.s32 $0x5380  }
0xf: {  	v33 =	vimm.s32 $0x6000;
	v34 =	vimm.s32 $0x6080;
	v35 =	vimm.s32 $0x6100  }
0x10: {  	v36 =	vimm.s32 $0x6180;
	v37 =	vimm.s32 $0x6200;
	v38 =	vimm.s32 $0x6280  }
0x11: {  	v39 =	vimm.s32 $0x6300;
	v40 =	vimm.s32 $0x6380;
	v41 =	vimm.s32 $0x7000  }
0x12: {  	v42 =	vimm.s32 $0x7080;
	v43 =	vimm.s32 $0x7100;
	v44 =	vimm.s32 $0x7180  }
0x13: {  	v45 =	vimm.s32 $0x7200;
	v46 =	vimm.s32 $0x7280;
	v47 =	vimm.s32 $0x7300  }
0x14: {  	v48 =	vimm.s32 $0x7380;
	v49 =	vimm.s32 $0x3F3E3D;
	v50 =	vimm.s32 $0x1003F3E  }
0x15: {  	v51 =	vimm.s32 $0x32107654;
	v60 =	vimm.s32 $0x201003F;
	v52 =	vimm.s32 $0x80  }
0x16: {  	v53 =	vimm.s32 $0x3F3E3D3C;
	v54 =	vimm.s32 $0x43218765;
	v55 =	vimm.s32 $0x54329876  }
0x17: {  	v56 =	vimm.s32 $0x6543A987;
	vm0 =	vcmask $0x2F10;
	v63 =	vimm.s32 $0xB0A0908  }
0x18: {  	vm14 =	vcmask $0x1F1C;
	vm15 =	vcmask $0x2320;
	v0 =	vsel vm7, $0x0, v0  }
0x19: {  	v1 =	vsel vm7, $0x80, v1;
	v2 =	vsel vm7, $0x100, v2;
	v3 =	vsel vm7, $0x180, v3  }
0x1a: {  	v4 =	vsel vm7, $0x200, v4;
	v5 =	vsel vm7, $0x280, v5;
	v6 =	vsel vm7, $0x300, v6  }
0x1b: {  	v7 =	vsel vm7, $0x380, v7;
	v8 =	vsel vm7, $0x1000, v8;
	v9 =	vsel vm7, $0x1080, v9  }
0x1c: {  	v10 =	vsel vm7, $0x1100, v10;
	v11 =	vsel vm7, $0x1180, v11;
	v12 =	vsel vm7, $0x1200, v12  }
0x1d: {  	v13 =	vsel vm7, $0x1280, v13;
	v14 =	vsel vm7, $0x1300, v14;
	v15 =	vsel vm7, $0x1380, v15  }
0x1e: {  	v16 =	vsel vm7, $0x2000, v16;
	v17 =	vsel vm7, $0x2080, v17;
	v18 =	vsel vm7, $0x2100, v18  }
0x1f: {  	v19 =	vsel vm7, $0x2180, v19;
	v20 =	vsel vm7, $0x2200, v20;
	v21 =	vsel vm7, $0x2280, v21  }
0x20: {  	v22 =	vsel vm7, $0x2300, v22;
	v23 =	vsel vm7, $0x2380, v23;
	v24 =	vsel vm7, $0x3000, v24  }
0x21: {  	v25 =	vsel vm7, $0x3080, v25;
	v26 =	vsel vm7, $0x3100, v26;
	v27 =	vsel vm7, $0x3180, v27  }
0x22: {  	v28 =	vsel vm7, $0x3200, v28;
	v29 =	vsel vm7, $0x3280, v29;
	v30 =	vsel vm7, $0x3300, v30  }
0x23: {  	v31 =	vsel vm7, $0x3380, v31;
	v32 =	vsel vm7, $0x4000, v32;
	v33 =	vsel vm7, $0x4080, v33  }
0x24: {  	v34 =	vsel vm7, $0x4100, v34;
	v35 =	vsel vm7, $0x4180, v35;
	v36 =	vsel vm7, $0x4200, v36  }
0x25: {  	v37 =	vsel vm7, $0x4280, v37;
	v38 =	vsel vm7, $0x4300, v38;
	v39 =	vsel vm7, $0x4380, v39  }
0x26: {  	v40 =	vsel vm7, $0x5000, v40;
	v41 =	vsel vm7, $0x5080, v41;
	v42 =	vsel vm7, $0x5100, v42  }
0x27: {  	v43 =	vsel vm7, $0x5180, v43;
	v44 =	vsel vm7, $0x5200, v44;
	v45 =	vsel vm7, $0x5280, v45  }
0x28: {  	v46 =	vsel vm7, $0x5300, v46;
	v47 =	vsel vm7, $0x5380, v47;
	v48 =	vsel vm7, $0x6000, v48  }
0x29: {  	v57 =	vunpack.c.0.s8.s32 v49;
	v49 =	vimm.s32 $0x0;
	v58 =	vunpack.c.0.s8.s32 v50  }
0x2a: {  	v51 =	vunpack.c.l.s4.s8 v51;
	v60 =	vunpack.c.0.s8.s32 v60;
	v50 =	vimm.s32 $0x3020100  }
0x2b: {  	v54 =	vunpack.c.l.s4.s8 v54;
	v59 =	vunpack.c.0.s8.s32 v53;
	v61 =	vunpack.c.l.s4.s8 v55  }
0x2c: {  	v62 =	vunpack.c.l.s4.s8 v56;
	v56 =	vunpack.c.0.s8.s32 v63;
	v63 =	vimm.s32 $0x37363534  }
0x2d: {  	v0 =	vsel vm4, $0x80, v0;
	v50 =	vunpack.c.0.s8.s32 v50;
	v49 =	vsel vm7, $0x6080, v49  }
0x2e: {  	v1 =	vsel vm4, $0x100, v1;
	v2 =	vsel vm4, $0x180, v2;
	v3 =	vsel vm4, $0x200, v3  }
0x2f: {  	v4 =	vsel vm4, $0x280, v4;
	v5 =	vsel vm4, $0x300, v5;
	v6 =	vsel vm4, $0x380, v6  }
0x30: {  	v7 =	vsel vm4, $0x1000, v7;
	v8 =	vsel vm4, $0x1080, v8;
	v9 =	vsel vm4, $0x1100, v9  }
0x31: {  	v10 =	vsel vm4, $0x1180, v10;
	v11 =	vsel vm4, $0x1200, v11;
	v12 =	vsel vm4, $0x1280, v12  }
0x32: {  	v13 =	vsel vm4, $0x1300, v13;
	v14 =	vsel vm4, $0x1380, v14;
	v15 =	vsel vm4, $0x2000, v15  }
0x33: {  	v16 =	vsel vm4, $0x2080, v16;
	v17 =	vsel vm4, $0x2100, v17;
	v18 =	vsel vm4, $0x2180, v18  }
0x34: {  	v19 =	vsel vm4, $0x2200, v19;
	v20 =	vsel vm4, $0x2280, v20;
	v21 =	vsel vm4, $0x2300, v21  }
0x35: {  	v22 =	vsel vm4, $0x2380, v22;
	v23 =	vsel vm4, $0x3000, v23;
	v24 =	vsel vm4, $0x3080, v24  }
0x36: {  	v25 =	vsel vm4, $0x3100, v25;
	v26 =	vsel vm4, $0x3180, v26;
	v27 =	vsel vm4, $0x3200, v27  }
0x37: {  	v28 =	vsel vm4, $0x3280, v28;
	v29 =	vsel vm4, $0x3300, v29;
	v30 =	vsel vm4, $0x3380, v30  }
0x38: {  	v31 =	vsel vm4, $0x4000, v31;
	v32 =	vsel vm4, $0x4080, v32;
	v33 =	vsel vm4, $0x4100, v33  }
0x39: {  	v34 =	vsel vm4, $0x4180, v34;
	v35 =	vsel vm4, $0x4200, v35;
	v36 =	vsel vm4, $0x4280, v36  }
0x3a: {  	v37 =	vsel vm4, $0x4300, v37;
	v38 =	vsel vm4, $0x4380, v38;
	v39 =	vsel vm4, $0x5000, v39  }
0x3b: {  	v40 =	vsel vm4, $0x5080, v40;
	v41 =	vsel vm4, $0x5100, v41;
	v42 =	vsel vm4, $0x5180, v42  }
0x3c: {  	v43 =	vsel vm4, $0x5200, v43;
	v44 =	vsel vm4, $0x5280, v44;
	v45 =	vsel vm4, $0x5300, v45  }
0x3d: {  	v46 =	vsel vm4, $0x5380, v46;
	v47 =	vsel vm4, $0x6000, v47;
	v48 =	vsel vm4, $0x6080, v48  }
0x3e: {  	v0 =	vsel vm6, $0x100, v0;
	v51 =	vunpack.c.0.s8.s32 v51;
	v54 =	vunpack.c.0.s8.s32 v54  }
0x3f: {  	v53 =	vunpack.c.0.s8.s32 v61;
	v55 =	vunpack.c.0.s8.s32 v62;
	v61 =	vimm.s32 $0xD0C0B0A  }
0x40: {  	v62 =	vimm.s32 $0xE0D0C0B;
	v49 =	vsel vm4, $0x6100, v49;
	v1 =	vsel vm6, $0x180, v1  }
0x41: {  	v2 =	vsel vm6, $0x200, v2;
	v3 =	vsel vm6, $0x280, v3;
	v4 =	vsel vm6, $0x300, v4  }
0x42: {  	v5 =	vsel vm6, $0x380, v5;
	v6 =	vsel vm6, $0x1000, v6;
	v7 =	vsel vm6, $0x1080, v7  }
0x43: {  	v8 =	vsel vm6, $0x1100, v8;
	v9 =	vsel vm6, $0x1180, v9;
	v10 =	vsel vm6, $0x1200, v10  }
0x44: {  	v11 =	vsel vm6, $0x1280, v11;
	v12 =	vsel vm6, $0x1300, v12;
	v13 =	vsel vm6, $0x1380, v13  }
0x45: {  	v14 =	vsel vm6, $0x2000, v14;
	v15 =	vsel vm6, $0x2080, v15;
	v16 =	vsel vm6, $0x2100, v16  }
0x46: {  	v17 =	vsel vm6, $0x2180, v17;
	v18 =	vsel vm6, $0x2200, v18;
	v19 =	vsel vm6, $0x2280, v19  }
0x47: {  	v20 =	vsel vm6, $0x2300, v20;
	v21 =	vsel vm6, $0x2380, v21;
	v22 =	vsel vm6, $0x3000, v22  }
0x48: {  	v23 =	vsel vm6, $0x3080, v23;
	v24 =	vsel vm6, $0x3100, v24;
	v25 =	vsel vm6, $0x3180, v25  }
0x49: {  	v26 =	vsel vm6, $0x3200, v26;
	v27 =	vsel vm6, $0x3280, v27;
	v28 =	vsel vm6, $0x3300, v28  }
0x4a: {  	v29 =	vsel vm6, $0x3380, v29;
	v30 =	vsel vm6, $0x4000, v30;
	v31 =	vsel vm6, $0x4080, v31  }
0x4b: {  	v32 =	vsel vm6, $0x4100, v32;
	v33 =	vsel vm6, $0x4180, v33;
	v34 =	vsel vm6, $0x4200, v34  }
0x4c: {  	v35 =	vsel vm6, $0x4280, v35;
	v36 =	vsel vm6, $0x4300, v36;
	v37 =	vsel vm6, $0x4380, v37  }
0x4d: {  	v38 =	vsel vm6, $0x5000, v38;
	v39 =	vsel vm6, $0x5080, v39;
	v40 =	vsel vm6, $0x5100, v40  }
0x4e: {  	v41 =	vsel vm6, $0x5180, v41;
	v42 =	vsel vm6, $0x5200, v42;
	v43 =	vsel vm6, $0x5280, v43  }
0x4f: {  	v44 =	vsel vm6, $0x5300, v44;
	v45 =	vsel vm6, $0x5380, v45;
	v46 =	vsel vm6, $0x6000, v46  }
0x50: {  	v47 =	vsel vm6, $0x6080, v47;
	v48 =	vsel vm6, $0x6100, v48;
	v0 =	vsel vm5, $0x180, v0  }
0x51: {  	v49 =	vsel vm6, $0x6180, v49;
	v1 =	vsel vm5, $0x200, v1;
	v2 =	vsel vm5, $0x280, v2  }
0x52: {  	v3 =	vsel vm5, $0x300, v3;
	v4 =	vsel vm5, $0x380, v4;
	v5 =	vsel vm5, $0x1000, v5  }
0x53: {  	v6 =	vsel vm5, $0x1080, v6;
	v7 =	vsel vm5, $0x1100, v7;
	v8 =	vsel vm5, $0x1180, v8  }
0x54: {  	v9 =	vsel vm5, $0x1200, v9;
	v10 =	vsel vm5, $0x1280, v10;
	v11 =	vsel vm5, $0x1300, v11  }
0x55: {  	v12 =	vsel vm5, $0x1380, v12;
	v13 =	vsel vm5, $0x2000, v13;
	v14 =	vsel vm5, $0x2080, v14  }
0x56: {  	v15 =	vsel vm5, $0x2100, v15;
	v16 =	vsel vm5, $0x2180, v16;
	v17 =	vsel vm5, $0x2200, v17  }
0x57: {  	v18 =	vsel vm5, $0x2280, v18;
	v19 =	vsel vm5, $0x2300, v19;
	v20 =	vsel vm5, $0x2380, v20  }
0x58: {  	v21 =	vsel vm5, $0x3000, v21;
	v22 =	vsel vm5, $0x3080, v22;
	v23 =	vsel vm5, $0x3100, v23  }
0x59: {  	v24 =	vsel vm5, $0x3180, v24;
	v25 =	vsel vm5, $0x3200, v25;
	v26 =	vsel vm5, $0x3280, v26  }
0x5a: {  	v27 =	vsel vm5, $0x3300, v27;
	v28 =	vsel vm5, $0x3380, v28;
	v29 =	vsel vm5, $0x4000, v29  }
0x5b: {  	v30 =	vsel vm5, $0x4080, v30;
	v31 =	vsel vm5, $0x4100, v31;
	v32 =	vsel vm5, $0x4180, v32  }
0x5c: {  	v33 =	vsel vm5, $0x4200, v33;
	v34 =	vsel vm5, $0x4280, v34;
	v35 =	vsel vm5, $0x4300, v35  }
0x5d: {  	v36 =	vsel vm5, $0x4380, v36;
	v37 =	vsel vm5, $0x5000, v37;
	v38 =	vsel vm5, $0x5080, v38  }
0x5e: {  	v39 =	vsel vm5, $0x5100, v39;
	v40 =	vsel vm5, $0x5180, v40;
	v41 =	vsel vm5, $0x5200, v41  }
0x5f: {  	v42 =	vsel vm5, $0x5280, v42;
	v43 =	vsel vm5, $0x5300, v43;
	v44 =	vsel vm5, $0x5380, v44  }
0x60: {  	v45 =	vsel vm5, $0x6000, v45;
	v46 =	vsel vm5, $0x6080, v46;
	v47 =	vsel vm5, $0x6100, v47  }
0x61: {  	v48 =	vsel vm5, $0x6180, v48;
	v0 =	vsel vm3, $0x200, v0;
	v51 =	vand.u32 $0xF, v51  }
0x62: {  	v54 =	vand.u32 $0xF, v54;
	v53 =	vand.u32 $0xF, v53;
	v55 =	vand.u32 $0xF, v55  }
0x63: {  	v49 =	vsel vm5, $0x6200, v49;
	v1 =	vsel vm3, $0x280, v1;
	v2 =	vsel vm3, $0x300, v2  }
0x64: {  	v3 =	vsel vm3, $0x380, v3;
	v4 =	vsel vm3, $0x1000, v4;
	v5 =	vsel vm3, $0x1080, v5  }
0x65: {  	v6 =	vsel vm3, $0x1100, v6;
	v7 =	vsel vm3, $0x1180, v7;
	v8 =	vsel vm3, $0x1200, v8  }
0x66: {  	v9 =	vsel vm3, $0x1280, v9;
	v10 =	vsel vm3, $0x1300, v10;
	v11 =	vsel vm3, $0x1380, v11  }
0x67: {  	v12 =	vsel vm3, $0x2000, v12;
	v13 =	vsel vm3, $0x2080, v13;
	v14 =	vsel vm3, $0x2100, v14  }
0x68: {  	v15 =	vsel vm3, $0x2180, v15;
	v16 =	vsel vm3, $0x2200, v16;
	v17 =	vsel vm3, $0x2280, v17  }
0x69: {  	v18 =	vsel vm3, $0x2300, v18;
	v19 =	vsel vm3, $0x2380, v19;
	v20 =	vsel vm3, $0x3000, v20  }
0x6a: {  	v21 =	vsel vm3, $0x3080, v21;
	v22 =	vsel vm3, $0x3100, v22;
	v23 =	vsel vm3, $0x3180, v23  }
0x6b: {  	v24 =	vsel vm3, $0x3200, v24;
	v25 =	vsel vm3, $0x3280, v25;
	v26 =	vsel vm3, $0x3300, v26  }
0x6c: {  	v27 =	vsel vm3, $0x3380, v27;
	v28 =	vsel vm3, $0x4000, v28;
	v29 =	vsel vm3, $0x4080, v29  }
0x6d: {  	v30 =	vsel vm3, $0x4100, v30;
	v31 =	vsel vm3, $0x4180, v31;
	v32 =	vsel vm3, $0x4200, v32  }
0x6e: {  	v33 =	vsel vm3, $0x4280, v33;
	v34 =	vsel vm3, $0x4300, v34;
	v35 =	vsel vm3, $0x4380, v35  }
0x6f: {  	v36 =	vsel vm3, $0x5000, v36;
	v37 =	vsel vm3, $0x5080, v37;
	v38 =	vsel vm3, $0x5100, v38  }
0x70: {  	v39 =	vsel vm3, $0x5180, v39;
	v40 =	vsel vm3, $0x5200, v40;
	v41 =	vsel vm3, $0x5280, v41  }
0x71: {  	v42 =	vsel vm3, $0x5300, v42;
	v43 =	vsel vm3, $0x5380, v43;
	v44 =	vsel vm3, $0x6000, v44  }
0x72: {  	v45 =	vsel vm3, $0x6080, v45;
	v46 =	vsel vm3, $0x6100, v46;
	v47 =	vsel vm3, $0x6180, v47  }
0x73: {  	v48 =	vsel vm3, $0x6200, v48;
	v0 =	vsel vm2, $0x280, v0;
	v51 =	vsel vm0, v51, v59  }
0x74: {  	[tilespmem:$0x1FD20] =	vst v57;
	v54 =	vsel vm0, v54, v57;
	v53 =	vsel vm0, v53, v58;
	v55 =	vsel vm0, v55, v60  }
0x75: {  	[tilespmem:$0x1FA80] =	vst v60;
	vm0 =	vcmask $0x3F30;
	v60 =	vimm.s32 $0xC0B0A09;
	v57 =	vunpack.c.0.s8.s32 v62  }
0x76: {  	[tilespmem:$0x1FA70] =	vst v58;
	v58 =	vunpack.c.0.s8.s32 v63;
	v63 =	vimm.s32 $0x100;
	v49 =	vsel vm3, $0x6280, v49  }
0x77: {  	v1 =	vsel vm2, $0x300, v1;
	v2 =	vsel vm2, $0x380, v2;
	v3 =	vsel vm2, $0x1000, v3  }
0x78: {  	v4 =	vsel vm2, $0x1080, v4;
	v5 =	vsel vm2, $0x1100, v5;
	v6 =	vsel vm2, $0x1180, v6  }
0x79: {  	v7 =	vsel vm2, $0x1200, v7;
	v8 =	vsel vm2, $0x1280, v8;
	v9 =	vsel vm2, $0x1300, v9  }
0x7a: {  	v10 =	vsel vm2, $0x1380, v10;
	v11 =	vsel vm2, $0x2000, v11;
	v12 =	vsel vm2, $0x2080, v12  }
0x7b: {  	v13 =	vsel vm2, $0x2100, v13;
	v14 =	vsel vm2, $0x2180, v14;
	v15 =	vsel vm2, $0x2200, v15  }
0x7c: {  	v16 =	vsel vm2, $0x2280, v16;
	v17 =	vsel vm2, $0x2300, v17;
	v18 =	vsel vm2, $0x2380, v18  }
0x7d: {  	v19 =	vsel vm2, $0x3000, v19;
	v20 =	vsel vm2, $0x3080, v20;
	v21 =	vsel vm2, $0x3100, v21  }
0x7e: {  	v22 =	vsel vm2, $0x3180, v22;
	v23 =	vsel vm2, $0x3200, v23;
	v24 =	vsel vm2, $0x3280, v24  }
0x7f: {  	v25 =	vsel vm2, $0x3300, v25;
	v26 =	vsel vm2, $0x3380, v26;
	v27 =	vsel vm2, $0x4000, v27  }
0x80: {  	v28 =	vsel vm2, $0x4080, v28;
	v29 =	vsel vm2, $0x4100, v29;
	v30 =	vsel vm2, $0x4180, v30  }
0x81: {  	v31 =	vsel vm2, $0x4200, v31;
	v32 =	vsel vm2, $0x4280, v32;
	v33 =	vsel vm2, $0x4300, v33  }
0x82: {  	v34 =	vsel vm2, $0x4380, v34;
	v35 =	vsel vm2, $0x5000, v35;
	v36 =	vsel vm2, $0x5080, v36  }
0x83: {  	v37 =	vsel vm2, $0x5100, v37;
	v38 =	vsel vm2, $0x5180, v38;
	v39 =	vsel vm2, $0x5200, v39  }
0x84: {  	v40 =	vsel vm2, $0x5280, v40;
	v41 =	vsel vm2, $0x5300, v41;
	v42 =	vsel vm2, $0x5380, v42  }
0x85: {  	v43 =	vsel vm2, $0x6000, v43;
	v44 =	vsel vm2, $0x6080, v44;
	v45 =	vsel vm2, $0x6100, v45  }
0x86: {  	v46 =	vsel vm2, $0x6180, v46;
	v47 =	vsel vm2, $0x6200, v47;
	v48 =	vsel vm2, $0x6280, v48  }
0x87: {  	v51 =	vsel vm0, v56, v51;
	v56 =	vunpack.c.0.s8.s32 v61;
	v0 =	vsel vm1, $0x300, v0  }
0x88: {  	v49 =	vsel vm2, $0x6300, v49;
	v1 =	vsel vm1, $0x380, v1;
	v2 =	vsel vm1, $0x1000, v2  }
0x89: {  	v3 =	vsel vm1, $0x1080, v3;
	v4 =	vsel vm1, $0x1100, v4;
	v5 =	vsel vm1, $0x1180, v5  }
0x8a: {  	v6 =	vsel vm1, $0x1200, v6;
	v7 =	vsel vm1, $0x1280, v7;
	v8 =	vsel vm1, $0x1300, v8  }
0x8b: {  	v9 =	vsel vm1, $0x1380, v9;
	v10 =	vsel vm1, $0x2000, v10;
	v11 =	vsel vm1, $0x2080, v11  }
0x8c: {  	v12 =	vsel vm1, $0x2100, v12;
	v13 =	vsel vm1, $0x2180, v13;
	v14 =	vsel vm1, $0x2200, v14  }
0x8d: {  	v15 =	vsel vm1, $0x2280, v15;
	v16 =	vsel vm1, $0x2300, v16;
	v17 =	vsel vm1, $0x2380, v17  }
0x8e: {  	v18 =	vsel vm1, $0x3000, v18;
	v19 =	vsel vm1, $0x3080, v19;
	v20 =	vsel vm1, $0x3100, v20  }
0x8f: {  	v21 =	vsel vm1, $0x3180, v21;
	v22 =	vsel vm1, $0x3200, v22;
	v23 =	vsel vm1, $0x3280, v23  }
0x90: {  	v24 =	vsel vm1, $0x3300, v24;
	v25 =	vsel vm1, $0x3380, v25;
	v26 =	vsel vm1, $0x4000, v26  }
0x91: {  	v27 =	vsel vm1, $0x4080, v27;
	v28 =	vsel vm1, $0x4100, v28;
	v29 =	vsel vm1, $0x4180, v29  }
0x92: {  	v30 =	vsel vm1, $0x4200, v30;
	v31 =	vsel vm1, $0x4280, v31;
	v32 =	vsel vm1, $0x4300, v32  }
0x93: {  	v33 =	vsel vm1, $0x4380, v33;
	v34 =	vsel vm1, $0x5000, v34;
	v35 =	vsel vm1, $0x5080, v35  }
0x94: {  	v36 =	vsel vm1, $0x5100, v36;
	v37 =	vsel vm1, $0x5180, v37;
	v38 =	vsel vm1, $0x5200, v38  }
0x95: {  	v39 =	vsel vm1, $0x5280, v39;
	v40 =	vsel vm1, $0x5300, v40;
	v41 =	vsel vm1, $0x5380, v41  }
0x96: {  	v42 =	vsel vm1, $0x6000, v42;
	v43 =	vsel vm1, $0x6080, v43;
	v44 =	vsel vm1, $0x6100, v44  }
0x97: {  	v45 =	vsel vm1, $0x6180, v45;
	v46 =	vsel vm1, $0x6200, v46;
	v47 =	vsel vm1, $0x6280, v47  }
0x98: {  	v48 =	vsel vm1, $0x6300, v48;
	[tilespmem:$0x1FA00] =	vst v51;
	v51 =	vunpack.c.0.s8.s32 v60;
	v62 =	vsel vm0, v57, v55  }
0x99: {  	v57 =	vimm.s32 $0x180;
	v0 =	vsel vm14, $0x380, v0;
	v49 =	vsel vm1, $0x6380, v49  }
0x9a: {  	v1 =	vsel vm14, $0x1000, v1;
	v2 =	vsel vm14, $0x1080, v2;
	v3 =	vsel vm14, $0x1100, v3  }
0x9b: {  	v4 =	vsel vm14, $0x1180, v4;
	v5 =	vsel vm14, $0x1200, v5;
	v6 =	vsel vm14, $0x1280, v6  }
0x9c: {  	v7 =	vsel vm14, $0x1300, v7;
	v8 =	vsel vm14, $0x1380, v8;
	v9 =	vsel vm14, $0x2000, v9  }
0x9d: {  	v10 =	vsel vm14, $0x2080, v10;
	v11 =	vsel vm14, $0x2100, v11;
	v12 =	vsel vm14, $0x2180, v12  }
0x9e: {  	v13 =	vsel vm14, $0x2200, v13;
	v14 =	vsel vm14, $0x2280, v14;
	v15 =	vsel vm14, $0x2300, v15  }
0x9f: {  	v16 =	vsel vm14, $0x2380, v16;
	v17 =	vsel vm14, $0x3000, v17;
	v18 =	vsel vm14, $0x3080, v18  }
0xa0: {  	v19 =	vsel vm14, $0x3100, v19;
	v20 =	vsel vm14, $0x3180, v20;
	v21 =	vsel vm14, $0x3200, v21  }
0xa1: {  	v22 =	vsel vm14, $0x3280, v22;
	v23 =	vsel vm14, $0x3300, v23;
	v24 =	vsel vm14, $0x3380, v24  }
0xa2: {  	v25 =	vsel vm14, $0x4000, v25;
	v26 =	vsel vm14, $0x4080, v26;
	v27 =	vsel vm14, $0x4100, v27  }
0xa3: {  	v28 =	vsel vm14, $0x4180, v28;
	v29 =	vsel vm14, $0x4200, v29;
	v30 =	vsel vm14, $0x4280, v30  }
0xa4: {  	v31 =	vsel vm14, $0x4300, v31;
	v32 =	vsel vm14, $0x4380, v32;
	v33 =	vsel vm14, $0x5000, v33  }
0xa5: {  	v34 =	vsel vm14, $0x5080, v34;
	v35 =	vsel vm14, $0x5100, v35;
	v36 =	vsel vm14, $0x5180, v36  }
0xa6: {  	v37 =	vsel vm14, $0x5200, v37;
	v38 =	vsel vm14, $0x5280, v38;
	v39 =	vsel vm14, $0x5300, v39  }
0xa7: {  	v40 =	vsel vm14, $0x5380, v40;
	v41 =	vsel vm14, $0x6000, v41;
	v42 =	vsel vm14, $0x6080, v42  }
0xa8: {  	v43 =	vsel vm14, $0x6100, v43;
	v44 =	vsel vm14, $0x6180, v44;
	v45 =	vsel vm14, $0x6200, v45  }
0xa9: {  	v46 =	vsel vm14, $0x6280, v46;
	v47 =	vsel vm14, $0x6300, v47;
	v48 =	vsel vm14, $0x6380, v48  }
0xaa: {  	v61 =	vsel vm0, v56, v53;
	[tilespmem:$0x1FA30] =	vst v62;
	v62 =	vimm.s32 $0x1000;
	v0 =	vsel vm15, $0x1000, v0  }
0xab: {  	v49 =	vsel vm14, $0x7000, v49;
	v1 =	vsel vm15, $0x1080, v1;
	v2 =	vsel vm15, $0x1100, v2  }
0xac: {  	v3 =	vsel vm15, $0x1180, v3;
	v4 =	vsel vm15, $0x1200, v4;
	v5 =	vsel vm15, $0x1280, v5  }
0xad: {  	v6 =	vsel vm15, $0x1300, v6;
	v7 =	vsel vm15, $0x1380, v7;
	v8 =	vsel vm15, $0x2000, v8  }
0xae: {  	v9 =	vsel vm15, $0x2080, v9;
	v10 =	vsel vm15, $0x2100, v10;
	v11 =	vsel vm15, $0x2180, v11  }
0xaf: {  	v12 =	vsel vm15, $0x2200, v12;
	v13 =	vsel vm15, $0x2280, v13;
	v14 =	vsel vm15, $0x2300, v14  }
0xb0: {  	v15 =	vsel vm15, $0x2380, v15;
	v16 =	vsel vm15, $0x3000, v16;
	v17 =	vsel vm15, $0x3080, v17  }
0xb1: {  	v18 =	vsel vm15, $0x3100, v18;
	v19 =	vsel vm15, $0x3180, v19;
	v20 =	vsel vm15, $0x3200, v20  }
0xb2: {  	v21 =	vsel vm15, $0x3280, v21;
	v22 =	vsel vm15, $0x3300, v22;
	v23 =	vsel vm15, $0x3380, v23  }
0xb3: {  	v24 =	vsel vm15, $0x4000, v24;
	v25 =	vsel vm15, $0x4080, v25;
	v26 =	vsel vm15, $0x4100, v26  }
0xb4: {  	v27 =	vsel vm15, $0x4180, v27;
	v28 =	vsel vm15, $0x4200, v28;
	v29 =	vsel vm15, $0x4280, v29  }
0xb5: {  	v30 =	vsel vm15, $0x4300, v30;
	v31 =	vsel vm15, $0x4380, v31;
	v32 =	vsel vm15, $0x5000, v32  }
0xb6: {  	v33 =	vsel vm15, $0x5080, v33;
	v34 =	vsel vm15, $0x5100, v34;
	v35 =	vsel vm15, $0x5180, v35  }
0xb7: {  	v36 =	vsel vm15, $0x5200, v36;
	v37 =	vsel vm15, $0x5280, v37;
	v38 =	vsel vm15, $0x5300, v38  }
0xb8: {  	v39 =	vsel vm15, $0x5380, v39;
	v40 =	vsel vm15, $0x6000, v40;
	v41 =	vsel vm15, $0x6080, v41  }
0xb9: {  	v42 =	vsel vm15, $0x6100, v42;
	v43 =	vsel vm15, $0x6180, v43;
	v44 =	vsel vm15, $0x6200, v44  }
0xba: {  	v45 =	vsel vm15, $0x6280, v45;
	v46 =	vsel vm15, $0x6300, v46;
	v47 =	vsel vm15, $0x6380, v47  }
0xbb: {  	v48 =	vsel vm15, $0x7000, v48;
	v51 =	vsel vm0, v51, v54;
	v54 =	vimm.s32 $0x3B3A3938  }
0xbc: {  	[tilespmem:$0x1FA20] =	vst v61;
	vm0 =	vcmask $0x1F10;
	v61 =	vimm.s32 $0x380;
	v49 =	vsel vm15, $0x7080, v49  }
0xbd: {  	[tilespmem:$0x1FA10] =	vst v51;
	v60 =	vunpack.c.0.s8.s32 v54;
	v51 =	vsel vm7, $0x6100, v52;
	v50 =	vsel vm0, v50, v59  }
0xbe: {  	[tilespmem:$0x1FA40] =	vst v59;
	v52 =	vsel vm7, $0x6180, v63;
	v59 =	vimm.s32 $0x280;
	v63 =	vimm.s32 $0x1080  }
0xbf: {  	v54 =	vsel vm7, $0x6300, v59;
	v59 =	vimm.s32 $0x1100;
	v51 =	vsel vm4, $0x6180, v51  }
0xc0: {  	v52 =	vsel vm4, $0x6200, v52;
	v56 =	vsel vm0, v60, v58;
	v58 =	vimm.s32 $0x200  }
0xc1: {  	[tilespmem:$0x1FA50] =	vst v60;
	v60 =	vimm.s32 $0x300;
	v59 =	vsel vm7, $0x7180, v59;
	v54 =	vsel vm4, $0x6380, v54  }
0xc2: {  	v51 =	vsel vm6, $0x6200, v51;
	v52 =	vsel vm6, $0x6280, v52;
	v50 =	vcombine.low v56, v50  }
0xc3: {  	v53 =	vsel vm7, $0x6280, v58;
	v55 =	vsel vm7, $0x6380, v60;
	v56 =	vsel vm7, $0x7000, v61  }
0xc4: {  	v58 =	vsel vm7, $0x7100, v63;
	v60 =	vimm.s32 $0x1180;
	v61 =	vimm.s32 $0x1200  }
0xc5: {  	v63 =	vimm.s32 $0x1300;
	v59 =	vsel vm4, $0x7200, v59;
	v54 =	vsel vm6, $0x7000, v54  }
0xc6: {  	v51 =	vsel vm5, $0x6280, v51;
	v52 =	vsel vm5, $0x6300, v52;
	v60 =	vsel vm7, $0x7200, v60  }
0xc7: {  	v61 =	vsel vm7, $0x7280, v61;
	v63 =	vsel vm7, $0x7380, v63;
	v53 =	vsel vm4, $0x6300, v53  }
0xc8: {  	v55 =	vsel vm4, $0x7000, v55;
	v56 =	vsel vm4, $0x7080, v56;
	v58 =	vsel vm4, $0x7180, v58  }
0xc9: {  	v59 =	vsel vm6, $0x7280, v59;
	v54 =	vsel vm5, $0x7080, v54;
	v51 =	vsel vm3, $0x6300, v51  }
0xca: {  	v52 =	vsel vm3, $0x6380, v52;
	[tilespmem:$0x1FA60] =	vst v50;
	v50 =	vsel vm7, $0x6200, v57;
	v57 =	vsel vm7, $0x7080, v62  }
0xcb: {  	v62 =	vimm.s32 $0x1280;
	v60 =	vsel vm4, $0x7280, v60;
	v61 =	vsel vm4, $0x7300, v61  }
0xcc: {  	v63 =	vsel vm4, $0x0, v63;
	v53 =	vsel vm6, $0x6380, v53;
	v55 =	vsel vm6, $0x7080, v55  }
0xcd: {  	v56 =	vsel vm6, $0x7100, v56;
	v58 =	vsel vm6, $0x7200, v58;
	v59 =	vsel vm5, $0x7300, v59  }
0xce: {  	v54 =	vsel vm3, $0x7100, v54;
	v51 =	vsel vm2, $0x6380, v51;
	v52 =	vsel vm2, $0x7000, v52  }
0xcf: {  	v62 =	vsel vm7, $0x7300, v62;
	v50 =	vsel vm4, $0x6280, v50;
	v57 =	vsel vm4, $0x7100, v57  }
0xd0: {  	v60 =	vsel vm6, $0x7300, v60;
	v61 =	vsel vm6, $0x7380, v61;
	v63 =	vsel vm6, $0x80, v63  }
0xd1: {  	v53 =	vsel vm5, $0x7000, v53;
	v55 =	vsel vm5, $0x7100, v55;
	v56 =	vsel vm5, $0x7180, v56  }
0xd2: {  	v58 =	vsel vm5, $0x7280, v58;
	v59 =	vsel vm3, $0x7380, v59;
	v54 =	vsel vm2, $0x7180, v54  }
0xd3: {  	v51 =	vsel vm1, $0x7000, v51;
	v52 =	vsel vm1, $0x7080, v52;
	v62 =	vsel vm4, $0x7380, v62  }
0xd4: {  	v50 =	vsel vm6, $0x6300, v50;
	v57 =	vsel vm6, $0x7180, v57;
	v60 =	vsel vm5, $0x7380, v60  }
0xd5: {  	v61 =	vsel vm5, $0x0, v61;
	v63 =	vsel vm5, $0x100, v63;
	v53 =	vsel vm3, $0x7080, v53  }
0xd6: {  	v55 =	vsel vm3, $0x7180, v55;
	v56 =	vsel vm3, $0x7200, v56;
	v58 =	vsel vm3, $0x7300, v58  }
0xd7: {  	v59 =	vsel vm2, $0x0, v59;
	v54 =	vsel vm1, $0x7200, v54;
	v51 =	vsel vm14, $0x7080, v51  }
0xd8: {  	v52 =	vsel vm14, $0x7100, v52;
	v62 =	vsel vm6, $0x0, v62;
	v50 =	vsel vm5, $0x6380, v50  }
0xd9: {  	v57 =	vsel vm5, $0x7200, v57;
	v60 =	vsel vm3, $0x0, v60;
	v61 =	vsel vm3, $0x80, v61  }
0xda: {  	v63 =	vsel vm3, $0x180, v63;
	v53 =	vsel vm2, $0x7100, v53;
	v55 =	vsel vm2, $0x7200, v55  }
0xdb: {  	v56 =	vsel vm2, $0x7280, v56;
	v58 =	vsel vm2, $0x7380, v58;
	v59 =	vsel vm1, $0x80, v59  }
0xdc: {  	v54 =	vsel vm14, $0x7280, v54;
	v51 =	vsel vm15, $0x7100, v51;
	v52 =	vsel vm15, $0x7180, v52  }
0xdd: {  	v62 =	vsel vm5, $0x80, v62;
	v50 =	vsel vm3, $0x7000, v50;
	v57 =	vsel vm3, $0x7280, v57  }
0xde: {  	v60 =	vsel vm2, $0x80, v60;
	v61 =	vsel vm2, $0x100, v61;
	v63 =	vsel vm2, $0x200, v63  }
0xdf: {  	v53 =	vsel vm1, $0x7180, v53;
	v55 =	vsel vm1, $0x7280, v55;
	v56 =	vsel vm1, $0x7300, v56  }
0xe0: {  	v58 =	vsel vm1, $0x0, v58;
	v59 =	vsel vm14, $0x100, v59;
	v54 =	vsel vm15, $0x7300, v54  }
0xe1: {  	v62 =	vsel vm3, $0x100, v62;
	vm3 =	vcmask $0x2724;
	v50 =	vsel vm2, $0x7080, v50  }
0xe2: {  	v57 =	vsel vm2, $0x7300, v57;
	v60 =	vsel vm1, $0x100, v60;
	v61 =	vsel vm1, $0x180, v61  }
0xe3: {  	v63 =	vsel vm1, $0x280, v63;
	v53 =	vsel vm14, $0x7200, v53;
	v55 =	vsel vm14, $0x7300, v55  }
0xe4: {  	v56 =	vsel vm14, $0x7380, v56;
	v58 =	vsel vm14, $0x80, v58;
	v59 =	vsel vm15, $0x180, v59  }
0xe5: {  	v62 =	vsel vm2, $0x180, v62;
	v0 =	vsel vm3, $0x1080, v0;
	v50 =	vsel vm1, $0x7100, v50  }
0xe6: {  	v57 =	vsel vm1, $0x7380, v57;
	v60 =	vsel vm14, $0x180, v60;
	v61 =	vsel vm14, $0x200, v61  }
0xe7: {  	v63 =	vsel vm14, $0x300, v63;
	v53 =	vsel vm15, $0x7280, v53;
	v55 =	vsel vm15, $0x7380, v55  }
0xe8: {  	v56 =	vsel vm15, $0x0, v56;
	v58 =	vsel vm15, $0x100, v58;
	vm2 =	vcmask $0x2F2C  }
0xe9: {  	v1 =	vsel vm3, $0x1100, v1;
	v2 =	vsel vm3, $0x1180, v2;
	v3 =	vsel vm3, $0x1200, v3  }
0xea: {  	v4 =	vsel vm3, $0x1280, v4;
	v5 =	vsel vm3, $0x1300, v5;
	v6 =	vsel vm3, $0x1380, v6  }
0xeb: {  	v7 =	vsel vm3, $0x2000, v7;
	v8 =	vsel vm3, $0x2080, v8;
	v9 =	vsel vm3, $0x2100, v9  }
0xec: {  	v10 =	vsel vm3, $0x2180, v10;
	v11 =	vsel vm3, $0x2200, v11;
	v12 =	vsel vm3, $0x2280, v12  }
0xed: {  	v13 =	vsel vm3, $0x2300, v13;
	v14 =	vsel vm3, $0x2380, v14;
	v15 =	vsel vm3, $0x3000, v15  }
0xee: {  	v16 =	vsel vm3, $0x3080, v16;
	v17 =	vsel vm3, $0x3100, v17;
	v18 =	vsel vm3, $0x3180, v18  }
0xef: {  	v19 =	vsel vm3, $0x3200, v19;
	v20 =	vsel vm3, $0x3280, v20;
	v21 =	vsel vm3, $0x3300, v21  }
0xf0: {  	v22 =	vsel vm3, $0x3380, v22;
	v23 =	vsel vm3, $0x4000, v23;
	v24 =	vsel vm3, $0x4080, v24  }
0xf1: {  	v25 =	vsel vm3, $0x4100, v25;
	v26 =	vsel vm3, $0x4180, v26;
	v27 =	vsel vm3, $0x4200, v27  }
0xf2: {  	v28 =	vsel vm3, $0x4280, v28;
	v29 =	vsel vm3, $0x4300, v29;
	v30 =	vsel vm3, $0x4380, v30  }
0xf3: {  	v31 =	vsel vm3, $0x5000, v31;
	v32 =	vsel vm3, $0x5080, v32;
	v33 =	vsel vm3, $0x5100, v33  }
0xf4: {  	v34 =	vsel vm3, $0x5180, v34;
	v35 =	vsel vm3, $0x5200, v35;
	v36 =	vsel vm3, $0x5280, v36  }
0xf5: {  	v37 =	vsel vm3, $0x5300, v37;
	v38 =	vsel vm3, $0x5380, v38;
	v39 =	vsel vm3, $0x6000, v39  }
0xf6: {  	v40 =	vsel vm3, $0x6080, v40;
	v41 =	vsel vm3, $0x6100, v41;
	v42 =	vsel vm3, $0x6180, v42  }
0xf7: {  	v43 =	vsel vm3, $0x6200, v43;
	v44 =	vsel vm3, $0x6280, v44;
	v45 =	vsel vm3, $0x6300, v45  }
0xf8: {  	v46 =	vsel vm3, $0x6380, v46;
	v47 =	vsel vm3, $0x7000, v47;
	v48 =	vsel vm3, $0x7080, v48  }
0xf9: {  	v49 =	vsel vm3, $0x7100, v49;
	v51 =	vsel vm3, $0x7180, v51;
	v52 =	vsel vm3, $0x7200, v52  }
0xfa: {  	v54 =	vsel vm3, $0x7380, v54;
	v59 =	vsel vm3, $0x200, v59;
	v62 =	vsel vm1, $0x200, v62  }
0xfb: {  	vm1 =	vcmask $0x2B28;
	v50 =	vsel vm14, $0x7180, v50;
	v57 =	vsel vm14, $0x0, v57  }
0xfc: {  	v60 =	vsel vm15, $0x200, v60;
	v61 =	vsel vm15, $0x280, v61;
	v63 =	vsel vm15, $0x380, v63  }
0xfd: {  	v53 =	vsel vm3, $0x7300, v53;
	v55 =	vsel vm3, $0x0, v55;
	v56 =	vsel vm3, $0x80, v56  }
0xfe: {  	v58 =	vsel vm3, $0x180, v58;
	v62 =	vsel vm14, $0x280, v62;
	v0 =	vsel vm1, $0x1100, v0  }
0xff: {  	v50 =	vsel vm15, $0x7200, v50;
	v57 =	vsel vm15, $0x80, v57;
	v60 =	vsel vm3, $0x280, v60  }
0x100: {  	v61 =	vsel vm3, $0x300, v61;
	v63 =	vsel vm3, $0x1000, v63;
	v1 =	vsel vm1, $0x1180, v1  }
0x101: {  	v2 =	vsel vm1, $0x1200, v2;
	v3 =	vsel vm1, $0x1280, v3;
	v4 =	vsel vm1, $0x1300, v4  }
0x102: {  	v5 =	vsel vm1, $0x1380, v5;
	v6 =	vsel vm1, $0x2000, v6;
	v7 =	vsel vm1, $0x2080, v7  }
0x103: {  	v8 =	vsel vm1, $0x2100, v8;
	v9 =	vsel vm1, $0x2180, v9;
	v10 =	vsel vm1, $0x2200, v10  }
0x104: {  	v11 =	vsel vm1, $0x2280, v11;
	v12 =	vsel vm1, $0x2300, v12;
	v13 =	vsel vm1, $0x2380, v13  }
0x105: {  	v14 =	vsel vm1, $0x3000, v14;
	v15 =	vsel vm1, $0x3080, v15;
	v16 =	vsel vm1, $0x3100, v16  }
0x106: {  	v17 =	vsel vm1, $0x3180, v17;
	v18 =	vsel vm1, $0x3200, v18;
	v19 =	vsel vm1, $0x3280, v19  }
0x107: {  	v20 =	vsel vm1, $0x3300, v20;
	v21 =	vsel vm1, $0x3380, v21;
	v22 =	vsel vm1, $0x4000, v22  }
0x108: {  	v23 =	vsel vm1, $0x4080, v23;
	v24 =	vsel vm1, $0x4100, v24;
	v25 =	vsel vm1, $0x4180, v25  }
0x109: {  	v26 =	vsel vm1, $0x4200, v26;
	v27 =	vsel vm1, $0x4280, v27;
	v28 =	vsel vm1, $0x4300, v28  }
0x10a: {  	v29 =	vsel vm1, $0x4380, v29;
	v30 =	vsel vm1, $0x5000, v30;
	v31 =	vsel vm1, $0x5080, v31  }
0x10b: {  	v32 =	vsel vm1, $0x5100, v32;
	v33 =	vsel vm1, $0x5180, v33;
	v34 =	vsel vm1, $0x5200, v34  }
0x10c: {  	v35 =	vsel vm1, $0x5280, v35;
	v36 =	vsel vm1, $0x5300, v36;
	v37 =	vsel vm1, $0x5380, v37  }
0x10d: {  	v38 =	vsel vm1, $0x6000, v38;
	v39 =	vsel vm1, $0x6080, v39;
	v40 =	vsel vm1, $0x6100, v40  }
0x10e: {  	v41 =	vsel vm1, $0x6180, v41;
	v42 =	vsel vm1, $0x6200, v42;
	v43 =	vsel vm1, $0x6280, v43  }
0x10f: {  	v44 =	vsel vm1, $0x6300, v44;
	v45 =	vsel vm1, $0x6380, v45;
	v46 =	vsel vm1, $0x7000, v46  }
0x110: {  	v47 =	vsel vm1, $0x7080, v47;
	v48 =	vsel vm1, $0x7100, v48;
	v49 =	vsel vm1, $0x7180, v49  }
0x111: {  	v51 =	vsel vm1, $0x7200, v51;
	v52 =	vsel vm1, $0x7280, v52;
	v53 =	vsel vm1, $0x7380, v53  }
0x112: {  	v54 =	vsel vm1, $0x0, v54;
	v55 =	vsel vm1, $0x80, v55;
	v56 =	vsel vm1, $0x100, v56  }
0x113: {  	v58 =	vsel vm1, $0x200, v58;
	v59 =	vsel vm1, $0x280, v59;
	v62 =	vsel vm15, $0x300, v62  }
0x114: {  	v0 =	vsel vm2, $0x1180, v0;
	v50 =	vsel vm3, $0x7280, v50;
	v57 =	vsel vm3, $0x100, v57  }
0x115: {  	v60 =	vsel vm1, $0x300, v60;
	v61 =	vsel vm1, $0x380, v61;
	v63 =	vsel vm1, $0x1080, v63  }
0x116: {  	v1 =	vsel vm2, $0x1200, v1;
	v2 =	vsel vm2, $0x1280, v2;
	v3 =	vsel vm2, $0x1300, v3  }
0x117: {  	v4 =	vsel vm2, $0x1380, v4;
	v5 =	vsel vm2, $0x2000, v5;
	v6 =	vsel vm2, $0x2080, v6  }
0x118: {  	v7 =	vsel vm2, $0x2100, v7;
	v8 =	vsel vm2, $0x2180, v8;
	v9 =	vsel vm2, $0x2200, v9  }
0x119: {  	v10 =	vsel vm2, $0x2280, v10;
	v11 =	vsel vm2, $0x2300, v11;
	v12 =	vsel vm2, $0x2380, v12  }
0x11a: {  	v13 =	vsel vm2, $0x3000, v13;
	v14 =	vsel vm2, $0x3080, v14;
	v15 =	vsel vm2, $0x3100, v15  }
0x11b: {  	v16 =	vsel vm2, $0x3180, v16;
	v17 =	vsel vm2, $0x3200, v17;
	v18 =	vsel vm2, $0x3280, v18  }
0x11c: {  	v19 =	vsel vm2, $0x3300, v19;
	v20 =	vsel vm2, $0x3380, v20;
	v21 =	vsel vm2, $0x4000, v21  }
0x11d: {  	v22 =	vsel vm2, $0x4080, v22;
	v23 =	vsel vm2, $0x4100, v23;
	v24 =	vsel vm2, $0x4180, v24  }
0x11e: {  	v25 =	vsel vm2, $0x4200, v25;
	v26 =	vsel vm2, $0x4280, v26;
	v27 =	vsel vm2, $0x4300, v27  }
0x11f: {  	v28 =	vsel vm2, $0x4380, v28;
	v29 =	vsel vm2, $0x5000, v29;
	v30 =	vsel vm2, $0x5080, v30  }
0x120: {  	v31 =	vsel vm2, $0x5100, v31;
	v32 =	vsel vm2, $0x5180, v32;
	v33 =	vsel vm2, $0x5200, v33  }
0x121: {  	v34 =	vsel vm2, $0x5280, v34;
	v35 =	vsel vm2, $0x5300, v35;
	v36 =	vsel vm2, $0x5380, v36  }
0x122: {  	v37 =	vsel vm2, $0x6000, v37;
	v38 =	vsel vm2, $0x6080, v38;
	v39 =	vsel vm2, $0x6100, v39  }
0x123: {  	v40 =	vsel vm2, $0x6180, v40;
	v41 =	vsel vm2, $0x6200, v41;
	v42 =	vsel vm2, $0x6280, v42  }
0x124: {  	v43 =	vsel vm2, $0x6300, v43;
	v44 =	vsel vm2, $0x6380, v44;
	v45 =	vsel vm2, $0x7000, v45  }
0x125: {  	v46 =	vsel vm2, $0x7080, v46;
	v47 =	vsel vm2, $0x7100, v47;
	v48 =	vsel vm2, $0x7180, v48  }
0x126: {  	v49 =	vsel vm2, $0x7200, v49;
	v51 =	vsel vm2, $0x7280, v51;
	v52 =	vsel vm2, $0x7300, v52  }
0x127: {  	v53 =	vsel vm2, $0x0, v53;
	v54 =	vsel vm2, $0x80, v54;
	v55 =	vsel vm2, $0x100, v55  }
0x128: {  	v56 =	vsel vm2, $0x180, v56;
	v58 =	vsel vm2, $0x280, v58;
	v59 =	vsel vm2, $0x300, v59  }
0x129: {  	v62 =	vsel vm3, $0x380, v62;
	vm3 =	vcmask $0x3330;
	v50 =	vsel vm1, $0x7300, v50  }
0x12a: {  	v57 =	vsel vm1, $0x180, v57;
	v60 =	vsel vm2, $0x380, v60;
	v61 =	vsel vm2, $0x1000, v61  }
0x12b: {  	v63 =	vsel vm2, $0x1100, v63;
	v62 =	vsel vm1, $0x1000, v62;
	v0 =	vsel vm3, $0x1200, v0  }
0x12c: {  	v50 =	vsel vm2, $0x7380, v50;
	v57 =	vsel vm2, $0x200, v57;
	vm1 =	vcmask $0x3734  }
0x12d: {  	v1 =	vsel vm3, $0x1280, v1;
	v2 =	vsel vm3, $0x1300, v2;
	v3 =	vsel vm3, $0x1380, v3  }
0x12e: {  	v4 =	vsel vm3, $0x2000, v4;
	v5 =	vsel vm3, $0x2080, v5;
	v6 =	vsel vm3, $0x2100, v6  }
0x12f: {  	v7 =	vsel vm3, $0x2180, v7;
	v8 =	vsel vm3, $0x2200, v8;
	v9 =	vsel vm3, $0x2280, v9  }
0x130: {  	v10 =	vsel vm3, $0x2300, v10;
	v11 =	vsel vm3, $0x2380, v11;
	v12 =	vsel vm3, $0x3000, v12  }
0x131: {  	v13 =	vsel vm3, $0x3080, v13;
	v14 =	vsel vm3, $0x3100, v14;
	v15 =	vsel vm3, $0x3180, v15  }
0x132: {  	v16 =	vsel vm3, $0x3200, v16;
	v17 =	vsel vm3, $0x3280, v17;
	v18 =	vsel vm3, $0x3300, v18  }
0x133: {  	v19 =	vsel vm3, $0x3380, v19;
	v20 =	vsel vm3, $0x4000, v20;
	v21 =	vsel vm3, $0x4080, v21  }
0x134: {  	v22 =	vsel vm3, $0x4100, v22;
	v23 =	vsel vm3, $0x4180, v23;
	v24 =	vsel vm3, $0x4200, v24  }
0x135: {  	v25 =	vsel vm3, $0x4280, v25;
	v26 =	vsel vm3, $0x4300, v26;
	v27 =	vsel vm3, $0x4380, v27  }
0x136: {  	v28 =	vsel vm3, $0x5000, v28;
	v29 =	vsel vm3, $0x5080, v29;
	v30 =	vsel vm3, $0x5100, v30  }
0x137: {  	v31 =	vsel vm3, $0x5180, v31;
	v32 =	vsel vm3, $0x5200, v32;
	v33 =	vsel vm3, $0x5280, v33  }
0x138: {  	v34 =	vsel vm3, $0x5300, v34;
	v35 =	vsel vm3, $0x5380, v35;
	v36 =	vsel vm3, $0x6000, v36  }
0x139: {  	v37 =	vsel vm3, $0x6080, v37;
	v38 =	vsel vm3, $0x6100, v38;
	v39 =	vsel vm3, $0x6180, v39  }
0x13a: {  	v40 =	vsel vm3, $0x6200, v40;
	v41 =	vsel vm3, $0x6280, v41;
	v42 =	vsel vm3, $0x6300, v42  }
0x13b: {  	v43 =	vsel vm3, $0x6380, v43;
	v44 =	vsel vm3, $0x7000, v44;
	v45 =	vsel vm3, $0x7080, v45  }
0x13c: {  	v46 =	vsel vm3, $0x7100, v46;
	v47 =	vsel vm3, $0x7180, v47;
	v48 =	vsel vm3, $0x7200, v48  }
0x13d: {  	v49 =	vsel vm3, $0x7280, v49;
	v51 =	vsel vm3, $0x7300, v51;
	v52 =	vsel vm3, $0x7380, v52  }
0x13e: {  	v53 =	vsel vm3, $0x80, v53;
	v54 =	vsel vm3, $0x100, v54;
	v55 =	vsel vm3, $0x180, v55  }
0x13f: {  	v56 =	vsel vm3, $0x200, v56;
	v58 =	vsel vm3, $0x300, v58;
	v59 =	vsel vm3, $0x380, v59  }
0x140: {  	v60 =	vsel vm3, $0x1000, v60;
	v61 =	vsel vm3, $0x1080, v61;
	v63 =	vsel vm3, $0x1180, v63  }
0x141: {  	v62 =	vsel vm2, $0x1080, v62;
	v50 =	vsel vm3, $0x0, v50;
	v57 =	vsel vm3, $0x280, v57  }
0x142: {  	v0 =	vsel vm1, $0x1280, v0;
	v1 =	vsel vm1, $0x1300, v1;
	v2 =	vsel vm1, $0x1380, v2  }
0x143: {  	v3 =	vsel vm1, $0x2000, v3;
	v4 =	vsel vm1, $0x2080, v4;
	v5 =	vsel vm1, $0x2100, v5  }
0x144: {  	v6 =	vsel vm1, $0x2180, v6;
	v7 =	vsel vm1, $0x2200, v7;
	v8 =	vsel vm1, $0x2280, v8  }
0x145: {  	v9 =	vsel vm1, $0x2300, v9;
	v10 =	vsel vm1, $0x2380, v10;
	v11 =	vsel vm1, $0x3000, v11  }
0x146: {  	v12 =	vsel vm1, $0x3080, v12;
	v13 =	vsel vm1, $0x3100, v13;
	v14 =	vsel vm1, $0x3180, v14  }
0x147: {  	v15 =	vsel vm1, $0x3200, v15;
	v16 =	vsel vm1, $0x3280, v16;
	v17 =	vsel vm1, $0x3300, v17  }
0x148: {  	v18 =	vsel vm1, $0x3380, v18;
	v19 =	vsel vm1, $0x4000, v19;
	v20 =	vsel vm1, $0x4080, v20  }
0x149: {  	v21 =	vsel vm1, $0x4100, v21;
	v22 =	vsel vm1, $0x4180, v22;
	v23 =	vsel vm1, $0x4200, v23  }
0x14a: {  	v24 =	vsel vm1, $0x4280, v24;
	v25 =	vsel vm1, $0x4300, v25;
	v26 =	vsel vm1, $0x4380, v26  }
0x14b: {  	v27 =	vsel vm1, $0x5000, v27;
	v28 =	vsel vm1, $0x5080, v28;
	v29 =	vsel vm1, $0x5100, v29  }
0x14c: {  	v30 =	vsel vm1, $0x5180, v30;
	v31 =	vsel vm1, $0x5200, v31;
	v32 =	vsel vm1, $0x5280, v32  }
0x14d: {  	v33 =	vsel vm1, $0x5300, v33;
	v34 =	vsel vm1, $0x5380, v34;
	v35 =	vsel vm1, $0x6000, v35  }
0x14e: {  	v36 =	vsel vm1, $0x6080, v36;
	v37 =	vsel vm1, $0x6100, v37;
	v38 =	vsel vm1, $0x6180, v38  }
0x14f: {  	v39 =	vsel vm1, $0x6200, v39;
	v40 =	vsel vm1, $0x6280, v40;
	v41 =	vsel vm1, $0x6300, v41  }
0x150: {  	v42 =	vsel vm1, $0x6380, v42;
	v43 =	vsel vm1, $0x7000, v43;
	v44 =	vsel vm1, $0x7080, v44  }
0x151: {  	v45 =	vsel vm1, $0x7100, v45;
	v46 =	vsel vm1, $0x7180, v46;
	v47 =	vsel vm1, $0x7200, v47  }
0x152: {  	v48 =	vsel vm1, $0x7280, v48;
	v49 =	vsel vm1, $0x7300, v49;
	v53 =	vsel vm1, $0x100, v53  }
0x153: {  	v51 =	vsel vm1, $0x7380, v51;
	v52 =	vsel vm1, $0x0, v52;
	v59 =	vsel vm1, $0x1000, v59;
	[tilespmem:$0x1FD70] =	vst v53  }
0x154: {  	v55 =	vsel vm1, $0x200, v55;
	v56 =	vsel vm1, $0x280, v56;
	v60 =	vsel vm1, $0x1080, v60;
	[tilespmem:$0x1FDF0] =	vst v59  }
0x155: {  	v58 =	vsel vm1, $0x380, v58;
	v61 =	vsel vm1, $0x1100, v61;
	v53 =	vsel vm1, $0x180, v54;
	[tilespmem:$0x1FE00] =	vst v60  }
0x156: {  	v62 =	vsel vm3, $0x1100, v62;
	v50 =	vsel vm1, $0x80, v50;
	v57 =	vsel vm1, $0x300, v57;
	[tilespmem:$0x1FD90] =	vst v53  }
0x157: {  	v54 =	vsel vm1, $0x1200, v63;
	[tilespmem:$0x1FDD0] =	vst v57;
	v62 =	vsel vm1, $0x1180, v62;
	vm1 =	vcmask $0x3B38  }
0x158: {  	[tilespmem:$0x1FE40] =	vst v62;
	v57 =	vsel vm1, $0x1300, v0;
	v0 =	vsel vm1, $0x2300, v8  }
0x159: {  	v63 =	vsel vm1, $0x2180, v5;
	v5 =	vsel vm1, $0x7380, v49;
	[tilespmem:$0x1FA90] =	vst v0  }
0x15a: {  	v0 =	vsel vm1, $0x2380, v9;
	[tilespmem:$0x1FD30] =	vst v5  }
0x15b: {  	v5 =	vsel vm1, $0x0, v51;
	[tilespmem:$0x1FAA0] =	vst v0  }
0x15c: {  	v0 =	vsel vm1, $0x3000, v10;
	[tilespmem:$0x1FD40] =	vst v5  }
0x15d: {  	v5 =	vsel vm1, $0x80, v52;
	[tilespmem:$0x1FAB0] =	vst v0  }
0x15e: {  	v0 =	vsel vm1, $0x3080, v11;
	[tilespmem:$0x1FD50] =	vst v5  }
0x15f: {  	v5 =	vsel vm1, $0x100, v50;
	[tilespmem:$0x1FAC0] =	vst v0  }
0x160: {  	v0 =	vsel vm1, $0x3100, v12;
	[tilespmem:$0x1FD60] =	vst v5  }
0x161: {  	v5 =	vld [tilespmem:$0x1FD70];
	[tilespmem:$0x1FAD0] =	vst v0;
	v0 =	vsel vm1, $0x3180, v13  }
0x162: {  	[tilespmem:$0x1FAE0] =	vst v0;
	v0 =	vsel vm1, $0x3200, v14  }
0x163: {  	[tilespmem:$0x1FAF0] =	vst v0;
	v0 =	vsel vm1, $0x3280, v15  }
0x164: {  	[tilespmem:$0x1FB00] =	vst v0;
	v0 =	vsel vm1, $0x3300, v16  }
0x165: {  	[tilespmem:$0x1FB10] =	vst v0;
	v0 =	vsel vm1, $0x3380, v17  }
0x166: {  	v5 =	vsel vm1, $0x180, v5;
	[tilespmem:$0x1FB20] =	vst v0  }
0x167: {  	v0 =	vsel vm1, $0x4000, v18;
	[tilespmem:$0x1FD80] =	vst v5  }
0x168: {  	v5 =	vld [tilespmem:$0x1FD90];
	[tilespmem:$0x1FB30] =	vst v0;
	v0 =	vsel vm1, $0x4080, v19  }
0x169: {  	[tilespmem:$0x1FB40] =	vst v0;
	v0 =	vsel vm1, $0x4100, v20  }
0x16a: {  	[tilespmem:$0x1FB50] =	vst v0;
	v0 =	vsel vm1, $0x4180, v21  }
0x16b: {  	[tilespmem:$0x1FB60] =	vst v0;
	v0 =	vsel vm1, $0x4200, v22  }
0x16c: {  	[tilespmem:$0x1FB70] =	vst v0;
	v0 =	vsel vm1, $0x4280, v23  }
0x16d: {  	v5 =	vsel vm1, $0x200, v5;
	[tilespmem:$0x1FB80] =	vst v0  }
0x16e: {  	v0 =	vsel vm1, $0x4300, v24;
	[tilespmem:$0x1FDA0] =	vst v5  }
0x16f: {  	v5 =	vsel vm1, $0x280, v55;
	[tilespmem:$0x1FB90] =	vst v0  }
0x170: {  	v0 =	vsel vm1, $0x4380, v25;
	[tilespmem:$0x1FDB0] =	vst v5  }
0x171: {  	v5 =	vsel vm1, $0x300, v56;
	[tilespmem:$0x1FBA0] =	vst v0  }
0x172: {  	v0 =	vsel vm1, $0x5000, v26;
	[tilespmem:$0x1FDC0] =	vst v5  }
0x173: {  	v5 =	vld [tilespmem:$0x1FDD0];
	[tilespmem:$0x1FBB0] =	vst v0;
	v0 =	vsel vm1, $0x5080, v27  }
0x174: {  	[tilespmem:$0x1FBC0] =	vst v0;
	v0 =	vsel vm1, $0x5100, v28  }
0x175: {  	[tilespmem:$0x1FBD0] =	vst v0;
	v0 =	vsel vm1, $0x5180, v29  }
0x176: {  	[tilespmem:$0x1FBE0] =	vst v0;
	v0 =	vsel vm1, $0x5200, v30  }
0x177: {  	[tilespmem:$0x1FBF0] =	vst v0;
	v0 =	vsel vm1, $0x5280, v31  }
0x178: {  	v5 =	vsel vm1, $0x380, v5;
	[tilespmem:$0x1FC00] =	vst v0  }
0x179: {  	v0 =	vsel vm1, $0x5300, v32;
	[tilespmem:$0x1FDE0] =	vst v5  }
0x17a: {  	[tilespmem:$0x1FC10] =	vst v0;
	v0 =	vsel vm1, $0x5380, v33  }
0x17b: {  	[tilespmem:$0x1FC20] =	vst v0;
	v0 =	vsel vm1, $0x6000, v34  }
0x17c: {  	[tilespmem:$0x1FC30] =	vst v0;
	v0 =	vsel vm1, $0x6080, v35  }
0x17d: {  	[tilespmem:$0x1FC40] =	vst v0;
	v0 =	vsel vm1, $0x6100, v36  }
0x17e: {  	[tilespmem:$0x1FC50] =	vst v0;
	v0 =	vsel vm1, $0x6180, v37  }
0x17f: {  	[tilespmem:$0x1FC60] =	vst v0;
	v0 =	vsel vm1, $0x6200, v38  }
0x180: {  	[tilespmem:$0x1FC70] =	vst v0;
	v0 =	vsel vm1, $0x6280, v39  }
0x181: {  	v5 =	vld [tilespmem:$0x1FDF0];
	[tilespmem:$0x1FC80] =	vst v0;
	v0 =	vsel vm1, $0x6300, v40  }
0x182: {  	[tilespmem:$0x1FC90] =	vst v0;
	v0 =	vsel vm1, $0x6380, v41  }
0x183: {  	[tilespmem:$0x1FCA0] =	vst v0;
	v0 =	vsel vm1, $0x7000, v42  }
0x184: {  	[tilespmem:$0x1FCB0] =	vst v0;
	v0 =	vsel vm1, $0x7080, v43  }
0x185: {  	[tilespmem:$0x1FCC0] =	vst v0;
	v0 =	vsel vm1, $0x7100, v44  }
0x186: {  	v51 =	vsel vm1, $0x1080, v5;
	v5 =	vld [tilespmem:$0x1FE00];
	[tilespmem:$0x1FCD0] =	vst v0;
	v0 =	vsel vm1, $0x7180, v45  }
0x187: {  	[tilespmem:$0x1FCE0] =	vst v0;
	v0 =	vsel vm1, $0x7200, v46  }
0x188: {  	[tilespmem:$0x1FCF0] =	vst v0;
	v0 =	vsel vm1, $0x7280, v47  }
0x189: {  	v59 =	vsel vm1, $0x1380, v1;
	[tilespmem:$0x1FD00] =	vst v0;
	v0 =	vsel vm1, $0x7300, v48  }
0x18a: {  	v62 =	vsel vm1, $0x2100, v4;
	v1 =	vimm.s32 $0x38373635;
	[tilespmem:$0x1FD10] =	vst v0;
	v0 =	vimm.s32 $0x34333231  }
0x18b: {  	[tilespmem:$0x1FE20] =	vst v61;
	v5 =	vsel vm1, $0x1100, v5;
	v10 =	vunpack.c.0.s8.s32 v0;
	v0 =	vimm.s32 $0x35343332  }
0x18c: {  	v4 =	vunpack.c.0.s8.s32 v1;
	[tilespmem:$0x1FE10] =	vst v5;
	v5 =	vld [tilespmem:$0x1FE20];
	v11 =	vunpack.c.0.s8.s32 v0;
	v0 =	vimm.s32 $0x39383736  }
0x18d: {  	v0 =	vunpack.c.0.s8.s32 v0  }
0x18e: {  	v60 =	vsel vm1, $0x2000, v2;
	[tilespmem:$0x1FE50] =	vst v4;
	v4 =	vsel vm0, v4, v10  }
0x18f: {  	v10 =	vimm.s32 $0x36353433;
	[tilespmem:$0x1FE80] =	vst v0;
	v0 =	vsel vm0, v0, v11;
	v11 =	vimm.s32 $0x3A393837  }
0x190: {  	v61 =	vsel vm1, $0x2080, v3;
	v1 =	vld [tilespmem:$0x1FD20];
	v10 =	vunpack.c.0.s8.s32 v10;
	[tilespmem:$0x1FE90] =	vst v0;
	v0 =	vunpack.c.0.s8.s32 v11  }
0x191: {  	v12 =	vimm.s32 $0x3C3B3A39;
	v13 =	vimm.s32 $0x3E3D3C3B;
	v5 =	vsel vm1, $0x1180, v5;
	[tilespmem:$0x1FE60] =	vst v4  }
0x192: {  	v2 =	vld [tilespmem:$0x1FA70];
	v4 =	vunpack.c.0.s8.s32 v12;
	v11 =	vimm.s32 $0x4030201;
	[tilespmem:$0x1FEB0] =	vst v0;
	v0 =	vsel vm0, v0, v10  }
0x193: {  	v3 =	vld [tilespmem:$0x1FA80];
	v12 =	vimm.s32 $0x3D3C3B3A;
	v11 =	vunpack.c.0.s8.s32 v11;
	[tilespmem:$0x1FEC0] =	vst v0;
	v0 =	vunpack.c.0.s8.s32 v13  }
0x194: {  	[tilespmem:$0x1FE70] =	vst v4;
	v4 =	vunpack.c.0.s8.s32 v12;
	v12 =	vimm.s32 $0x87654321;
	v10 =	vimm.s32 $0x5040302  }
0x195: {  	v10 =	vunpack.c.0.s8.s32 v10;
	[tilespmem:$0x1FED0] =	vst v0;
	v0 =	vsel vm0, v11, v1;
	v11 =	vimm.s32 $0x6050403  }
0x196: {  	v15 =	vimm.s32 $0x76543210;
	[tilespmem:$0x1FE30] =	vst v5;
	v12 =	vunpack.c.l.s4.s8 v12;
	v11 =	vunpack.c.0.s8.s32 v11  }
0x197: {  	v13 =	vimm.s32 $0x98765432;
	[tilespmem:$0x1FEE0] =	vst v0;
	v0 =	vsel vm0, v10, v2;
	v10 =	vunpack.c.l.s4.s8 v15  }
0x198: {  	v14 =	vimm.s32 $0xA9876543;
	v13 =	vunpack.c.l.s4.s8 v13;
	[tilespmem:$0x1FEF0] =	vst v0;
	v0 =	vsel vm0, v11, v3  }
0x199: {  	v14 =	vunpack.c.l.s4.s8 v14;
	v12 =	vunpack.c.0.s8.s32 v12;
	[tilespmem:$0x1FF00] =	vst v0;
	v0 =	vunpack.c.0.s8.s32 v10  }
0x19a: {  	[tilespmem:$0x1FEA0] =	vst v4;
	v11 =	vunpack.c.0.s8.s32 v13  }
0x19b: {  	s1 =	srdreg.scid;
	v13 =	vunpack.c.0.s8.s32 v14;
	[tilespmem:$0x1FF10] =	vst v0;
	v0 =	vand.u32 $0xF, v12  }
0x19c: {  	s0 =	stileid.u32;
	s7 =	rddreg [dreg:$0x1];
	[tilespmem:$0x1FF20] =	vst v0;
	v0 =	vand.u32 $0xF, v11  }
0x19d: {  	s3 =	simm.s32 $0x0;
	s4 =	sand.u32 $0x1, s1;
	s1 =	rddreg [dreg:$0x0];
	v6 =	vsel vm1, $0x2200, v6;
	v53 =	vsel vm1, $0x2280, v7;
	[tilespmem:$0x1FF30] =	vst v0;
	v0 =	vand.u32 $0xF, v13  }
0x19e: {  	s2 =	sshll.u32 s0, $0xA;
	[smem:$0x7FF] =	sst s3;
	s5 =	sshll.u32 s4, $0x9;
	v54 =	vsel vm1, $0x1280, v54;
	v33 =	vsel vm1, $0x1000, v58;
	v35 =	vlaneseq.u32;
	[tilespmem:$0x1FF40] =	vst v0  }
0x19f: {  	s6 =	sor.u32 s5, s2;
	s2 =	rddreg [dreg:$0x2];
	v7 =	vadd.s32 $0x9, v35;
	v8 =	vadd.s32 $0xA, v35;
	v5 =	vld [tilespmem:$0x1FE40];
	_ =	strace $0x80000047;
	[tilespmem:$0x1FF50] =	vst v57  }
0x1a0: {  	v9 =	vadd.s32 $0xB, v35;
	v16 =	vadd.s32 $0xD, v35;
	v17 =	vadd.s32 $0xE, v35;
	[tilespmem:$0x1FF60] =	vst v60  }
0x1a1: {  	s8 =	simm.s32 $0x1;
	p1 =	seq.s32 s4, $0x1;
	p0 =	seq.s32 s6, $0x0;
	v18 =	vadd.s32 $0xF, v35;
	v19 =	vor.u32 $0x10, v35;
	v20 =	vadd.s32 $0x11, v35;
	[tilespmem:$0x1FF70] =	vst v62  }
0x1a2: {  	s10 =	simm.s32 $0x10200;
	s11 =	simm.s32 $0x1000;
	p0 =	por !p0, !p1;
	v21 =	vadd.s32 $0x12, v35;
	v22 =	vadd.s32 $0x13, v35;
	v23 =	vadd.s32 $0x14, v35;
	[tilespmem:$0x1FF80] =	vst v63  }
0x1a3: {  	s12 =	simm.s32 $0x2000;
	s13 =	simm.s32 $0x3;
	p0 =	por !p0, !p0;
	v24 =	vadd.s32 $0x15, v35;
	v25 =	vadd.s32 $0x16, v35;
	v26 =	vadd.s32 $0x17, v35;
	[tilespmem:$0x1FF90] =	vst v51  }
0x1a4: {  	s14 =	simm.s32 $0x0;
	s4 =	ssub.s32 $0x2, s4;
	s8 =	simm.s32 @!p0 $0x0;
	v27 =	vadd.s32 $0x18, v35;
	v28 =	vadd.s32 $0x19, v35;
	v29 =	vadd.s32 $0x1A, v35;
	[tilespmem:$0x1FFA0] =	vst v54  }
0x1a5: {  	s9 =	sshrl.u32 s4, $0x1;
	s6 =	sshrl.u32 s6, $0x3;
	s8 =	ssub.s32 s0, s8;
	v34 =	vadd.s32 $0x1B, v35;
	v31 =	vadd.s32 $0x1C, v35;
	v10 =	vadd.s32 $0x1F, v35;
	[tilespmem:$0x1FFB0] =	vst v53  }
0x1a6: {  	s9 =	ssub.s32 s4, s9;
	s4 =	simm.s32 $0x1;
	s8 =	sshll.u32 s8, $0xD;
	v32 =	vadd.s32 $0x1D, v35;
	v38 =	vadd.s32 $0x5, v35;
	v14 =	vadd.s32 $0x1E, v35;
	[tilespmem:$0x1FFC0] =	vst v10  }
0x1a7: {  	s6 =	sadd.s32 s6, s7;
	s7 =	sadd.s32 s5, s7;
	s8 =	sand.u32 $0x1FFFE000, s8;
	v39 =	vadd.s32 $0x6, v35;
	v40 =	vadd.s32 $0x4, v35;
	v36 =	vsel vm1, $0x1200, v5;
	[tilespmem:$0x1FFD0] =	vst v14  }
0x1a8: {  	s5 =	sadd.s32 $0x800, s6;
	s31 =	sadd.s32 s8, s7;
	s7 =	smax.u32 s9, $0x1;
	v5 =	vadd.s32 $0x8, v35;
	v4 =	vadd.s32 $0x7, v35;
	v15 =	vadd.s32 $0xC, v35;
	[tilespmem:$0x1FFE0] =	vst v32  }
0x1a9: {  	s8 =	simm.s32 $0x10000;
	s9 =	simm.s32 $0x2;
	s6 =	sadd.s32 $0x1000, s31;
	v12 =	vadd.s32 $0x2, v35;
	v11 =	vadd.s32 $0x1, v35;
	v13 =	vadd.s32 $0x3, v35;
	[tilespmem:$0x1FFF0] =	vst v31  }
.LBB2_1:
0x1aa: {  	[tilespmem:s3], [sflag:$0x1] =	stream.linear.gather [hbm4b:s1+s3], $0x10000, $0x38;
	[tilespmem:$0x18200] =	vst v63  }
0x1ab: {  	_ = 	snop  }
0x1ac: {  	[tilespmem:s8], [sflag:$0x2] =	stream.linear.gather [hbm4b:s5+s3], $0x200, $0x38;
	[tilespmem:$0x18200] =	vst v63  }
0x1ad: {  	_ =	swait.ge [sflag:s4], $0x10000  }
0x1ae: {  	[sflag:s4] =	ssyncset.done $0x0  }
0x1af: {  	[sflag:s4] =	ssyncadd.s32 $0xFFFF0000  }
0x1b0: {  	_ =	swait.ge [sflag:s9], $0x200  }
0x1b1: {  	s15 =	simm.s32 $0xFFFFFFFC;
	[sflag:s9] =	ssyncset.done $0x0  }
0x1b2: {  	s16 =	simm.s32 $0x10020;
	s17 =	simm.s32 $0x0;
	[sflag:s9] =	ssyncadd.s32 $0xFFFFFE00  }
.LBB2_2:
0x1b3: {  	v42 =	vld [tilespmem:s16+$0xFFFFFFE0];
	_ =	sdelay $0x4  }
0x1b4: {  	v43 =	vshll.u32 v42, $0x6  }
0x1b5: {  	v44 =	vor.u32 v35, v43  }
0x1b6: {  	v49 =	vmov s17  }
0x1b7: {  	v45 =	vor.u32 s17, v35;
	v42 =	vshll.u32 v49, $0x3  }
0x1b8: {  	v45 =	vand.u32 $0x4F, v45;
	v42 =	vand.u32 $0xC00, v42  }
0x1b9: {  	v42 =	vor.u32 v42, v45  }
0x1ba: {  	v45 =	vor.u32 v57, v42;
	v44 =	vld.idx.msk [tilespmem:v44+s3+$0x0], $0xffff  }
0x1bb: {  	v46 =	vor.u32 v11, v43;
	_ =	sdelay $0x3  }
0x1bc: {  	[tilespmem:v45+s10+$0x0] =	vst.idx.msk $0xffff, v44  }
0x1bd: {  	v50 =	vor.u32 v59, v42;
	v44 =	vld.idx.msk [tilespmem:v46+s3+$0x0], $0xffff  }
0x1be: {  	v51 =	vor.u32 v12, v43;
	_ =	sdelay $0x3  }
0x1bf: {  	[tilespmem:v50+s10+$0x0] =	vst.idx.msk $0xffff, v44  }
0x1c0: {  	v52 =	vor.u32 v60, v42;
	v44 =	vld.idx.msk [tilespmem:v51+s3+$0x0], $0xffff  }
0x1c1: {  	v54 =	vor.u32 v13, v43;
	_ =	sdelay $0x3  }
0x1c2: {  	[tilespmem:v52+s10+$0x0] =	vst.idx.msk $0xffff, v44  }
0x1c3: {  	v55 =	vor.u32 v61, v42;
	v44 =	vld.idx.msk [tilespmem:v54+s3+$0x0], $0xffff  }
0x1c4: {  	v56 =	vor.u32 v40, v43;
	_ =	sdelay $0x3  }
0x1c5: {  	[tilespmem:v55+s10+$0x0] =	vst.idx.msk $0xffff, v44  }
0x1c6: {  	v58 =	vor.u32 v62, v42;
	v44 =	vld.idx.msk [tilespmem:v56+s3+$0x0], $0xffff  }
0x1c7: {  	v37 =	vor.u32 v38, v43;
	_ =	sdelay $0x3  }
0x1c8: {  	[tilespmem:v58+s10+$0x0] =	vst.idx.msk $0xffff, v44  }
0x1c9: {  	v41 =	vor.u32 v63, v42;
	v44 =	vld.idx.msk [tilespmem:v37+s3+$0x0], $0xffff  }
0x1ca: {  	v48 =	vor.u32 v39, v43;
	_ =	sdelay $0x3  }
0x1cb: {  	[tilespmem:v41+s10+$0x0] =	vst.idx.msk $0xffff, v44  }
0x1cc: {  	v49 =	vor.u32 v6, v42;
	v44 =	vld.idx.msk [tilespmem:v48+s3+$0x0], $0xffff  }
0x1cd: {  	v47 =	vld [tilespmem:s16+$0x10];
	v50 =	vor.u32 v4, v43  }
0x1ce: {  	v51 =	vor.u32 v53, v42;
	v53 =	vld [tilespmem:s16+$0x0]  }
0x1cf: {  	v52 =	vld [tilespmem:s16+$0xFFFFFFF0];
	_ =	sdelay $0x1  }
0x1d0: {  	[tilespmem:v49+s10+$0x0] =	vst.idx.msk $0xffff, v44  }
0x1d1: {  	v44 =	vld.idx.msk [tilespmem:v50+s3+$0x0], $0xffff;
	_ =	sdelay $0x1  }
0x1d2: {  	s30 =	sadd.s32 $0x20, s17;
	v47 =	vshll.u32 v47, $0x6;
	v46 =	vshll.u32 v53, $0x6;
	v45 =	vshll.u32 v52, $0x6  }
0x1d3: {  	s18 =	sadd.s32 $0x10, s17;
	v53 =	vor.u32 v35, v47;
	v52 =	vor.u32 s30, v35;
	v58 =	vor.u32 v35, v45  }
0x1d4: {  	v54 =	vmov s18;
	v52 =	vand.u32 $0x6F, v52;
	v37 =	vmov s30  }
0x1d5: {  	v48 =	vor.u32 s18, v35;
	v49 =	vshll.u32 v54, $0x3;
	[tilespmem:v51+s10+$0x0] =	vst.idx.msk $0xffff, v44;
	v51 =	vor.u32 v35, v46  }
0x1d6: {  	s31 =	sadd.s32 $0x30, s17;
	v55 =	vand.u32 $0x5F, v48;
	v48 =	vshll.u32 v37, $0x3;
	v56 =	vand.u32 $0xC00, v49  }
0x1d7: {  	v0 =	vld [tilespmem:$0x1FF50];
	v48 =	vand.u32 $0xC00, v48;
	v54 =	vmov s31;
	v44 =	vor.u32 v56, v55  }
0x1d8: {  	v48 =	vor.u32 v48, v52;
	v54 =	vshll.u32 v54, $0x3;
	v56 =	vld.idx.msk [tilespmem:v58+s3+$0x0], $0xffff;
	v50 =	vor.u32 v57, v44  }
0x1d9: {  	v55 =	vor.u32 s31, v35;
	v58 =	vand.u32 $0xC00, v54;
	v54 =	vor.u32 v11, v45  }
0x1da: {  	v41 =	vand.u32 $0x7F, v55;
	v55 =	vor.u32 v57, v48;
	v51 =	vld.idx.msk [tilespmem:v51+s3+$0x0], $0xffff  }
0x1db: {  	v37 =	vor.u32 v11, v46;
	v49 =	vor.u32 v58, v41  }
0x1dc: {  	v53 =	vld.idx.msk [tilespmem:v53+s3+$0x0], $0xffff;
	v41 =	vor.u32 v0, v49  }
0x1dd: {  	v58 =	vor.u32 v11, v47;
	[tilespmem:v50+s10+$0x0] =	vst.idx.msk $0xffff, v56  }
0x1de: {  	v50 =	vld.idx.msk [tilespmem:v54+s3+$0x0], $0xffff;
	v54 =	vor.u32 v59, v44  }
0x1df: {  	[tilespmem:v55+s10+$0x0] =	vst.idx.msk $0xffff, v51;
	v51 =	vor.u32 v12, v45  }
0x1e0: {  	v55 =	vor.u32 v59, v48;
	v52 =	vld.idx.msk [tilespmem:v37+s3+$0x0], $0xffff  }
0x1e1: {  	[tilespmem:v41+s10+$0x0] =	vst.idx.msk $0xffff, v53;
	v53 =	vor.u32 v12, v46  }
0x1e2: {  	v56 =	vld.idx.msk [tilespmem:v58+s3+$0x0], $0xffff;
	v37 =	vor.u32 v59, v49  }
0x1e3: {  	v41 =	vor.u32 v12, v47;
	[tilespmem:v54+s10+$0x0] =	vst.idx.msk $0xffff, v50  }
0x1e4: {  	v50 =	vld.idx.msk [tilespmem:v51+s3+$0x0], $0xffff;
	v51 =	vor.u32 v60, v44  }
0x1e5: {  	[tilespmem:v55+s10+$0x0] =	vst.idx.msk $0xffff, v52;
	v52 =	vor.u32 v13, v45  }
0x1e6: {  	v54 =	vor.u32 v60, v48;
	v53 =	vld.idx.msk [tilespmem:v53+s3+$0x0], $0xffff  }
0x1e7: {  	[tilespmem:v37+s10+$0x0] =	vst.idx.msk $0xffff, v56;
	v37 =	vor.u32 v13, v46  }
0x1e8: {  	v56 =	vld.idx.msk [tilespmem:v41+s3+$0x0], $0xffff;
	v41 =	vor.u32 v60, v49  }
0x1e9: {  	v60 =	vor.u32 v13, v47;
	[tilespmem:v51+s10+$0x0] =	vst.idx.msk $0xffff, v50  }
0x1ea: {  	v51 =	vor.u32 v61, v44;
	v50 =	vld.idx.msk [tilespmem:v52+s3+$0x0], $0xffff  }
0x1eb: {  	v52 =	vor.u32 v40, v45;
	[tilespmem:v54+s10+$0x0] =	vst.idx.msk $0xffff, v53  }
0x1ec: {  	v54 =	vor.u32 v61, v48;
	v53 =	vld.idx.msk [tilespmem:v37+s3+$0x0], $0xffff  }
0x1ed: {  	[tilespmem:v41+s10+$0x0] =	vst.idx.msk $0xffff, v56;
	v37 =	vor.u32 v40, v46  }
0x1ee: {  	v41 =	vor.u32 v61, v49;
	v56 =	vld.idx.msk [tilespmem:v60+s3+$0x0], $0xffff  }
0x1ef: {  	v60 =	vor.u32 v40, v47;
	[tilespmem:v51+s10+$0x0] =	vst.idx.msk $0xffff, v50  }
0x1f0: {  	v51 =	vor.u32 v62, v44;
	v50 =	vld.idx.msk [tilespmem:v52+s3+$0x0], $0xffff  }
0x1f1: {  	v0 =	vld [tilespmem:$0x1FFB0];
	v52 =	vor.u32 v38, v45;
	[tilespmem:v54+s10+$0x0] =	vst.idx.msk $0xffff, v53  }
0x1f2: {  	v53 =	vld.idx.msk [tilespmem:v37+s3+$0x0], $0xffff;
	v37 =	vor.u32 v62, v48  }
0x1f3: {  	[tilespmem:v41+s10+$0x0] =	vst.idx.msk $0xffff, v56;
	v41 =	vor.u32 v38, v46  }
0x1f4: {  	v56 =	vld.idx.msk [tilespmem:v60+s3+$0x0], $0xffff;
	v60 =	vor.u32 v62, v49  }
0x1f5: {  	v62 =	vor.u32 v38, v47;
	[tilespmem:v51+s10+$0x0] =	vst.idx.msk $0xffff, v50  }
0x1f6: {  	v51 =	vor.u32 v63, v44;
	v50 =	vld.idx.msk [tilespmem:v52+s3+$0x0], $0xffff  }
0x1f7: {  	v52 =	vor.u32 v0, v44;
	v0 =	vld [tilespmem:$0x1FFB0];
	[tilespmem:v37+s10+$0x0] =	vst.idx.msk $0xffff, v53;
	v37 =	vor.u32 v39, v45  }
0x1f8: {  	v53 =	vld.idx.msk [tilespmem:v41+s3+$0x0], $0xffff;
	v41 =	vor.u32 v63, v48  }
0x1f9: {  	[tilespmem:v60+s10+$0x0] =	vst.idx.msk $0xffff, v56;
	v60 =	vor.u32 v39, v46  }
0x1fa: {  	v56 =	vld.idx.msk [tilespmem:v62+s3+$0x0], $0xffff;
	v62 =	vor.u32 v63, v49  }
0x1fb: {  	v63 =	vor.u32 v39, v47;
	[tilespmem:v51+s10+$0x0] =	vst.idx.msk $0xffff, v50  }
0x1fc: {  	v51 =	vor.u32 v6, v44;
	v50 =	vld.idx.msk [tilespmem:v37+s3+$0x0], $0xffff  }
0x1fd: {  	v55 =	vor.u32 v0, v48;
	v0 =	vld [tilespmem:$0x1FFB0];
	v37 =	vor.u32 v4, v45;
	[tilespmem:v41+s10+$0x0] =	vst.idx.msk $0xffff, v53  }
0x1fe: {  	v41 =	vor.u32 v6, v48;
	v53 =	vld.idx.msk [tilespmem:v60+s3+$0x0], $0xffff  }
0x1ff: {  	[tilespmem:v62+s10+$0x0] =	vst.idx.msk $0xffff, v56;
	v60 =	vor.u32 v4, v46  }
0x200: {  	v62 =	vor.u32 v6, v49;
	v56 =	vld.idx.msk [tilespmem:v63+s3+$0x0], $0xffff  }
0x201: {  	v63 =	vor.u32 v4, v47;
	[tilespmem:v51+s10+$0x0] =	vst.idx.msk $0xffff, v50  }
0x202: {  	v51 =	vld.idx.msk [tilespmem:v37+s3+$0x0], $0xffff  }
0x203: {  	v50 =	vor.u32 v5, v43;
	v37 =	vor.u32 v0, v49;
	v0 =	vld [tilespmem:$0x1FA90];
	[tilespmem:v41+s10+$0x0] =	vst.idx.msk $0xffff, v53  }
0x204: {  	v53 =	vor.u32 v5, v45;
	v54 =	vld.idx.msk [tilespmem:v60+s3+$0x0], $0xffff  }
0x205: {  	[tilespmem:v62+s10+$0x0] =	vst.idx.msk $0xffff, v56;
	v56 =	vor.u32 v5, v46  }
0x206: {  	v57 =	vld.idx.msk [tilespmem:v63+s3+$0x0], $0xffff  }
0x207: {  	v41 =	vor.u32 v5, v47  }
0x208: {  	v50 =	vld.idx.msk [tilespmem:v50+s3+$0x0], $0xffff;
	v62 =	vor.u32 v0, v42;
	[tilespmem:v52+s10+$0x0] =	vst.idx.msk $0xffff, v51  }
0x209: {  	v51 =	vor.u32 v7, v43;
	v52 =	vld.idx.msk [tilespmem:v53+s3+$0x0], $0xffff;
	v53 =	vor.u32 v0, v44;
	[tilespmem:v55+s10+$0x0] =	vst.idx.msk $0xffff, v54  }
0x20a: {  	v54 =	vor.u32 v7, v45;
	v55 =	vld.idx.msk [tilespmem:v56+s3+$0x0], $0xffff;
	v56 =	vor.u32 v0, v48  }
0x20b: {  	[tilespmem:v37+s10+$0x0] =	vst.idx.msk $0xffff, v57;
	v57 =	vor.u32 v7, v46;
	v37 =	vor.u32 v0, v49;
	v0 =	vld [tilespmem:$0x1FAA0]  }
0x20c: {  	v58 =	vld.idx.msk [tilespmem:v41+s3+$0x0], $0xffff  }
0x20d: {  	[tilespmem:v62+s10+$0x0] =	vst.idx.msk $0xffff, v50  }
0x20e: {  	v41 =	vor.u32 v7, v47;
	v50 =	vld.idx.msk [tilespmem:v51+s3+$0x0], $0xffff;
	[tilespmem:v53+s10+$0x0] =	vst.idx.msk $0xffff, v52  }
0x20f: {  	v53 =	vld.idx.msk [tilespmem:v54+s3+$0x0], $0xffff;
	[tilespmem:v56+s10+$0x0] =	vst.idx.msk $0xffff, v55  }
0x210: {  	v51 =	vor.u32 v0, v42;
	v54 =	vor.u32 v0, v44;
	v56 =	vld.idx.msk [tilespmem:v57+s3+$0x0], $0xffff  }
0x211: {  	[tilespmem:v37+s10+$0x0] =	vst.idx.msk $0xffff, v58;
	v37 =	vor.u32 v0, v49;
	v57 =	vor.u32 v0, v48;
	v0 =	vld [tilespmem:$0x1FAB0]  }
0x212: {  	v52 =	vor.u32 v8, v43  }
0x213: {  	v60 =	vld.idx.msk [tilespmem:v41+s3+$0x0], $0xffff;
	_ =	sdelay $0x1  }
0x214: {  	v55 =	vor.u32 v8, v45;
	v58 =	vor.u32 v8, v46;
	[tilespmem:v51+s10+$0x0] =	vst.idx.msk $0xffff, v50  }
0x215: {  	v41 =	vor.u32 v8, v47;
	[tilespmem:v54+s10+$0x0] =	vst.idx.msk $0xffff, v53;
	v51 =	vor.u32 v0, v42  }
0x216: {  	v50 =	vld.idx.msk [tilespmem:v52+s3+$0x0], $0xffff;
	v52 =	vor.u32 v9, v43;
	v54 =	vor.u32 v0, v44;
	[tilespmem:v57+s10+$0x0] =	vst.idx.msk $0xffff, v56  }
0x217: {  	v57 =	vor.u32 v0, v48;
	[tilespmem:v37+s10+$0x0] =	vst.idx.msk $0xffff, v60;
	v37 =	vor.u32 v0, v49;
	v0 =	vld [tilespmem:$0x1FAC0];
	_ =	sdelay $0x1  }
0x218: {  	v53 =	vld.idx.msk [tilespmem:v55+s3+$0x0], $0xffff  }
0x219: {  	v55 =	vor.u32 v9, v45;
	v56 =	vld.idx.msk [tilespmem:v58+s3+$0x0], $0xffff  }
0x21a: {  	v58 =	vor.u32 v9, v46;
	v60 =	vld.idx.msk [tilespmem:v41+s3+$0x0], $0xffff;
	[tilespmem:v51+s10+$0x0] =	vst.idx.msk $0xffff, v50  }
0x21b: {  	v41 =	vor.u32 v9, v47;
	v51 =	vor.u32 v0, v42;
	v50 =	vld.idx.msk [tilespmem:v52+s3+$0x0], $0xffff  }
0x21c: {  	v52 =	vor.u32 v15, v43  }
0x21d: {  	[tilespmem:v54+s10+$0x0] =	vst.idx.msk $0xffff, v53  }
0x21e: {  	v53 =	vld.idx.msk [tilespmem:v55+s3+$0x0], $0xffff;
	[tilespmem:v57+s10+$0x0] =	vst.idx.msk $0xffff, v56  }
0x21f: {  	[tilespmem:v37+s10+$0x0] =	vst.idx.msk $0xffff, v60;
	v56 =	vld.idx.msk [tilespmem:v58+s3+$0x0], $0xffff  }
0x220: {  	v60 =	vld.idx.msk [tilespmem:v41+s3+$0x0], $0xffff;
	[tilespmem:v51+s10+$0x0] =	vst.idx.msk $0xffff, v50  }
0x221: {  	v54 =	vor.u32 v0, v44;
	v50 =	vld.idx.msk [tilespmem:v52+s3+$0x0], $0xffff  }
0x222: {  	v55 =	vor.u32 v15, v45;
	v57 =	vor.u32 v0, v48;
	v37 =	vor.u32 v0, v49;
	v0 =	vld [tilespmem:$0x1FAD0]  }
0x223: {  	v58 =	vor.u32 v15, v46;
	_ =	sdelay $0x1  }
0x224: {  	v41 =	vor.u32 v15, v47  }
0x225: {  	[tilespmem:v54+s10+$0x0] =	vst.idx.msk $0xffff, v53  }
0x226: {  	[tilespmem:v57+s10+$0x0] =	vst.idx.msk $0xffff, v56;
	v53 =	vld.idx.msk [tilespmem:v55+s3+$0x0], $0xffff;
	v51 =	vor.u32 v0, v42  }
0x227: {  	v56 =	vld.idx.msk [tilespmem:v58+s3+$0x0], $0xffff;
	v54 =	vor.u32 v0, v44  }
0x228: {  	[tilespmem:v37+s10+$0x0] =	vst.idx.msk $0xffff, v60;
	v57 =	vor.u32 v0, v48;
	v37 =	vor.u32 v0, v49;
	v0 =	vld [tilespmem:$0x1FAE0]  }
0x229: {  	v60 =	vld.idx.msk [tilespmem:v41+s3+$0x0], $0xffff  }
0x22a: {  	v52 =	vor.u32 v16, v43  }
0x22b: {  	v55 =	vor.u32 v16, v45;
	[tilespmem:v51+s10+$0x0] =	vst.idx.msk $0xffff, v50  }
0x22c: {  	v58 =	vor.u32 v16, v46;
	v41 =	vor.u32 v16, v47;
	[tilespmem:v54+s10+$0x0] =	vst.idx.msk $0xffff, v53  }
0x22d: {  	v51 =	vor.u32 v0, v42;
	v54 =	vor.u32 v0, v44;
	[tilespmem:v57+s10+$0x0] =	vst.idx.msk $0xffff, v56  }
0x22e: {  	v57 =	vor.u32 v0, v48;
	[tilespmem:v37+s10+$0x0] =	vst.idx.msk $0xffff, v60;
	v37 =	vor.u32 v0, v49;
	v0 =	vld [tilespmem:$0x1FAF0]  }
0x22f: {  	v50 =	vld.idx.msk [tilespmem:v52+s3+$0x0], $0xffff  }
0x230: {  	v53 =	vld.idx.msk [tilespmem:v55+s3+$0x0], $0xffff  }
0x231: {  	v56 =	vld.idx.msk [tilespmem:v58+s3+$0x0], $0xffff  }
0x232: {  	v60 =	vld.idx.msk [tilespmem:v41+s3+$0x0], $0xffff  }
0x233: {  	v52 =	vor.u32 v17, v43  }
0x234: {  	v55 =	vor.u32 v17, v45;
	[tilespmem:v51+s10+$0x0] =	vst.idx.msk $0xffff, v50  }
0x235: {  	v58 =	vor.u32 v17, v46;
	v41 =	vor.u32 v17, v47;
	[tilespmem:v54+s10+$0x0] =	vst.idx.msk $0xffff, v53  }
0x236: {  	v51 =	vor.u32 v0, v42;
	v54 =	vor.u32 v0, v44;
	[tilespmem:v57+s10+$0x0] =	vst.idx.msk $0xffff, v56  }
0x237: {  	v57 =	vor.u32 v0, v48;
	[tilespmem:v37+s10+$0x0] =	vst.idx.msk $0xffff, v60;
	v37 =	vor.u32 v0, v49;
	v0 =	vld [tilespmem:$0x1FB00]  }
0x238: {  	v50 =	vld.idx.msk [tilespmem:v52+s3+$0x0], $0xffff  }
0x239: {  	v53 =	vld.idx.msk [tilespmem:v55+s3+$0x0], $0xffff  }
0x23a: {  	v56 =	vld.idx.msk [tilespmem:v58+s3+$0x0], $0xffff  }
0x23b: {  	v60 =	vld.idx.msk [tilespmem:v41+s3+$0x0], $0xffff  }
0x23c: {  	v52 =	vor.u32 v18, v43  }
0x23d: {  	v55 =	vor.u32 v18, v45;
	[tilespmem:v51+s10+$0x0] =	vst.idx.msk $0xffff, v50  }
0x23e: {  	v58 =	vor.u32 v18, v46;
	v41 =	vor.u32 v18, v47;
	[tilespmem:v54+s10+$0x0] =	vst.idx.msk $0xffff, v53  }
0x23f: {  	v51 =	vor.u32 v0, v42;
	v54 =	vor.u32 v0, v44;
	[tilespmem:v57+s10+$0x0] =	vst.idx.msk $0xffff, v56  }
0x240: {  	v57 =	vor.u32 v0, v48;
	[tilespmem:v37+s10+$0x0] =	vst.idx.msk $0xffff, v60;
	v37 =	vor.u32 v0, v49;
	v0 =	vld [tilespmem:$0x1FB10]  }
0x241: {  	v50 =	vld.idx.msk [tilespmem:v52+s3+$0x0], $0xffff  }
0x242: {  	v53 =	vld.idx.msk [tilespmem:v55+s3+$0x0], $0xffff  }
0x243: {  	v56 =	vld.idx.msk [tilespmem:v58+s3+$0x0], $0xffff  }
0x244: {  	v60 =	vld.idx.msk [tilespmem:v41+s3+$0x0], $0xffff  }
0x245: {  	v52 =	vor.u32 v19, v43  }
0x246: {  	v55 =	vor.u32 v19, v45;
	[tilespmem:v51+s10+$0x0] =	vst.idx.msk $0xffff, v50  }
0x247: {  	v58 =	vor.u32 v19, v46;
	v41 =	vor.u32 v19, v47;
	[tilespmem:v54+s10+$0x0] =	vst.idx.msk $0xffff, v53  }
0x248: {  	v51 =	vor.u32 v0, v42;
	v54 =	vor.u32 v0, v44;
	[tilespmem:v57+s10+$0x0] =	vst.idx.msk $0xffff, v56  }
0x249: {  	v57 =	vor.u32 v0, v48;
	[tilespmem:v37+s10+$0x0] =	vst.idx.msk $0xffff, v60;
	v37 =	vor.u32 v0, v49;
	v0 =	vld [tilespmem:$0x1FB20]  }
0x24a: {  	v50 =	vld.idx.msk [tilespmem:v52+s3+$0x0], $0xffff  }
0x24b: {  	v53 =	vld.idx.msk [tilespmem:v55+s3+$0x0], $0xffff  }
0x24c: {  	v56 =	vld.idx.msk [tilespmem:v58+s3+$0x0], $0xffff  }
0x24d: {  	v60 =	vld.idx.msk [tilespmem:v41+s3+$0x0], $0xffff  }
0x24e: {  	v52 =	vor.u32 v20, v43  }
0x24f: {  	v55 =	vor.u32 v20, v45;
	[tilespmem:v51+s10+$0x0] =	vst.idx.msk $0xffff, v50  }
0x250: {  	v58 =	vor.u32 v20, v46;
	v41 =	vor.u32 v20, v47;
	[tilespmem:v54+s10+$0x0] =	vst.idx.msk $0xffff, v53  }
0x251: {  	v51 =	vor.u32 v0, v42;
	v54 =	vor.u32 v0, v44;
	[tilespmem:v57+s10+$0x0] =	vst.idx.msk $0xffff, v56  }
0x252: {  	v57 =	vor.u32 v0, v48;
	[tilespmem:v37+s10+$0x0] =	vst.idx.msk $0xffff, v60;
	v37 =	vor.u32 v0, v49;
	v0 =	vld [tilespmem:$0x1FB30]  }
0x253: {  	v50 =	vld.idx.msk [tilespmem:v52+s3+$0x0], $0xffff  }
0x254: {  	v53 =	vld.idx.msk [tilespmem:v55+s3+$0x0], $0xffff  }
0x255: {  	v56 =	vld.idx.msk [tilespmem:v58+s3+$0x0], $0xffff  }
0x256: {  	v60 =	vld.idx.msk [tilespmem:v41+s3+$0x0], $0xffff  }
0x257: {  	v52 =	vor.u32 v21, v43  }
0x258: {  	v55 =	vor.u32 v21, v45;
	[tilespmem:v51+s10+$0x0] =	vst.idx.msk $0xffff, v50  }
0x259: {  	v58 =	vor.u32 v21, v46;
	v41 =	vor.u32 v21, v47;
	[tilespmem:v54+s10+$0x0] =	vst.idx.msk $0xffff, v53  }
0x25a: {  	v51 =	vor.u32 v0, v42;
	v54 =	vor.u32 v0, v44;
	[tilespmem:v57+s10+$0x0] =	vst.idx.msk $0xffff, v56  }
0x25b: {  	v57 =	vor.u32 v0, v48;
	[tilespmem:v37+s10+$0x0] =	vst.idx.msk $0xffff, v60;
	v37 =	vor.u32 v0, v49;
	v0 =	vld [tilespmem:$0x1FB40]  }
0x25c: {  	v50 =	vld.idx.msk [tilespmem:v52+s3+$0x0], $0xffff  }
0x25d: {  	v53 =	vld.idx.msk [tilespmem:v55+s3+$0x0], $0xffff  }
0x25e: {  	v56 =	vld.idx.msk [tilespmem:v58+s3+$0x0], $0xffff  }
0x25f: {  	v60 =	vld.idx.msk [tilespmem:v41+s3+$0x0], $0xffff  }
0x260: {  	v52 =	vor.u32 v22, v43  }
0x261: {  	v55 =	vor.u32 v22, v45;
	[tilespmem:v51+s10+$0x0] =	vst.idx.msk $0xffff, v50  }
0x262: {  	v58 =	vor.u32 v22, v46;
	v41 =	vor.u32 v22, v47;
	[tilespmem:v54+s10+$0x0] =	vst.idx.msk $0xffff, v53  }
0x263: {  	v51 =	vor.u32 v0, v42;
	v54 =	vor.u32 v0, v44;
	[tilespmem:v57+s10+$0x0] =	vst.idx.msk $0xffff, v56  }
0x264: {  	v57 =	vor.u32 v0, v48;
	[tilespmem:v37+s10+$0x0] =	vst.idx.msk $0xffff, v60;
	v37 =	vor.u32 v0, v49;
	v0 =	vld [tilespmem:$0x1FB50]  }
0x265: {  	v50 =	vld.idx.msk [tilespmem:v52+s3+$0x0], $0xffff  }
0x266: {  	v53 =	vld.idx.msk [tilespmem:v55+s3+$0x0], $0xffff  }
0x267: {  	v56 =	vld.idx.msk [tilespmem:v58+s3+$0x0], $0xffff  }
0x268: {  	v60 =	vld.idx.msk [tilespmem:v41+s3+$0x0], $0xffff  }
0x269: {  	v52 =	vor.u32 v23, v43  }
0x26a: {  	v55 =	vor.u32 v23, v45;
	[tilespmem:v51+s10+$0x0] =	vst.idx.msk $0xffff, v50  }
0x26b: {  	v58 =	vor.u32 v23, v46;
	v41 =	vor.u32 v23, v47;
	[tilespmem:v54+s10+$0x0] =	vst.idx.msk $0xffff, v53  }
0x26c: {  	v51 =	vor.u32 v0, v42;
	v54 =	vor.u32 v0, v44;
	[tilespmem:v57+s10+$0x0] =	vst.idx.msk $0xffff, v56  }
0x26d: {  	v57 =	vor.u32 v0, v48;
	[tilespmem:v37+s10+$0x0] =	vst.idx.msk $0xffff, v60;
	v37 =	vor.u32 v0, v49;
	v0 =	vld [tilespmem:$0x1FB60]  }
0x26e: {  	v50 =	vld.idx.msk [tilespmem:v52+s3+$0x0], $0xffff  }
0x26f: {  	v53 =	vld.idx.msk [tilespmem:v55+s3+$0x0], $0xffff  }
0x270: {  	v56 =	vld.idx.msk [tilespmem:v58+s3+$0x0], $0xffff  }
0x271: {  	v60 =	vld.idx.msk [tilespmem:v41+s3+$0x0], $0xffff  }
0x272: {  	v52 =	vor.u32 v24, v43  }
0x273: {  	v55 =	vor.u32 v24, v45;
	[tilespmem:v51+s10+$0x0] =	vst.idx.msk $0xffff, v50  }
0x274: {  	v58 =	vor.u32 v24, v46;
	v41 =	vor.u32 v24, v47;
	[tilespmem:v54+s10+$0x0] =	vst.idx.msk $0xffff, v53  }
0x275: {  	v51 =	vor.u32 v0, v42;
	v54 =	vor.u32 v0, v44;
	[tilespmem:v57+s10+$0x0] =	vst.idx.msk $0xffff, v56  }
0x276: {  	v57 =	vor.u32 v0, v48;
	[tilespmem:v37+s10+$0x0] =	vst.idx.msk $0xffff, v60;
	v37 =	vor.u32 v0, v49;
	v0 =	vld [tilespmem:$0x1FB70]  }
0x277: {  	v50 =	vld.idx.msk [tilespmem:v52+s3+$0x0], $0xffff  }
0x278: {  	v53 =	vld.idx.msk [tilespmem:v55+s3+$0x0], $0xffff  }
0x279: {  	v56 =	vld.idx.msk [tilespmem:v58+s3+$0x0], $0xffff  }
0x27a: {  	v60 =	vld.idx.msk [tilespmem:v41+s3+$0x0], $0xffff  }
0x27b: {  	v52 =	vor.u32 v25, v43  }
0x27c: {  	v55 =	vor.u32 v25, v45;
	[tilespmem:v51+s10+$0x0] =	vst.idx.msk $0xffff, v50  }
0x27d: {  	v58 =	vor.u32 v25, v46;
	v41 =	vor.u32 v25, v47;
	[tilespmem:v54+s10+$0x0] =	vst.idx.msk $0xffff, v53  }
0x27e: {  	v51 =	vor.u32 v0, v42;
	v54 =	vor.u32 v0, v44;
	[tilespmem:v57+s10+$0x0] =	vst.idx.msk $0xffff, v56  }
0x27f: {  	v57 =	vor.u32 v0, v48;
	[tilespmem:v37+s10+$0x0] =	vst.idx.msk $0xffff, v60;
	v37 =	vor.u32 v0, v49;
	v0 =	vld [tilespmem:$0x1FB80]  }
0x280: {  	v50 =	vld.idx.msk [tilespmem:v52+s3+$0x0], $0xffff  }
0x281: {  	v53 =	vld.idx.msk [tilespmem:v55+s3+$0x0], $0xffff  }
0x282: {  	v56 =	vld.idx.msk [tilespmem:v58+s3+$0x0], $0xffff  }
0x283: {  	v60 =	vld.idx.msk [tilespmem:v41+s3+$0x0], $0xffff  }
0x284: {  	v52 =	vor.u32 v26, v43  }
0x285: {  	v55 =	vor.u32 v26, v45;
	[tilespmem:v51+s10+$0x0] =	vst.idx.msk $0xffff, v50  }
0x286: {  	v58 =	vor.u32 v26, v46;
	v41 =	vor.u32 v26, v47;
	[tilespmem:v54+s10+$0x0] =	vst.idx.msk $0xffff, v53  }
0x287: {  	v51 =	vor.u32 v0, v42;
	v54 =	vor.u32 v0, v44;
	[tilespmem:v57+s10+$0x0] =	vst.idx.msk $0xffff, v56  }
0x288: {  	v57 =	vor.u32 v0, v48;
	[tilespmem:v37+s10+$0x0] =	vst.idx.msk $0xffff, v60;
	v37 =	vor.u32 v0, v49;
	v0 =	vld [tilespmem:$0x1FB90]  }
0x289: {  	v50 =	vld.idx.msk [tilespmem:v52+s3+$0x0], $0xffff  }
0x28a: {  	v53 =	vld.idx.msk [tilespmem:v55+s3+$0x0], $0xffff  }
0x28b: {  	v56 =	vld.idx.msk [tilespmem:v58+s3+$0x0], $0xffff  }
0x28c: {  	v60 =	vld.idx.msk [tilespmem:v41+s3+$0x0], $0xffff  }
0x28d: {  	v52 =	vor.u32 v27, v43  }
0x28e: {  	v55 =	vor.u32 v27, v45;
	[tilespmem:v51+s10+$0x0] =	vst.idx.msk $0xffff, v50  }
0x28f: {  	v58 =	vor.u32 v27, v46;
	v41 =	vor.u32 v27, v47;
	[tilespmem:v54+s10+$0x0] =	vst.idx.msk $0xffff, v53  }
0x290: {  	v51 =	vor.u32 v0, v42;
	v54 =	vor.u32 v0, v44;
	[tilespmem:v57+s10+$0x0] =	vst.idx.msk $0xffff, v56  }
0x291: {  	v57 =	vor.u32 v0, v48;
	[tilespmem:v37+s10+$0x0] =	vst.idx.msk $0xffff, v60;
	v37 =	vor.u32 v0, v49;
	v0 =	vld [tilespmem:$0x1FBA0]  }
0x292: {  	v50 =	vld.idx.msk [tilespmem:v52+s3+$0x0], $0xffff  }
0x293: {  	v53 =	vld.idx.msk [tilespmem:v55+s3+$0x0], $0xffff  }
0x294: {  	v56 =	vld.idx.msk [tilespmem:v58+s3+$0x0], $0xffff  }
0x295: {  	v60 =	vld.idx.msk [tilespmem:v41+s3+$0x0], $0xffff  }
0x296: {  	v52 =	vor.u32 v28, v43  }
0x297: {  	v55 =	vor.u32 v28, v45;
	[tilespmem:v51+s10+$0x0] =	vst.idx.msk $0xffff, v50  }
0x298: {  	v58 =	vor.u32 v28, v46;
	v41 =	vor.u32 v28, v47;
	[tilespmem:v54+s10+$0x0] =	vst.idx.msk $0xffff, v53  }
0x299: {  	v51 =	vor.u32 v0, v42;
	v54 =	vor.u32 v0, v44;
	[tilespmem:v57+s10+$0x0] =	vst.idx.msk $0xffff, v56  }
0x29a: {  	v57 =	vor.u32 v0, v48;
	[tilespmem:v37+s10+$0x0] =	vst.idx.msk $0xffff, v60;
	v37 =	vor.u32 v0, v49;
	v0 =	vld [tilespmem:$0x1FBB0]  }
0x29b: {  	v50 =	vld.idx.msk [tilespmem:v52+s3+$0x0], $0xffff  }
0x29c: {  	v53 =	vld.idx.msk [tilespmem:v55+s3+$0x0], $0xffff  }
0x29d: {  	v56 =	vld.idx.msk [tilespmem:v58+s3+$0x0], $0xffff  }
0x29e: {  	v60 =	vld.idx.msk [tilespmem:v41+s3+$0x0], $0xffff  }
0x29f: {  	v52 =	vor.u32 v29, v43  }
0x2a0: {  	v55 =	vor.u32 v29, v45;
	[tilespmem:v51+s10+$0x0] =	vst.idx.msk $0xffff, v50  }
0x2a1: {  	v58 =	vor.u32 v29, v46;
	v41 =	vor.u32 v29, v47;
	[tilespmem:v54+s10+$0x0] =	vst.idx.msk $0xffff, v53  }
0x2a2: {  	v51 =	vor.u32 v0, v42;
	v54 =	vor.u32 v0, v44;
	[tilespmem:v57+s10+$0x0] =	vst.idx.msk $0xffff, v56  }
0x2a3: {  	v57 =	vor.u32 v0, v48;
	[tilespmem:v37+s10+$0x0] =	vst.idx.msk $0xffff, v60;
	v37 =	vor.u32 v0, v49;
	v0 =	vld [tilespmem:$0x1FBC0]  }
0x2a4: {  	v50 =	vld.idx.msk [tilespmem:v52+s3+$0x0], $0xffff  }
0x2a5: {  	v53 =	vld.idx.msk [tilespmem:v55+s3+$0x0], $0xffff  }
0x2a6: {  	v56 =	vld.idx.msk [tilespmem:v58+s3+$0x0], $0xffff  }
0x2a7: {  	v60 =	vld.idx.msk [tilespmem:v41+s3+$0x0], $0xffff  }
0x2a8: {  	v52 =	vor.u32 v34, v43  }
0x2a9: {  	v55 =	vor.u32 v34, v45;
	[tilespmem:v51+s10+$0x0] =	vst.idx.msk $0xffff, v50  }
0x2aa: {  	v58 =	vor.u32 v34, v46;
	v41 =	vor.u32 v34, v47;
	[tilespmem:v54+s10+$0x0] =	vst.idx.msk $0xffff, v53  }
0x2ab: {  	v51 =	vor.u32 v0, v42;
	v54 =	vor.u32 v0, v44;
	[tilespmem:v57+s10+$0x0] =	vst.idx.msk $0xffff, v56  }
0x2ac: {  	v57 =	vor.u32 v0, v48;
	[tilespmem:v37+s10+$0x0] =	vst.idx.msk $0xffff, v60;
	v37 =	vor.u32 v0, v49;
	v0 =	vld [tilespmem:$0x1FBD0]  }
0x2ad: {  	v50 =	vld.idx.msk [tilespmem:v52+s3+$0x0], $0xffff  }
0x2ae: {  	v52 =	vor.u32 v31, v43;
	v53 =	vld.idx.msk [tilespmem:v55+s3+$0x0], $0xffff  }
0x2af: {  	v55 =	vor.u32 v31, v45;
	v56 =	vld.idx.msk [tilespmem:v58+s3+$0x0], $0xffff  }
0x2b0: {  	v58 =	vor.u32 v31, v46;
	v60 =	vld.idx.msk [tilespmem:v41+s3+$0x0], $0xffff  }
0x2b1: {  	v41 =	vor.u32 v31, v47  }
0x2b2: {  	[tilespmem:v51+s10+$0x0] =	vst.idx.msk $0xffff, v50  }
0x2b3: {  	[tilespmem:v54+s10+$0x0] =	vst.idx.msk $0xffff, v53;
	v50 =	vld.idx.msk [tilespmem:v52+s3+$0x0], $0xffff  }
0x2b4: {  	[tilespmem:v57+s10+$0x0] =	vst.idx.msk $0xffff, v56;
	v53 =	vld.idx.msk [tilespmem:v55+s3+$0x0], $0xffff  }
0x2b5: {  	v51 =	vor.u32 v0, v42;
	[tilespmem:v37+s10+$0x0] =	vst.idx.msk $0xffff, v60;
	v56 =	vld.idx.msk [tilespmem:v58+s3+$0x0], $0xffff  }
0x2b6: {  	v54 =	vor.u32 v0, v44;
	v60 =	vld.idx.msk [tilespmem:v41+s3+$0x0], $0xffff  }
0x2b7: {  	v57 =	vor.u32 v0, v48;
	v41 =	vor.u32 v0, v49;
	v0 =	vld [tilespmem:$0x1FBE0];
	_ =	sdelay $0x1  }
0x2b8: {  	v52 =	vor.u32 v32, v43  }
0x2b9: {  	v55 =	vor.u32 v32, v45;
	[tilespmem:v51+s10+$0x0] =	vst.idx.msk $0xffff, v50  }
0x2ba: {  	v37 =	vor.u32 v32, v46;
	v32 =	vor.u32 v32, v47;
	[tilespmem:v54+s10+$0x0] =	vst.idx.msk $0xffff, v53  }
0x2bb: {  	v51 =	vor.u32 v0, v42;
	v54 =	vor.u32 v0, v44;
	[tilespmem:v57+s10+$0x0] =	vst.idx.msk $0xffff, v56  }
0x2bc: {  	v57 =	vor.u32 v0, v48;
	[tilespmem:v41+s10+$0x0] =	vst.idx.msk $0xffff, v60;
	v41 =	vor.u32 v0, v49;
	v0 =	vld [tilespmem:$0x1FBF0]  }
0x2bd: {  	v50 =	vld.idx.msk [tilespmem:v52+s3+$0x0], $0xffff  }
0x2be: {  	v53 =	vld.idx.msk [tilespmem:v55+s3+$0x0], $0xffff  }
0x2bf: {  	v56 =	vld.idx.msk [tilespmem:v37+s3+$0x0], $0xffff  }
0x2c0: {  	v60 =	vld.idx.msk [tilespmem:v32+s3+$0x0], $0xffff  }
0x2c1: {  	v52 =	vor.u32 v14, v43  }
0x2c2: {  	v55 =	vor.u32 v14, v45;
	[tilespmem:v51+s10+$0x0] =	vst.idx.msk $0xffff, v50  }
0x2c3: {  	v37 =	vor.u32 v14, v46;
	v32 =	vor.u32 v14, v47;
	[tilespmem:v54+s10+$0x0] =	vst.idx.msk $0xffff, v53  }
0x2c4: {  	v51 =	vor.u32 v0, v42;
	v54 =	vor.u32 v0, v44;
	[tilespmem:v57+s10+$0x0] =	vst.idx.msk $0xffff, v56  }
0x2c5: {  	v57 =	vor.u32 v0, v48;
	[tilespmem:v41+s10+$0x0] =	vst.idx.msk $0xffff, v60;
	v41 =	vor.u32 v0, v49;
	v0 =	vld [tilespmem:$0x1FC00]  }
0x2c6: {  	v50 =	vld.idx.msk [tilespmem:v52+s3+$0x0], $0xffff  }
0x2c7: {  	v52 =	vor.u32 v10, v43;
	v53 =	vld.idx.msk [tilespmem:v55+s3+$0x0], $0xffff  }
0x2c8: {  	v55 =	vor.u32 v10, v45;
	v56 =	vld.idx.msk [tilespmem:v37+s3+$0x0], $0xffff  }
0x2c9: {  	v37 =	vor.u32 v10, v46;
	v60 =	vld.idx.msk [tilespmem:v32+s3+$0x0], $0xffff  }
0x2ca: {  	v32 =	vor.u32 v10, v47  }
0x2cb: {  	[tilespmem:v51+s10+$0x0] =	vst.idx.msk $0xffff, v50  }
0x2cc: {  	[tilespmem:v54+s10+$0x0] =	vst.idx.msk $0xffff, v53;
	v50 =	vld.idx.msk [tilespmem:v52+s3+$0x0], $0xffff  }
0x2cd: {  	[tilespmem:v57+s10+$0x0] =	vst.idx.msk $0xffff, v56;
	v54 =	vld.idx.msk [tilespmem:v55+s3+$0x0], $0xffff  }
0x2ce: {  	v51 =	vor.u32 v0, v42;
	[tilespmem:v41+s10+$0x0] =	vst.idx.msk $0xffff, v60;
	v52 =	vor.u32 $0x20, v35;
	v57 =	vld.idx.msk [tilespmem:v37+s3+$0x0], $0xffff  }
0x2cf: {  	v55 =	vor.u32 v0, v44;
	v62 =	vld.idx.msk [tilespmem:v32+s3+$0x0], $0xffff;
	v53 =	vor.u32 v52, v43  }
0x2d0: {  	v37 =	vor.u32 v0, v48;
	v32 =	vor.u32 v0, v49;
	v0 =	vld [tilespmem:$0x1FC10];
	v56 =	vor.u32 v52, v45  }
0x2d1: {  	v41 =	vor.u32 v52, v46;
	_ =	sdelay $0x1  }
0x2d2: {  	[tilespmem:v51+s10+$0x0] =	vst.idx.msk $0xffff, v50  }
0x2d3: {  	v52 =	vor.u32 v52, v47;
	[tilespmem:v55+s10+$0x0] =	vst.idx.msk $0xffff, v54;
	v50 =	vld.idx.msk [tilespmem:v53+s3+$0x0], $0xffff  }
0x2d4: {  	v51 =	vor.u32 v0, v42;
	[tilespmem:v37+s10+$0x0] =	vst.idx.msk $0xffff, v57;
	v53 =	vadd.s32 $0x21, v35;
	v55 =	vld.idx.msk [tilespmem:v56+s3+$0x0], $0xffff  }
0x2d5: {  	v37 =	vor.u32 v0, v48;
	v56 =	vor.u32 v0, v44;
	v58 =	vld.idx.msk [tilespmem:v41+s3+$0x0], $0xffff;
	v54 =	vor.u32 v53, v43  }
0x2d6: {  	[tilespmem:v32+s10+$0x0] =	vst.idx.msk $0xffff, v62;
	v32 =	vor.u32 v0, v49;
	v0 =	vld [tilespmem:$0x1FC20];
	v57 =	vor.u32 v53, v45  }
0x2d7: {  	v41 =	vor.u32 v53, v46  }
0x2d8: {  	v52 =	vld.idx.msk [tilespmem:v52+s3+$0x0], $0xffff  }
0x2d9: {  	[tilespmem:v51+s10+$0x0] =	vst.idx.msk $0xffff, v50  }
0x2da: {  	v53 =	vor.u32 v53, v47;
	[tilespmem:v56+s10+$0x0] =	vst.idx.msk $0xffff, v55;
	v50 =	vld.idx.msk [tilespmem:v54+s3+$0x0], $0xffff  }
0x2db: {  	v51 =	vor.u32 v0, v42;
	[tilespmem:v37+s10+$0x0] =	vst.idx.msk $0xffff, v58;
	v54 =	vadd.s32 $0x22, v35;
	v56 =	vld.idx.msk [tilespmem:v57+s3+$0x0], $0xffff  }
0x2dc: {  	v37 =	vor.u32 v0, v48;
	v57 =	vor.u32 v0, v44;
	v60 =	vld.idx.msk [tilespmem:v41+s3+$0x0], $0xffff;
	v55 =	vor.u32 v54, v43  }
0x2dd: {  	[tilespmem:v32+s10+$0x0] =	vst.idx.msk $0xffff, v52;
	v32 =	vor.u32 v0, v49;
	v0 =	vld [tilespmem:$0x1FC30];
	v58 =	vor.u32 v54, v45  }
0x2de: {  	v41 =	vor.u32 v54, v46  }
0x2df: {  	v53 =	vld.idx.msk [tilespmem:v53+s3+$0x0], $0xffff  }
0x2e0: {  	[tilespmem:v51+s10+$0x0] =	vst.idx.msk $0xffff, v50  }
0x2e1: {  	v54 =	vor.u32 v54, v47;
	[tilespmem:v57+s10+$0x0] =	vst.idx.msk $0xffff, v56;
	v50 =	vld.idx.msk [tilespmem:v55+s3+$0x0], $0xffff  }
0x2e2: {  	v51 =	vor.u32 v0, v42;
	[tilespmem:v37+s10+$0x0] =	vst.idx.msk $0xffff, v60;
	v55 =	vadd.s32 $0x23, v35;
	v57 =	vld.idx.msk [tilespmem:v58+s3+$0x0], $0xffff  }
0x2e3: {  	v37 =	vor.u32 v0, v48;
	v58 =	vor.u32 v0, v44;
	v52 =	vld.idx.msk [tilespmem:v41+s3+$0x0], $0xffff;
	v56 =	vor.u32 v55, v43  }
0x2e4: {  	[tilespmem:v32+s10+$0x0] =	vst.idx.msk $0xffff, v53;
	v32 =	vor.u32 v0, v49;
	v0 =	vld [tilespmem:$0x1FC40];
	v60 =	vor.u32 v55, v45  }
0x2e5: {  	v41 =	vor.u32 v55, v46  }
0x2e6: {  	v54 =	vld.idx.msk [tilespmem:v54+s3+$0x0], $0xffff  }
0x2e7: {  	v55 =	vor.u32 v55, v47;
	[tilespmem:v51+s10+$0x0] =	vst.idx.msk $0xffff, v50  }
0x2e8: {  	[tilespmem:v58+s10+$0x0] =	vst.idx.msk $0xffff, v57;
	v50 =	vld.idx.msk [tilespmem:v56+s3+$0x0], $0xffff  }
0x2e9: {  	v51 =	vor.u32 v0, v42;
	[tilespmem:v37+s10+$0x0] =	vst.idx.msk $0xffff, v52;
	v58 =	vld.idx.msk [tilespmem:v60+s3+$0x0], $0xffff  }
0x2ea: {  	v60 =	vor.u32 v0, v44;
	v53 =	vld.idx.msk [tilespmem:v41+s3+$0x0], $0xffff  }
0x2eb: {  	v37 =	vor.u32 v0, v48;
	[tilespmem:v32+s10+$0x0] =	vst.idx.msk $0xffff, v54;
	v32 =	vor.u32 v0, v49;
	v0 =	vld [tilespmem:$0x1FC50]  }
0x2ec: {  	v56 =	vadd.s32 $0x24, v35;
	v55 =	vld.idx.msk [tilespmem:v55+s3+$0x0], $0xffff  }
0x2ed: {  	v57 =	vor.u32 v56, v43  }
0x2ee: {  	v52 =	vor.u32 v56, v45;
	[tilespmem:v51+s10+$0x0] =	vst.idx.msk $0xffff, v50  }
0x2ef: {  	v41 =	vor.u32 v56, v46;
	v56 =	vor.u32 v56, v47;
	[tilespmem:v60+s10+$0x0] =	vst.idx.msk $0xffff, v58  }
0x2f0: {  	v51 =	vor.u32 v0, v42;
	v60 =	vor.u32 v0, v44;
	[tilespmem:v37+s10+$0x0] =	vst.idx.msk $0xffff, v53  }
0x2f1: {  	v37 =	vor.u32 v0, v48;
	[tilespmem:v32+s10+$0x0] =	vst.idx.msk $0xffff, v55;
	v32 =	vor.u32 v0, v49;
	v0 =	vld [tilespmem:$0x1FC60]  }
0x2f2: {  	v50 =	vld.idx.msk [tilespmem:v57+s3+$0x0], $0xffff  }
0x2f3: {  	v52 =	vld.idx.msk [tilespmem:v52+s3+$0x0], $0xffff  }
0x2f4: {  	v54 =	vld.idx.msk [tilespmem:v41+s3+$0x0], $0xffff  }
0x2f5: {  	v57 =	vadd.s32 $0x25, v35;
	v56 =	vld.idx.msk [tilespmem:v56+s3+$0x0], $0xffff  }
0x2f6: {  	v58 =	vor.u32 v57, v43  }
0x2f7: {  	v53 =	vor.u32 v57, v45;
	[tilespmem:v51+s10+$0x0] =	vst.idx.msk $0xffff, v50  }
0x2f8: {  	v41 =	vor.u32 v57, v46;
	v57 =	vor.u32 v57, v47;
	[tilespmem:v60+s10+$0x0] =	vst.idx.msk $0xffff, v52  }
0x2f9: {  	v51 =	vor.u32 v0, v42;
	v60 =	vor.u32 v0, v44;
	[tilespmem:v37+s10+$0x0] =	vst.idx.msk $0xffff, v54  }
0x2fa: {  	v37 =	vor.u32 v0, v48;
	[tilespmem:v32+s10+$0x0] =	vst.idx.msk $0xffff, v56;
	v32 =	vor.u32 v0, v49;
	v0 =	vld [tilespmem:$0x1FC70]  }
0x2fb: {  	v50 =	vld.idx.msk [tilespmem:v58+s3+$0x0], $0xffff  }
0x2fc: {  	v53 =	vld.idx.msk [tilespmem:v53+s3+$0x0], $0xffff  }
0x2fd: {  	v55 =	vld.idx.msk [tilespmem:v41+s3+$0x0], $0xffff  }
0x2fe: {  	v58 =	vadd.s32 $0x26, v35;
	v57 =	vld.idx.msk [tilespmem:v57+s3+$0x0], $0xffff  }
0x2ff: {  	v52 =	vor.u32 v58, v43  }
0x300: {  	v54 =	vor.u32 v58, v45;
	[tilespmem:v51+s10+$0x0] =	vst.idx.msk $0xffff, v50  }
0x301: {  	v41 =	vor.u32 v58, v46;
	v58 =	vor.u32 v58, v47;
	[tilespmem:v60+s10+$0x0] =	vst.idx.msk $0xffff, v53  }
0x302: {  	v51 =	vor.u32 v0, v42;
	v60 =	vor.u32 v0, v44;
	[tilespmem:v37+s10+$0x0] =	vst.idx.msk $0xffff, v55  }
0x303: {  	v37 =	vor.u32 v0, v48;
	[tilespmem:v32+s10+$0x0] =	vst.idx.msk $0xffff, v57;
	v32 =	vor.u32 v0, v49;
	v0 =	vld [tilespmem:$0x1FC80]  }
0x304: {  	v50 =	vld.idx.msk [tilespmem:v52+s3+$0x0], $0xffff  }
0x305: {  	v54 =	vld.idx.msk [tilespmem:v54+s3+$0x0], $0xffff  }
0x306: {  	v56 =	vld.idx.msk [tilespmem:v41+s3+$0x0], $0xffff  }
0x307: {  	v52 =	vadd.s32 $0x27, v35;
	v58 =	vld.idx.msk [tilespmem:v58+s3+$0x0], $0xffff  }
0x308: {  	v53 =	vor.u32 v52, v43  }
0x309: {  	v55 =	vor.u32 v52, v45;
	[tilespmem:v51+s10+$0x0] =	vst.idx.msk $0xffff, v50  }
0x30a: {  	v41 =	vor.u32 v52, v46;
	v52 =	vor.u32 v52, v47;
	[tilespmem:v60+s10+$0x0] =	vst.idx.msk $0xffff, v54  }
0x30b: {  	v51 =	vor.u32 v0, v42;
	v60 =	vor.u32 v0, v44;
	[tilespmem:v37+s10+$0x0] =	vst.idx.msk $0xffff, v56  }
0x30c: {  	v37 =	vor.u32 v0, v48;
	[tilespmem:v32+s10+$0x0] =	vst.idx.msk $0xffff, v58;
	v32 =	vor.u32 v0, v49;
	v0 =	vld [tilespmem:$0x1FC90]  }
0x30d: {  	v50 =	vld.idx.msk [tilespmem:v53+s3+$0x0], $0xffff  }
0x30e: {  	v55 =	vld.idx.msk [tilespmem:v55+s3+$0x0], $0xffff  }
0x30f: {  	v57 =	vld.idx.msk [tilespmem:v41+s3+$0x0], $0xffff  }
0x310: {  	v53 =	vadd.s32 $0x28, v35;
	v52 =	vld.idx.msk [tilespmem:v52+s3+$0x0], $0xffff  }
0x311: {  	v54 =	vor.u32 v53, v43  }
0x312: {  	v56 =	vor.u32 v53, v45;
	[tilespmem:v51+s10+$0x0] =	vst.idx.msk $0xffff, v50  }
0x313: {  	v41 =	vor.u32 v53, v46;
	v53 =	vor.u32 v53, v47;
	[tilespmem:v60+s10+$0x0] =	vst.idx.msk $0xffff, v55  }
0x314: {  	v51 =	vor.u32 v0, v42;
	v60 =	vor.u32 v0, v44;
	[tilespmem:v37+s10+$0x0] =	vst.idx.msk $0xffff, v57  }
0x315: {  	v37 =	vor.u32 v0, v48;
	[tilespmem:v32+s10+$0x0] =	vst.idx.msk $0xffff, v52;
	v32 =	vor.u32 v0, v49;
	v0 =	vld [tilespmem:$0x1FCA0]  }
0x316: {  	v50 =	vld.idx.msk [tilespmem:v54+s3+$0x0], $0xffff  }
0x317: {  	v56 =	vld.idx.msk [tilespmem:v56+s3+$0x0], $0xffff  }
0x318: {  	v58 =	vld.idx.msk [tilespmem:v41+s3+$0x0], $0xffff  }
0x319: {  	v54 =	vadd.s32 $0x29, v35;
	v53 =	vld.idx.msk [tilespmem:v53+s3+$0x0], $0xffff  }
0x31a: {  	v55 =	vor.u32 v54, v43  }
0x31b: {  	v57 =	vor.u32 v54, v45;
	[tilespmem:v51+s10+$0x0] =	vst.idx.msk $0xffff, v50  }
0x31c: {  	v41 =	vor.u32 v54, v46;
	v54 =	vor.u32 v54, v47;
	[tilespmem:v60+s10+$0x0] =	vst.idx.msk $0xffff, v56  }
0x31d: {  	v51 =	vor.u32 v0, v42;
	v60 =	vor.u32 v0, v44;
	[tilespmem:v37+s10+$0x0] =	vst.idx.msk $0xffff, v58  }
0x31e: {  	v37 =	vor.u32 v0, v48;
	[tilespmem:v32+s10+$0x0] =	vst.idx.msk $0xffff, v53;
	v32 =	vor.u32 v0, v49;
	v0 =	vld [tilespmem:$0x1FCB0]  }
0x31f: {  	v50 =	vld.idx.msk [tilespmem:v55+s3+$0x0], $0xffff  }
0x320: {  	v57 =	vld.idx.msk [tilespmem:v57+s3+$0x0], $0xffff  }
0x321: {  	v52 =	vld.idx.msk [tilespmem:v41+s3+$0x0], $0xffff  }
0x322: {  	v55 =	vadd.s32 $0x2A, v35;
	v54 =	vld.idx.msk [tilespmem:v54+s3+$0x0], $0xffff  }
0x323: {  	v56 =	vor.u32 v55, v43  }
0x324: {  	v58 =	vor.u32 v55, v45;
	[tilespmem:v51+s10+$0x0] =	vst.idx.msk $0xffff, v50  }
0x325: {  	v41 =	vor.u32 v55, v46;
	v55 =	vor.u32 v55, v47;
	[tilespmem:v60+s10+$0x0] =	vst.idx.msk $0xffff, v57  }
0x326: {  	v51 =	vor.u32 v0, v42;
	v60 =	vor.u32 v0, v44;
	[tilespmem:v37+s10+$0x0] =	vst.idx.msk $0xffff, v52  }
0x327: {  	v37 =	vor.u32 v0, v48;
	[tilespmem:v32+s10+$0x0] =	vst.idx.msk $0xffff, v54;
	v32 =	vor.u32 v0, v49;
	v0 =	vld [tilespmem:$0x1FCC0]  }
0x328: {  	v50 =	vld.idx.msk [tilespmem:v56+s3+$0x0], $0xffff;
	v56 =	vadd.s32 $0x2B, v35  }
0x329: {  	v58 =	vld.idx.msk [tilespmem:v58+s3+$0x0], $0xffff;
	v57 =	vor.u32 v56, v43  }
0x32a: {  	v53 =	vld.idx.msk [tilespmem:v41+s3+$0x0], $0xffff;
	v52 =	vor.u32 v56, v45  }
0x32b: {  	v55 =	vld.idx.msk [tilespmem:v55+s3+$0x0], $0xffff;
	v41 =	vor.u32 v56, v46  }
0x32c: {  	v56 =	vor.u32 v56, v47  }
0x32d: {  	[tilespmem:v51+s10+$0x0] =	vst.idx.msk $0xffff, v50  }
0x32e: {  	[tilespmem:v60+s10+$0x0] =	vst.idx.msk $0xffff, v58;
	v50 =	vld.idx.msk [tilespmem:v57+s3+$0x0], $0xffff  }
0x32f: {  	v51 =	vor.u32 v0, v42;
	[tilespmem:v37+s10+$0x0] =	vst.idx.msk $0xffff, v53;
	v57 =	vadd.s32 $0x2C, v35;
	v52 =	vld.idx.msk [tilespmem:v52+s3+$0x0], $0xffff  }
0x330: {  	v60 =	vor.u32 v0, v44;
	[tilespmem:v32+s10+$0x0] =	vst.idx.msk $0xffff, v55;
	v54 =	vld.idx.msk [tilespmem:v41+s3+$0x0], $0xffff;
	v58 =	vor.u32 v57, v43  }
0x331: {  	v37 =	vor.u32 v0, v48;
	v56 =	vld.idx.msk [tilespmem:v56+s3+$0x0], $0xffff;
	v53 =	vor.u32 v57, v45  }
0x332: {  	v41 =	vor.u32 v0, v49;
	v0 =	vld [tilespmem:$0x1FCD0];
	v32 =	vor.u32 v57, v46  }
0x333: {  	v57 =	vor.u32 v57, v47  }
0x334: {  	[tilespmem:v51+s10+$0x0] =	vst.idx.msk $0xffff, v50  }
0x335: {  	[tilespmem:v60+s10+$0x0] =	vst.idx.msk $0xffff, v52;
	v50 =	vld.idx.msk [tilespmem:v58+s3+$0x0], $0xffff  }
0x336: {  	[tilespmem:v37+s10+$0x0] =	vst.idx.msk $0xffff, v54;
	v53 =	vld.idx.msk [tilespmem:v53+s3+$0x0], $0xffff  }
0x337: {  	v51 =	vor.u32 v0, v42;
	[tilespmem:v41+s10+$0x0] =	vst.idx.msk $0xffff, v56;
	v58 =	vadd.s32 $0x2D, v35;
	v55 =	vld.idx.msk [tilespmem:v32+s3+$0x0], $0xffff  }
0x338: {  	v60 =	vor.u32 v0, v44;
	v57 =	vld.idx.msk [tilespmem:v57+s3+$0x0], $0xffff;
	v52 =	vor.u32 v58, v43  }
0x339: {  	v41 =	vor.u32 v0, v49;
	v32 =	vor.u32 v0, v48;
	v0 =	vld [tilespmem:$0x1FCE0];
	v37 =	vor.u32 v58, v45  }
0x33a: {  	v56 =	vor.u32 v58, v46;
	v58 =	vor.u32 v58, v47;
	_ =	sdelay $0x1  }
0x33b: {  	[tilespmem:v51+s10+$0x0] =	vst.idx.msk $0xffff, v50  }
0x33c: {  	[tilespmem:v60+s10+$0x0] =	vst.idx.msk $0xffff, v53;
	v50 =	vld.idx.msk [tilespmem:v52+s3+$0x0], $0xffff  }
0x33d: {  	v51 =	vor.u32 v0, v42;
	[tilespmem:v41+s10+$0x0] =	vst.idx.msk $0xffff, v57;
	v54 =	vld.idx.msk [tilespmem:v37+s3+$0x0], $0xffff  }
0x33e: {  	[tilespmem:v32+s10+$0x0] =	vst.idx.msk $0xffff, v55;
	v62 =	vor.u32 v0, v48;
	v52 =	vadd.s32 $0x2E, v35;
	v58 =	vld.idx.msk [tilespmem:v58+s3+$0x0], $0xffff  }
0x33f: {  	v41 =	vor.u32 v0, v49;
	v37 =	vor.u32 v0, v44;
	v0 =	vld [tilespmem:$0x1FCF0];
	v53 =	vor.u32 v52, v43  }
0x340: {  	v32 =	vor.u32 v52, v45;
	v57 =	vor.u32 v52, v46;
	v52 =	vor.u32 v52, v47  }
0x341: {  	v56 =	vld.idx.msk [tilespmem:v56+s3+$0x0], $0xffff;
	_ =	sdelay $0x1  }
0x342: {  	[tilespmem:v51+s10+$0x0] =	vst.idx.msk $0xffff, v50  }
0x343: {  	v51 =	vor.u32 v0, v42;
	[tilespmem:v41+s10+$0x0] =	vst.idx.msk $0xffff, v58;
	v50 =	vld.idx.msk [tilespmem:v53+s3+$0x0], $0xffff  }
0x344: {  	[tilespmem:v37+s10+$0x0] =	vst.idx.msk $0xffff, v54;
	v41 =	vor.u32 v0, v49;
	v53 =	vadd.s32 $0x2F, v35;
	v52 =	vld.idx.msk [tilespmem:v52+s3+$0x0], $0xffff  }
0x345: {  	v10 =	vld [tilespmem:$0x1FD00];
	[tilespmem:v62+s10+$0x0] =	vst.idx.msk $0xffff, v56;
	v37 =	vor.u32 v53, v43  }
0x346: {  	v62 =	vor.u32 v0, v48;
	v57 =	vld.idx.msk [tilespmem:v57+s3+$0x0], $0xffff;
	_ =	sdelay $0x1  }
0x347: {  	v55 =	vld.idx.msk [tilespmem:v32+s3+$0x0], $0xffff;
	v32 =	vor.u32 v0, v44;
	[tilespmem:v51+s10+$0x0] =	vst.idx.msk $0xffff, v50  }
0x348: {  	v56 =	vor.u32 v53, v45;
	[tilespmem:v41+s10+$0x0] =	vst.idx.msk $0xffff, v52;
	v41 =	vld [tilespmem:$0x1FE70]  }
0x349: {  	v63 =	vor.u32 v10, v49;
	v60 =	vor.u32 v10, v44;
	v58 =	vor.u32 v53, v46;
	v51 =	vld.idx.msk [tilespmem:v37+s3+$0x0], $0xffff  }
0x34a: {  	[tilespmem:v62+s10+$0x0] =	vst.idx.msk $0xffff, v57;
	v62 =	vor.u32 v10, v48;
	v37 =	vor.u32 v10, v42;
	v10 =	vld [tilespmem:$0x1FE60]  }
0x34b: {  	v53 =	vor.u32 v53, v47  }
0x34c: {  	[tilespmem:v32+s10+$0x0] =	vst.idx.msk $0xffff, v55  }
0x34d: {  	v0 =	vor.u32 $0x30, v35;
	v56 =	vld.idx.msk [tilespmem:v56+s3+$0x0], $0xffff  }
0x34e: {  	v32 =	vor.u32 v0, v43;
	v58 =	vld.idx.msk [tilespmem:v58+s3+$0x0], $0xffff;
	v50 =	vsel vm0, v1, v41  }
0x34f: {  	v57 =	vor.u32 v0, v45;
	v54 =	vcombine.low v10, v50;
	v10 =	vld [tilespmem:$0x1FD10]  }
0x350: {  	v30 =	vmov v27;
	v27 =	vmov v24;
	v52 =	vor.u32 v0, v46;
	v53 =	vld.idx.msk [tilespmem:v53+s3+$0x0], $0xffff  }
0x351: {  	v24 =	vmovc v21;
	v21 =	vmovc v18;
	v31 =	vmov v28;
	v28 =	vmov v25;
	v0 =	vor.u32 v0, v47  }
0x352: {  	v25 =	vmovc v22;
	v22 =	vmovc v19;
	v19 =	vmov v16;
	v16 =	vmov v8;
	v8 =	vmov v4;
	v4 =	vld [tilespmem:$0x1FEA0];
	[tilespmem:v37+s10+$0x0] =	vst.idx.msk $0xffff, v51  }
0x353: {  	v18 =	vmovc v15;
	v15 =	vmov v7;
	v7 =	vmov v39;
	v39 =	vmov v13;
	[tilespmem:v60+s10+$0x0] =	vst.idx.msk $0xffff, v56;
	v55 =	vld.idx.msk [tilespmem:v32+s3+$0x0], $0xffff  }
0x354: {  	v13 =	vmov v6;
	v6 =	vmov v1;
	[tilespmem:v62+s10+$0x0] =	vst.idx.msk $0xffff, v58;
	v57 =	vld.idx.msk [tilespmem:v57+s3+$0x0], $0xffff;
	v1 =	vor.u32 v10, v42  }
0x355: {  	[tilespmem:v63+s10+$0x0] =	vst.idx.msk $0xffff, v53;
	v52 =	vld.idx.msk [tilespmem:v52+s3+$0x0], $0xffff;
	v60 =	vor.u32 v10, v44  }
0x356: {  	v0 =	vld.idx.msk [tilespmem:v0+s3+$0x0], $0xffff;
	v56 =	vor.u32 v54, v43;
	v62 =	vor.u32 v10, v48  }
0x357: {  	v37 =	vor.u32 v54, v46;
	v63 =	vor.u32 v10, v49;
	v10 =	vld [tilespmem:$0x1FD30]  }
0x358: {  	v32 =	vmov v29;
	v29 =	vmov v26  }
0x359: {  	v26 =	vmovc v23;
	v23 =	vmovc v20;
	v20 =	vmov v17;
	v17 =	vmov v9;
	v9 =	vmov v5;
	v5 =	vld [tilespmem:$0x1FED0];
	[tilespmem:v1+s10+$0x0] =	vst.idx.msk $0xffff, v55  }
0x35a: {  	v1 =	vld [tilespmem:$0x1FE90];
	[tilespmem:v60+s10+$0x0] =	vst.idx.msk $0xffff, v57  }
0x35b: {  	v51 =	vsel vm0, v2, v4;
	[tilespmem:v62+s10+$0x0] =	vst.idx.msk $0xffff, v52;
	v55 =	vld.idx.msk [tilespmem:v56+s3+$0x0], $0xffff  }
0x35c: {  	v60 =	vor.u32 v10, v44;
	[tilespmem:v63+s10+$0x0] =	vst.idx.msk $0xffff, v0;
	v63 =	vor.u32 v10, v49;
	v53 =	vld.idx.msk [tilespmem:v37+s3+$0x0], $0xffff  }
0x35d: {  	v56 =	vor.u32 v10, v42;
	v37 =	vmovc v11;
	v11 =	vmovc v59;
	v59 =	vmov v2;
	v2 =	vor.u32 v10, v48;
	v10 =	vld [tilespmem:$0x1FEC0]  }
0x35e: {  	v58 =	vor.u32 v54, v45  }
0x35f: {  	v54 =	vor.u32 v54, v47  }
0x360: {  	v1 =	vcombine.low v1, v51  }
0x361: {  	v52 =	vsel vm0, v3, v5  }
0x362: {  	[tilespmem:v56+s10+$0x0] =	vst.idx.msk $0xffff, v55;
	v55 =	vcombine.low v10, v52;
	v10 =	vld [tilespmem:$0x1FD40];
	v57 =	vor.u32 v1, v43  }
0x363: {  	v58 =	vld.idx.msk [tilespmem:v58+s3+$0x0], $0xffff;
	v0 =	vor.u32 v1, v46  }
0x364: {  	v54 =	vld.idx.msk [tilespmem:v54+s3+$0x0], $0xffff;
	v62 =	vor.u32 v1, v45;
	_ =	sdelay $0x1  }
0x365: {  	v14 =	vld [tilespmem:$0x1FD50]  }
0x366: {  	[tilespmem:v2+s10+$0x0] =	vst.idx.msk $0xffff, v53;
	v1 =	vor.u32 v1, v47;
	v56 =	vld.idx.msk [tilespmem:v57+s3+$0x0], $0xffff;
	v57 =	vor.u32 v10, v42  }
0x367: {  	[tilespmem:v60+s10+$0x0] =	vst.idx.msk $0xffff, v58;
	v53 =	vor.u32 v10, v48;
	v0 =	vld.idx.msk [tilespmem:v0+s3+$0x0], $0xffff  }
0x368: {  	[tilespmem:v63+s10+$0x0] =	vst.idx.msk $0xffff, v54;
	v54 =	vor.u32 v55, v46;
	v60 =	vld.idx.msk [tilespmem:v62+s3+$0x0], $0xffff;
	v62 =	vor.u32 v10, v44;
	_ =	sdelay $0x2  }
0x369: {  	v1 =	vld.idx.msk [tilespmem:v1+s3+$0x0], $0xffff;
	[tilespmem:v57+s10+$0x0] =	vst.idx.msk $0xffff, v56  }
0x36a: {  	v63 =	vor.u32 v10, v49;
	v10 =	vld [tilespmem:$0x1FA60];
	[tilespmem:v53+s10+$0x0] =	vst.idx.msk $0xffff, v0  }
0x36b: {  	v58 =	vor.u32 v55, v43;
	v57 =	vor.u32 v14, v42;
	[tilespmem:v62+s10+$0x0] =	vst.idx.msk $0xffff, v60;
	v53 =	vld.idx.msk [tilespmem:v54+s3+$0x0], $0xffff  }
0x36c: {  	v60 =	vor.u32 v14, v44;
	v62 =	vor.u32 v14, v49;
	v54 =	vor.u32 v14, v48;
	v14 =	vld [tilespmem:$0x1FE50];
	_ =	sdelay $0x2  }
0x36d: {  	v2 =	vor.u32 v55, v45  }
0x36e: {  	v55 =	vor.u32 v55, v47;
	v0 =	vor.u32 v10, v45;
	[tilespmem:v63+s10+$0x0] =	vst.idx.msk $0xffff, v1  }
0x36f: {  	v1 =	vor.u32 v10, v46;
	v56 =	vld.idx.msk [tilespmem:v58+s3+$0x0], $0xffff;
	v58 =	vor.u32 v10, v43;
	v63 =	vsel vm0, v41, v14  }
0x370: {  	v41 =	vmovc v38;
	v38 =	vmovc v12;
	v12 =	vmov v61;
	v61 =	vmov v3;
	v3 =	vor.u32 v10, v47;
	v10 =	vld [tilespmem:$0x1FEE0];
	_ =	sdelay $0x2  }
0x371: {  	v2 =	vld.idx.msk [tilespmem:v2+s3+$0x0], $0xffff  }
0x372: {  	v55 =	vld.idx.msk [tilespmem:v55+s3+$0x0], $0xffff  }
0x373: {  	[tilespmem:v57+s10+$0x0] =	vst.idx.msk $0xffff, v56;
	v56 =	vcombine.low v63, v10;
	v10 =	vld [tilespmem:$0x1FD60];
	_ =	sdelay $0x2  }
0x374: {  	[tilespmem:v60+s10+$0x0] =	vst.idx.msk $0xffff, v2  }
0x375: {  	[tilespmem:v54+s10+$0x0] =	vst.idx.msk $0xffff, v53  }
0x376: {  	[tilespmem:v62+s10+$0x0] =	vst.idx.msk $0xffff, v55;
	v57 =	vld.idx.msk [tilespmem:v58+s3+$0x0], $0xffff;
	v58 =	vor.u32 v10, v42  }
0x377: {  	v60 =	vor.u32 v10, v44;
	v54 =	vor.u32 v10, v48;
	v62 =	vor.u32 v10, v49;
	v10 =	vld [tilespmem:$0x1FE80];
	_ =	sdelay $0x1  }
0x378: {  	v0 =	vld.idx.msk [tilespmem:v0+s3+$0x0], $0xffff  }
0x379: {  	v1 =	vld.idx.msk [tilespmem:v1+s3+$0x0], $0xffff  }
0x37a: {  	v3 =	vld.idx.msk [tilespmem:v3+s3+$0x0], $0xffff;
	v2 =	vor.u32 v56, v43  }
0x37b: {  	v55 =	vor.u32 v56, v46;
	v63 =	vsel vm0, v4, v10;
	v10 =	vld [tilespmem:$0x1FD80];
	_ =	sdelay $0x1  }
0x37c: {  	[tilespmem:v58+s10+$0x0] =	vst.idx.msk $0xffff, v57  }
0x37d: {  	v53 =	vor.u32 v56, v45;
	v4 =	vld [tilespmem:$0x1FEF0];
	[tilespmem:v60+s10+$0x0] =	vst.idx.msk $0xffff, v0  }
0x37e: {  	v56 =	vor.u32 v56, v47;
	[tilespmem:v54+s10+$0x0] =	vst.idx.msk $0xffff, v1;
	v2 =	vld.idx.msk [tilespmem:v2+s3+$0x0], $0xffff  }
0x37f: {  	[tilespmem:v62+s10+$0x0] =	vst.idx.msk $0xffff, v3;
	v54 =	vld.idx.msk [tilespmem:v55+s3+$0x0], $0xffff;
	v58 =	vor.u32 v10, v42  }
0x380: {  	v60 =	vor.u32 v10, v44;
	v55 =	vor.u32 v10, v48;
	v62 =	vor.u32 v10, v49;
	v10 =	vld [tilespmem:$0x1FEB0];
	_ =	sdelay $0x1  }
0x381: {  	v53 =	vld.idx.msk [tilespmem:v53+s3+$0x0], $0xffff;
	v57 =	vcombine.low v63, v4  }
0x382: {  	v56 =	vld.idx.msk [tilespmem:v56+s3+$0x0], $0xffff  }
0x383: {  	v0 =	vor.u32 v57, v43;
	[tilespmem:v58+s10+$0x0] =	vst.idx.msk $0xffff, v2;
	v2 =	vld [tilespmem:$0x1FF00]  }
0x384: {  	v63 =	vsel vm0, v5, v10;
	v10 =	vld [tilespmem:$0x1FDA0];
	_ =	sdelay $0x1  }
0x385: {  	v1 =	vor.u32 v57, v45  }
0x386: {  	v3 =	vor.u32 v57, v46;
	[tilespmem:v60+s10+$0x0] =	vst.idx.msk $0xffff, v53  }
0x387: {  	v57 =	vor.u32 v57, v47;
	[tilespmem:v55+s10+$0x0] =	vst.idx.msk $0xffff, v54;
	v0 =	vld.idx.msk [tilespmem:v0+s3+$0x0], $0xffff  }
0x388: {  	[tilespmem:v62+s10+$0x0] =	vst.idx.msk $0xffff, v56;
	v2 =	vcombine.low v63, v2;
	v58 =	vor.u32 v10, v42;
	v63 =	vld [tilespmem:$0x1FA40]  }
0x389: {  	v60 =	vor.u32 v10, v44;
	v55 =	vor.u32 v10, v48;
	v62 =	vor.u32 v10, v49;
	v10 =	vld [tilespmem:$0x1FA50]  }
0x38a: {  	v1 =	vld.idx.msk [tilespmem:v1+s3+$0x0], $0xffff  }
0x38b: {  	v3 =	vld.idx.msk [tilespmem:v3+s3+$0x0], $0xffff  }
0x38c: {  	v57 =	vld.idx.msk [tilespmem:v57+s3+$0x0], $0xffff;
	v53 =	vor.u32 v2, v43  }
0x38d: {  	v54 =	vor.u32 v2, v45;
	[tilespmem:v58+s10+$0x0] =	vst.idx.msk $0xffff, v0;
	v0 =	vld [tilespmem:$0x1FF10]  }
0x38e: {  	v56 =	vor.u32 v2, v46;
	v63 =	vsel vm0, v63, v10;
	v10 =	vld [tilespmem:$0x1FDB0];
	_ =	sdelay $0x2  }
0x38f: {  	v2 =	vor.u32 v2, v47;
	[tilespmem:v60+s10+$0x0] =	vst.idx.msk $0xffff, v1;
	v53 =	vld.idx.msk [tilespmem:v53+s3+$0x0], $0xffff  }
0x390: {  	[tilespmem:v55+s10+$0x0] =	vst.idx.msk $0xffff, v3;
	v54 =	vld.idx.msk [tilespmem:v54+s3+$0x0], $0xffff;
	v0 =	vcombine.low v63, v0  }
0x391: {  	[tilespmem:v62+s10+$0x0] =	vst.idx.msk $0xffff, v57;
	v55 =	vld.idx.msk [tilespmem:v56+s3+$0x0], $0xffff;
	v58 =	vor.u32 v10, v42;
	v60 =	vor.u32 v10, v44  }
0x392: {  	v56 =	vor.u32 v10, v48;
	v62 =	vor.u32 v10, v49;
	v10 =	vld [tilespmem:$0x1FDC0];
	v1 =	vor.u32 v0, v43  }
0x393: {  	v4 =	vld [tilespmem:$0x1FF20];
	v3 =	vor.u32 v0, v45  }
0x394: {  	v2 =	vld.idx.msk [tilespmem:v2+s3+$0x0], $0xffff;
	v57 =	vor.u32 v0, v46  }
0x395: {  	v0 =	vor.u32 v0, v47  }
0x396: {  	[tilespmem:v58+s10+$0x0] =	vst.idx.msk $0xffff, v53  }
0x397: {  	v53 =	vor.u32 v10, v42;
	[tilespmem:v60+s10+$0x0] =	vst.idx.msk $0xffff, v54;
	v1 =	vld.idx.msk [tilespmem:v1+s3+$0x0], $0xffff  }
0x398: {  	v50 =	vcombine.low v50, v4;
	[tilespmem:v56+s10+$0x0] =	vst.idx.msk $0xffff, v55;
	v3 =	vld.idx.msk [tilespmem:v3+s3+$0x0], $0xffff  }
0x399: {  	[tilespmem:v62+s10+$0x0] =	vst.idx.msk $0xffff, v2;
	v56 =	vld.idx.msk [tilespmem:v57+s3+$0x0], $0xffff  }
0x39a: {  	v54 =	vor.u32 v50, v43;
	v58 =	vor.u32 v10, v44;
	v0 =	vld.idx.msk [tilespmem:v0+s3+$0x0], $0xffff  }
0x39b: {  	v55 =	vor.u32 v50, v45;
	v60 =	vor.u32 v10, v49;
	v57 =	vor.u32 v10, v48;
	v10 =	vld [tilespmem:$0x1FDE0]  }
0x39c: {  	v2 =	vor.u32 v50, v46;
	v50 =	vor.u32 v50, v47;
	[tilespmem:v53+s10+$0x0] =	vst.idx.msk $0xffff, v1;
	v1 =	vld [tilespmem:$0x1FF30];
	_ =	sdelay $0x3  }
0x39d: {  	v4 =	vld [tilespmem:$0x1FF40];
	[tilespmem:v60+s10+$0x0] =	vst.idx.msk $0xffff, v0  }
0x39e: {  	[tilespmem:v58+s10+$0x0] =	vst.idx.msk $0xffff, v3;
	v58 =	vor.u32 v10, v49;
	v50 =	vld.idx.msk [tilespmem:v50+s3+$0x0], $0xffff;
	v1 =	vcombine.low v51, v1  }
0x39f: {  	v53 =	vor.u32 v10, v42;
	v51 =	vld.idx.msk [tilespmem:v54+s3+$0x0], $0xffff  }
0x3a0: {  	[tilespmem:v57+s10+$0x0] =	vst.idx.msk $0xffff, v56;
	v54 =	vld.idx.msk [tilespmem:v55+s3+$0x0], $0xffff;
	v55 =	vor.u32 v10, v44;
	v3 =	vor.u32 v1, v43  }
0x3a1: {  	v57 =	vor.u32 v10, v48;
	v2 =	vld.idx.msk [tilespmem:v2+s3+$0x0], $0xffff;
	v56 =	vor.u32 v1, v45  }
0x3a2: {  	v0 =	vor.u32 v1, v46  }
0x3a3: {  	v10 =	vld [tilespmem:$0x1FA00];
	[tilespmem:v58+s10+$0x0] =	vst.idx.msk $0xffff, v50;
	v1 =	vor.u32 v1, v47  }
0x3a4: {  	v58 =	vld [tilespmem:$0x1FF90];
	[tilespmem:v53+s10+$0x0] =	vst.idx.msk $0xffff, v51;
	v51 =	vcombine.low v52, v4  }
0x3a5: {  	v52 =	vor.u32 v33, v42;
	[tilespmem:v55+s10+$0x0] =	vst.idx.msk $0xffff, v54;
	v3 =	vld.idx.msk [tilespmem:v3+s3+$0x0], $0xffff  }
0x3a6: {  	[tilespmem:v57+s10+$0x0] =	vst.idx.msk $0xffff, v2;
	v55 =	vor.u32 v33, v44;
	v53 =	vor.u32 v51, v43;
	v54 =	vld.idx.msk [tilespmem:v56+s3+$0x0], $0xffff  }
0x3a7: {  	v2 =	vor.u32 v51, v45;
	v0 =	vld.idx.msk [tilespmem:v0+s3+$0x0], $0xffff;
	v56 =	vor.u32 v33, v48  }
0x3a8: {  	v57 =	vor.u32 v33, v49;
	v50 =	vor.u32 v51, v46;
	v1 =	vld.idx.msk [tilespmem:v1+s3+$0x0], $0xffff  }
0x3a9: {  	v51 =	vor.u32 v51, v47  }
0x3aa: {  	v14 =	vld [tilespmem:$0x1FE10];
	[tilespmem:v52+s10+$0x0] =	vst.idx.msk $0xffff, v3  }
0x3ab: {  	v52 =	vor.u32 v58, v42;
	[tilespmem:v55+s10+$0x0] =	vst.idx.msk $0xffff, v54;
	v3 =	vld.idx.msk [tilespmem:v53+s3+$0x0], $0xffff  }
0x3ac: {  	v54 =	vor.u32 v58, v44;
	[tilespmem:v56+s10+$0x0] =	vst.idx.msk $0xffff, v0;
	v53 =	vor.u32 v10, v43;
	v2 =	vld.idx.msk [tilespmem:v2+s3+$0x0], $0xffff  }
0x3ad: {  	v0 =	vor.u32 v10, v45;
	v55 =	vor.u32 v58, v48;
	[tilespmem:v57+s10+$0x0] =	vst.idx.msk $0xffff, v1;
	v50 =	vld.idx.msk [tilespmem:v50+s3+$0x0], $0xffff  }
0x3ae: {  	v1 =	vor.u32 v10, v46;
	v56 =	vor.u32 v58, v49;
	v51 =	vld.idx.msk [tilespmem:v51+s3+$0x0], $0xffff  }
0x3af: {  	v57 =	vor.u32 v10, v47;
	v10 =	vld [tilespmem:$0x1FA10]  }
0x3b0: {  	[tilespmem:v52+s10+$0x0] =	vst.idx.msk $0xffff, v3  }
0x3b1: {  	[tilespmem:v54+s10+$0x0] =	vst.idx.msk $0xffff, v2;
	v3 =	vld.idx.msk [tilespmem:v53+s3+$0x0], $0xffff  }
0x3b2: {  	[tilespmem:v55+s10+$0x0] =	vst.idx.msk $0xffff, v50;
	v0 =	vld.idx.msk [tilespmem:v0+s3+$0x0], $0xffff  }
0x3b3: {  	[tilespmem:v56+s10+$0x0] =	vst.idx.msk $0xffff, v51;
	v1 =	vld.idx.msk [tilespmem:v1+s3+$0x0], $0xffff  }
0x3b4: {  	v52 =	vor.u32 v14, v42;
	v2 =	vor.u32 v10, v43;
	v55 =	vld.idx.msk [tilespmem:v57+s3+$0x0], $0xffff  }
0x3b5: {  	v54 =	vor.u32 v14, v48;
	v56 =	vor.u32 v14, v49;
	v53 =	vor.u32 v14, v44;
	v14 =	vld [tilespmem:$0x1FE30]  }
0x3b6: {  	v50 =	vor.u32 v10, v45;
	v51 =	vor.u32 v10, v46;
	v57 =	vor.u32 v10, v47;
	v10 =	vld [tilespmem:$0x1FA20];
	_ =	sdelay $0x2  }
0x3b7: {  	[tilespmem:v52+s10+$0x0] =	vst.idx.msk $0xffff, v3  }
0x3b8: {  	v3 =	vor.u32 v14, v42;
	[tilespmem:v53+s10+$0x0] =	vst.idx.msk $0xffff, v0;
	v2 =	vld.idx.msk [tilespmem:v2+s3+$0x0], $0xffff  }
0x3b9: {  	v0 =	vor.u32 v10, v43;
	v52 =	vor.u32 v14, v44;
	[tilespmem:v54+s10+$0x0] =	vst.idx.msk $0xffff, v1;
	v50 =	vld.idx.msk [tilespmem:v50+s3+$0x0], $0xffff  }
0x3ba: {  	v1 =	vor.u32 v10, v45;
	v53 =	vor.u32 v14, v48;
	[tilespmem:v56+s10+$0x0] =	vst.idx.msk $0xffff, v55;
	v51 =	vld.idx.msk [tilespmem:v51+s3+$0x0], $0xffff  }
0x3bb: {  	v54 =	vor.u32 v10, v46;
	v55 =	vld.idx.msk [tilespmem:v57+s3+$0x0], $0xffff  }
0x3bc: {  	v5 =	vmovc v9;
	v9 =	vmovc v17;
	v17 =	vmov v20;
	v20 =	vmov v23;
	v57 =	vor.u32 v10, v47;
	v10 =	vld [tilespmem:$0x1FA30]  }
0x3bd: {  	v23 =	vmovc v26;
	v26 =	vmov v29;
	v29 =	vmov v32;
	v32 =	vld [tilespmem:$0x1FFE0];
	v56 =	vor.u32 v14, v49;
	[tilespmem:v3+s10+$0x0] =	vst.idx.msk $0xffff, v2  }
0x3be: {  	[tilespmem:v52+s10+$0x0] =	vst.idx.msk $0xffff, v50;
	v0 =	vld.idx.msk [tilespmem:v0+s3+$0x0], $0xffff  }
0x3bf: {  	[tilespmem:v53+s10+$0x0] =	vst.idx.msk $0xffff, v51;
	v1 =	vld.idx.msk [tilespmem:v1+s3+$0x0], $0xffff  }
0x3c0: {  	v2 =	vor.u32 v36, v42;
	v50 =	vld.idx.msk [tilespmem:v54+s3+$0x0], $0xffff  }
0x3c1: {  	v3 =	vor.u32 v10, v43;
	v43 =	vor.u32 v36, v44;
	v54 =	vld [tilespmem:$0x1FFA0]  }
0x3c2: {  	v63 =	vld [tilespmem:$0x1FF80];
	v45 =	vor.u32 v10, v45;
	[tilespmem:v56+s10+$0x0] =	vst.idx.msk $0xffff, v55;
	v51 =	vor.u32 v36, v48  }
0x3c3: {  	v58 =	vor.u32 v36, v49;
	v46 =	vor.u32 v10, v46;
	v52 =	vld.idx.msk [tilespmem:v57+s3+$0x0], $0xffff  }
0x3c4: {  	v62 =	vld [tilespmem:$0x1FF70];
	v47 =	vor.u32 v10, v47  }
0x3c5: {  	v60 =	vld [tilespmem:$0x1FF60];
	[tilespmem:v2+s10+$0x0] =	vst.idx.msk $0xffff, v0  }
0x3c6: {  	[tilespmem:v43+s10+$0x0] =	vst.idx.msk $0xffff, v1;
	v1 =	vor.u32 v54, v42;
	v0 =	vld.idx.msk [tilespmem:v3+s3+$0x0], $0xffff  }
0x3c7: {  	[tilespmem:v51+s10+$0x0] =	vst.idx.msk $0xffff, v50;
	v2 =	vld.idx.msk [tilespmem:v45+s3+$0x0], $0xffff;
	v3 =	vor.u32 v54, v44  }
0x3c8: {  	s15 =	sadd.s32 $0x4, s15;
	[tilespmem:v58+s10+$0x0] =	vst.idx.msk $0xffff, v52;
	v51 =	vor.u32 v54, v48;
	v50 =	vld.idx.msk [tilespmem:v46+s3+$0x0], $0xffff  }
0x3c9: {  	p0 =	slt.u32 s15, $0x1C;
	v4 =	vmov v8;
	v8 =	vmov v16;
	v55 =	vor.u32 v54, v49;
	v52 =	vld.idx.msk [tilespmem:v47+s3+$0x0], $0xffff  }
.Ltmp0:
0x3ca: {  	v16 =	vmovc v19;
	v19 =	vmovc v22;
	v22 =	vmov v25;
	v25 =	vmov v28;
	v28 =	vmov v31;
	v31 =	vld [tilespmem:$0x1FFF0];
	(pc) =	sbr.rel @p0 .LBB2_2-.Ltmp0, $4  }
0x3cb: {  	v14 =	vld [tilespmem:$0x1FFD0];
	[tilespmem:v1+s10+$0x0] =	vst.idx.msk $0xffff, v0;
	v1 =	vmov v6;
	v6 =	vmov v13  }
0x3cc: {  	v53 =	vld [tilespmem:$0x1FFB0];
	v13 =	vmovc v39;
	v39 =	vmovc v7;
	v7 =	vmov v15;
	v15 =	vmov v18;
	v18 =	vmov v21;
	[tilespmem:v3+s10+$0x0] =	vst.idx.msk $0xffff, v2  }
0x3cd: {  	v10 =	vld [tilespmem:$0x1FFC0];
	v21 =	vmovc v24;
	v24 =	vmovc v27;
	v27 =	vmov v30;
	v3 =	vmov v61;
	v61 =	vmov v12;
	[tilespmem:v51+s10+$0x0] =	vst.idx.msk $0xffff, v50  }
0x3ce: {  	s17 =	sadd.s32 $0x40, s17;
	s16 =	sadd.s32 $0x40, s16;
	v57 =	vld [tilespmem:$0x1FF50];
	v12 =	vmovc v38;
	v38 =	vmovc v41;
	v2 =	vmov v59;
	v59 =	vmov v11;
	v11 =	vmov v37;
	[tilespmem:v55+s10+$0x0] =	vst.idx.msk $0xffff, v52  }
0x3cf: {  	s14 =	sadd.s32 $0x1, s14  }
0x3d0: {  	p0 =	sne.s32 s14, s7  }
.Ltmp1:
0x3d1: {  	_ = 	snop;
	(pc) =	sbr.rel @p0 .LBB2_1-.Ltmp1, $4  }
0x3d2: {  	[hbm4b:s6+s11] =	stream.strided.scatter [tilespmem:s10], [sflag:$0x3], $0x8000, s12, s11, $0x38;
	[tilespmem:$0x18200] =	vst v63  }
0x3d3: {  	_ =	swait.ge [sflag:s13], $0x8000  }
0x3d4: {  	[sflag:s13] =	ssyncset.done $0x0  }
0x3d5: {  	[sflag:s13] =	ssyncadd.s32 $0xFFFF8000  }
0x3d6: {  	_ =	sfence.sel $0x180000  }
0x3d7: {  	[bflag:$0x0] =	sbarrier.arrive $0xFFFF  }
0x3d8: {  	p0 =	sne.s32 s0, $0x0;
	_ =	strace $0x90000047  }
0x3d9: {  	s0 =	sadd.s32 @!p0 $0x100000, s2;
	[bflag:$0x2] =	sbarrier.arrive $0xFFFF  }
0x3da: {  	[sflag:s0] =	ssyncadd.tile.s32 @!p0 $0x1;
	_ =	shalt  }
.Lfunc_end2:
_tile_overlayer_lowered:
.L_overlay_start_2:
0x3db: {  	(tag) =	ssettag $0x2  }
0x3dc: {  	s0 =	rddreg [dreg:$0x0];
	s2 =	stileid.u32  }
0x3dd: {  	s1 =	rddreg [dreg:$0x1];
	p0 =	sne.s32 s2, $0x0  }
0x3de: {  	s3 =	rddreg [dreg:$0x2];
	[bflag:$0x3] =	sbarrier.arrive $0xFFFF;
	s2 =	simm.s32 @!p0 $0x1C03  }
0x3df: {  	[timem:s3], [sflag:s2] =	dma.local @!p0 [hbm:s0], s1  }
0x3e0: {  	s0 =	simm.s32 @!p0 $0x3  }
0x3e1: {  	_ =	swait.ge @!p0 [sflag:s0], s1  }
0x3e2: {  	s1 =	ssub.s32 @!p0 $0x0, s1;
	[sflag:s0] =	ssyncset.done @!p0 $0x0  }
0x3e3: {  	[sflag:s0] =	ssyncadd.s32 @!p0 s1  }
0x3e4: {  	[bflag:$0x3] =	sbarrier.arrive $0xFFFF  }
0x3e5: {  	_ =	shalt  }

</sc_bundles>
